<compile_context>
chip_gen: v7x
topology: tpu7x:2x2x1
jax: 0.10.2.dev20260603
libtpu: 0.0.44.dev20260713+nightly
codegen_flags: <defaults>
</compile_context>

<pallas_src>
import jax
import jax.numpy as jnp
from jax import lax
from jax.experimental import pallas as pl
from jax.experimental.pallas import tpu as pltpu
from jax.experimental.pallas import tpu_sc as plsc

N = 1000
B = 16384
NC = 2
NS = 16
NW = NC * NS
BPW = B // NW
CHUNK = 128
NCH = BPW // CHUNK
NV = BPW // 16
def _sc_body(a_hbm, b_hbm, wab_hbm, wba_hbm,
             outA_hbm, outB_hbm,
             a_v, b_v, idxA, idxB, gA, gB,
             accA_v, accB_v, sem):
    wid = lax.axis_index("s") * NC + lax.axis_index("c")
    base = wid * BPW
    pltpu.sync_copy(a_hbm.at[pl.ds(base, BPW)], a_v)
    pltpu.sync_copy(b_hbm.at[pl.ds(base, BPW)], b_v)
    for j in range(NV):
        a16 = a_v[pl.ds(16 * j, 16)]
        b16 = b_v[pl.ds(16 * j, 16)]
        idxA[j // 8, pl.ds(16 * (j % 8), 16)] = a16 * N + b16
        idxB[j // 8, pl.ds(16 * (j % 8), 16)] = b16 * N + a16
    copies = []
    for c in range(NCH):
        copies.append(pltpu.async_copy(wab_hbm.at[idxA.at[c]], gA.at[c], sem))
        copies.append(pltpu.async_copy(wba_hbm.at[idxB.at[c]], gB.at[c], sem))
    for cp in copies:
        cp.wait()
    accA = jnp.zeros((16,), jnp.float32)
    accB = jnp.zeros((16,), jnp.float32)
    for j in range(NV):
        r, s = j // 8, pl.ds(16 * (j % 8), 16)
        accA = accA + gA[r, s]
        accB = accB + gB[r, s]
    accA_v[:] = accA
    accB_v[:] = accB
    pltpu.sync_copy(accA_v, outA_hbm.at[wid])
    pltpu.sync_copy(accB_v, outB_hbm.at[wid])


_sc_call = pl.kernel(
    _sc_body,
    out_type=(
        jax.ShapeDtypeStruct((NW, 16), jnp.float32),
        jax.ShapeDtypeStruct((NW, 16), jnp.float32),
    ),
    mesh=plsc.VectorSubcoreMesh(core_axis_name="c", subcore_axis_name="s"),
    scratch_types=(
        pltpu.VMEM((BPW,), jnp.int32),
        pltpu.VMEM((BPW,), jnp.int32),
        pltpu.VMEM((NCH, CHUNK), jnp.int32),
        pltpu.VMEM((NCH, CHUNK), jnp.int32),
        pltpu.VMEM((NCH, CHUNK), jnp.float32),
        pltpu.VMEM((NCH, CHUNK), jnp.float32),
        pltpu.VMEM((16,), jnp.float32),
        pltpu.VMEM((16,), jnp.float32),
        pltpu.SemaphoreType.DMA,
    ),
)


def _count_dot(v, tpad):
    q = jnp.right_shift(v, 5)
    s = jnp.bitwise_and(v, 31)
    lvl = lax.broadcasted_iota(jnp.int32, (32, B), 0)
    oh_q = (q[None, :] == lvl).astype(jnp.float32)
    oh_s = (s[None, :] == lvl).astype(jnp.float32)
    cnt = lax.dot_general(oh_q, oh_s, (((1,), (1,)), ((), ())),
                          preferred_element_type=jnp.float32)
    acc = jnp.zeros((32,), jnp.float32)
    for qq in range(32):
        acc = acc + cnt[qq, :] * tpad[32 * qq:32 * qq + 32]
    return jnp.sum(acc)


def _dense_body(a_ref, b_ref, wmA_ref, cab_ref, wmB_ref, cba_ref, d_ref):
    def t_for(wm, c):
        m = jnp.max(c, axis=1)
        lse = jnp.log(jnp.sum(jnp.exp(c - m[:, None]), axis=1)) + m
        mm = jnp.max(wm)
        lse_m = jnp.log(jnp.sum(jnp.exp(wm - mm))) + mm
        return wm - lse_m - lse

    zpad = jnp.zeros((24,), jnp.float32)
    tpadA = jnp.concatenate([t_for(wmA_ref[:], cab_ref[:]), zpad])
    tpadB = jnp.concatenate([t_for(wmB_ref[:], cba_ref[:]), zpad])
    d_ref[:, :] = jnp.stack(
        [_count_dot(a_ref[:], tpadA), _count_dot(b_ref[:], tpadB)]
    ).reshape(1, 2)


_dense_call = pl.pallas_call(
    _dense_body,
    out_shape=jax.ShapeDtypeStruct((1, 2), jnp.float32),
)


def _final_body(w_ref, d_ref, pA_ref, pB_ref, out_ref):
    S_AB = d_ref[0, 0] + jnp.sum(pA_ref[:])
    S_BA = d_ref[0, 1] + jnp.sum(pB_ref[:])
    wv = w_ref[:, :]
    la = -jnp.log(1.0 + jnp.exp(-wv))
    l1a = -jnp.log(1.0 + jnp.exp(wv))
    x = la + S_AB
    y = l1a + S_BA
    m = jnp.maximum(x, y)
    out_ref[:, :] = m + jnp.log(jnp.exp(x - m) + jnp.exp(y - m))


_final_call = pl.pallas_call(
    _final_body,
    out_shape=jax.ShapeDtypeStruct((1, 1), jnp.float32),
)


def kernel(inputs, w, w_mA, w_cAB, w_mB, w_cBA):
    a = inputs[:, 0]
    b = inputs[:, 1]
    outA, outB = _sc_call(a, b, w_cAB.reshape(-1), w_cBA.reshape(-1))
    dots = _dense_call(a, b, w_mA, w_cAB, w_mB, w_cBA)
    res = _final_call(jnp.reshape(w, (1, 1)), dots, outA, outB)
    return jnp.reshape(res, ())

# --- scband reference (transcript-rebuilt; emitter-appended) ---
"""Pipeline reference for scband-structural-model-69750268887474 (READ-ONLY COPY).

The authoritative reference and input builder live on the scoring server;
editing this copy changes nothing except your own understanding.
"""

import jax, jax.numpy as jnp
import numpy as np
from jax.scipy.special import logsumexp

N = 1000
B = 16384

def setup_inputs(seed: int = 0) -> dict:
    key = jax.random.key(seed)
    k1, k2, k3, k4, k5, k6 = jax.random.split(key, 6)
    inputs = jax.random.randint(k1, (B, 2), 0, N, dtype=jnp.int32)
    w = jax.random.normal(k2, (), dtype=jnp.float32) * 0.1
    w_mA = jax.random.normal(k3, (N,), dtype=jnp.float32) * 0.1
    w_cAB = jax.random.normal(k4, (N, N), dtype=jnp.float32) * 0.1
    w_mB = jax.random.normal(k5, (N,), dtype=jnp.float32) * 0.1
    w_cBA = jax.random.normal(k6, (N, N), dtype=jnp.float32) * 0.1
    return {"inputs": inputs, "w": w, "w_mA": w_mA, "w_cAB": w_cAB, "w_mB": w_mB, "w_cBA": w_cBA}

def reference(inputs, w, w_mA, w_cAB, w_mB, w_cBA):
    a = inputs[:, 0]
    b = inputs[:, 1]
    # Model A->B: p_A(a) + p_B|A(b | a)
    marg_A = w_mA[a] - logsumexp(w_mA, axis=0)
    rows_AB = jnp.take(w_cAB, a, axis=0)            # gather [B, N]
    cond_B_A = rows_AB[jnp.arange(a.shape[0]), b] - logsumexp(rows_AB, axis=1)
    logl_A_B = marg_A + cond_B_A
    # Model B->A: p_B(b) + p_A|B(a | b)
    marg_B = w_mB[b] - logsumexp(w_mB, axis=0)
    rows_BA = jnp.take(w_cBA, b, axis=0)            # gather [B, N]
    cond_A_B = rows_BA[jnp.arange(b.shape[0]), a] - logsumexp(rows_BA, axis=1)
    logl_B_A = marg_B + cond_A_B
    # online log-likelihood with structural parameter w
    log_alpha = jax.nn.log_sigmoid(w)
    log_1_m_alpha = jax.nn.log_sigmoid(-w)
    return jnp.logaddexp(log_alpha + jnp.sum(logl_A_B), log_1_m_alpha + jnp.sum(logl_B_A))

if __name__ == "__main__":
    import jax
    _d = setup_inputs()
    print(jax.jit(kernel)(*tuple(_d.values())))

</pallas_src>

<mosaic_0001>
#map = affine_map<(d0, d1) -> (0)>
#map1 = affine_map<(d0, d1) -> (0, 0)>
module attributes {stable_mosaic.version = 14 : i64} {
  func.func @_sc_body(%arg0: i32, %arg1: i32, %arg2: memref<16384xi32, #tpu.memory_space<hbm>>, %arg3: memref<16384xi32, #tpu.memory_space<hbm>>, %arg4: memref<1000000xf32, #tpu.memory_space<hbm>>, %arg5: memref<1000000xf32, #tpu.memory_space<hbm>>, %arg6: memref<32x16xf32, #tpu.memory_space<hbm>>, %arg7: memref<32x16xf32, #tpu.memory_space<hbm>>, %arg8: memref<512xi32, #tpu.memory_space<vmem>>, %arg9: memref<512xi32, #tpu.memory_space<vmem>>, %arg10: memref<4x128xi32, #tpu.memory_space<vmem>>, %arg11: memref<4x128xi32, #tpu.memory_space<vmem>>, %arg12: memref<4x128xf32, #tpu.memory_space<vmem>>, %arg13: memref<4x128xf32, #tpu.memory_space<vmem>>, %arg14: memref<16xf32, #tpu.memory_space<vmem>>, %arg15: memref<16xf32, #tpu.memory_space<vmem>>, %arg16: memref<!tpu.dma_semaphore, #tpu.memory_space<semaphore_mem>>) attributes {dimension_semantics = [#tpu.dimension_semantics<core_parallel>, #tpu.dimension_semantics<subcore_parallel>], iteration_bounds = array<i64: 2, 16>, scalar_prefetch = 0 : i64, scratch_operands = 9 : i64, tpu.core_type = #tpu.core_type<sc_vector_subcore>, window_params = [{transform_indices = #map}, {transform_indices = #map}, {transform_indices = #map}, {transform_indices = #map}, {transform_indices = #map1}, {transform_indices = #map1}]} {
    %mul3A = arith.constant 2 : i32
    %mul3A_0 = arith.muli %arg1, %mul3A : i32
    %add3A = arith.addi %mul3A_0, %arg0 : i32
    %mul3A_1 = arith.constant 512 : i32
    %mul3A_2 = arith.muli %add3A, %mul3A_1 : i32
    "tpu.region"() ({
      %run_scoped3A = tpu.sem_alloc : memref<!tpu.dma_semaphore, #tpu.memory_space<semaphore_mem>>
      %dma_start3A_1386 = tpu.memref_slice %arg2[%mul3A_2] : memref<16384xi32, #tpu.memory_space<hbm>> -> memref<512xi32, #tpu.memory_space<hbm>>
      %dma_start3A_1387 = tpu.memref_slice %arg2[%mul3A_2] : memref<16384xi32, #tpu.memory_space<hbm>> -> memref<512xi32, #tpu.memory_space<hbm>>
      tpu.enqueue_dma source(%dma_start3A_1387 : memref<512xi32, #tpu.memory_space<hbm>>) target(%arg8 : memref<512xi32, #tpu.memory_space<vmem>>) target_semaphore(%run_scoped3A : memref<!tpu.dma_semaphore, #tpu.memory_space<semaphore_mem>>)
      %dma_wait3A_1388 = tpu.memref_slice %arg2[%mul3A_2] : memref<16384xi32, #tpu.memory_space<hbm>> -> memref<512xi32, #tpu.memory_space<hbm>>
      %dma_wait3A_1389 = tpu.memref_slice %arg2[%mul3A_2] : memref<16384xi32, #tpu.memory_space<hbm>> -> memref<512xi32, #tpu.memory_space<hbm>>
      tpu.wait_dma2 semaphore(%run_scoped3A : memref<!tpu.dma_semaphore, #tpu.memory_space<semaphore_mem>>) src(%dma_wait3A_1389 : memref<512xi32, #tpu.memory_space<hbm>>) dst(%arg8 : memref<512xi32, #tpu.memory_space<vmem>>)
      tpu.yield
    }) : () -> ()
    "tpu.region"() ({
      %run_scoped3A = tpu.sem_alloc : memref<!tpu.dma_semaphore, #tpu.memory_space<semaphore_mem>>
      %dma_start3A_1386 = tpu.memref_slice %arg3[%mul3A_2] : memref<16384xi32, #tpu.memory_space<hbm>> -> memref<512xi32, #tpu.memory_space<hbm>>
      %dma_start3A_1387 = tpu.memref_slice %arg3[%mul3A_2] : memref<16384xi32, #tpu.memory_space<hbm>> -> memref<512xi32, #tpu.memory_space<hbm>>
      tpu.enqueue_dma source(%dma_start3A_1387 : memref<512xi32, #tpu.memory_space<hbm>>) target(%arg9 : memref<512xi32, #tpu.memory_space<vmem>>) target_semaphore(%run_scoped3A : memref<!tpu.dma_semaphore, #tpu.memory_space<semaphore_mem>>)
      %dma_wait3A_1388 = tpu.memref_slice %arg3[%mul3A_2] : memref<16384xi32, #tpu.memory_space<hbm>> -> memref<512xi32, #tpu.memory_space<hbm>>
      %dma_wait3A_1389 = tpu.memref_slice %arg3[%mul3A_2] : memref<16384xi32, #tpu.memory_space<hbm>> -> memref<512xi32, #tpu.memory_space<hbm>>
      tpu.wait_dma2 semaphore(%run_scoped3A : memref<!tpu.dma_semaphore, #tpu.memory_space<semaphore_mem>>) src(%dma_wait3A_1389 : memref<512xi32, #tpu.memory_space<hbm>>) dst(%arg9 : memref<512xi32, #tpu.memory_space<vmem>>)
      tpu.yield
    }) : () -> ()
    %get3A = arith.constant 0 : index
    %get3A_3 = tpu.vector_load %arg8[%get3A] {strides = array<i32>} : memref<512xi32, #tpu.memory_space<vmem>>, vector<16xi32>,
    %get3A_4 = vector.shape_cast %get3A_3 : vector<16xi32> to vector<16xi32>
    %get3A_5 = arith.constant 0 : index
    %get3A_6 = tpu.vector_load %arg9[%get3A_5] {strides = array<i32>} : memref<512xi32, #tpu.memory_space<vmem>>, vector<16xi32>,
    %get3A_7 = vector.shape_cast %get3A_6 : vector<16xi32> to vector<16xi32>
    %mul3A_8 = arith.constant 1000 : i32
    %mul3A_9 = vector.broadcast %mul3A_8 : i32 to vector<16xi32>
    %mul3A_10 = arith.muli %get3A_4, %mul3A_9 : vector<16xi32>
    %add3A_11 = arith.addi %mul3A_10, %get3A_7 : vector<16xi32>
    %swap3A = arith.constant 0 : i32
    %swap3A_12 = arith.index_cast %swap3A : i32 to index
    %swap3A_13 = arith.constant 0 : index
    %swap3A_14 = tpu.vector_load %arg10[%swap3A_12, %swap3A_13] {strides = array<i32>} : memref<4x128xi32, #tpu.memory_space<vmem>>, vector<1x16xi32>,
    %swap3A_15 = vector.shape_cast %swap3A_14 : vector<1x16xi32> to vector<16xi32>
    %swap3A_16 = vector.shape_cast %add3A_11 : vector<16xi32> to vector<1x16xi32>
    tpu.vector_store %arg10[%swap3A_12, %swap3A_13], %swap3A_16 {strides = array<i32>} : memref<4x128xi32, #tpu.memory_space<vmem>>, vector<1x16xi32>,
    %mul3A_17 = arith.constant 1000 : i32
    %mul3A_18 = vector.broadcast %mul3A_17 : i32 to vector<16xi32>
    %mul3A_19 = arith.muli %get3A_7, %mul3A_18 : vector<16xi32>
    %add3A_20 = arith.addi %mul3A_19, %get3A_4 : vector<16xi32>
    %swap3A_21 = arith.constant 0 : i32
    %swap3A_22 = arith.index_cast %swap3A_21 : i32 to index
    %swap3A_23 = arith.constant 0 : index
    %swap3A_24 = tpu.vector_load %arg11[%swap3A_22, %swap3A_23] {strides = array<i32>} : memref<4x128xi32, #tpu.memory_space<vmem>>, vector<1x16xi32>,
    %swap3A_25 = vector.shape_cast %swap3A_24 : vector<1x16xi32> to vector<16xi32>
    %swap3A_26 = vector.shape_cast %add3A_20 : vector<16xi32> to vector<1x16xi32>
    tpu.vector_store %arg11[%swap3A_22, %swap3A_23], %swap3A_26 {strides = array<i32>} : memref<4x128xi32, #tpu.memory_space<vmem>>, vector<1x16xi32>,
    %get3A_27 = arith.constant 16 : index
    %get3A_28 = tpu.vector_load %arg8[%get3A_27] {strides = array<i32>} : memref<512xi32, #tpu.memory_space<vmem>>, vector<16xi32>,
    %get3A_29 = vector.shape_cast %get3A_28 : vector<16xi32> to vector<16xi32>
    %get3A_30 = arith.constant 16 : index
    %get3A_31 = tpu.vector_load %arg9[%get3A_30] {strides = array<i32>} : memref<512xi32, #tpu.memory_space<vmem>>, vector<16xi32>,
    %get3A_32 = vector.shape_cast %get3A_31 : vector<16xi32> to vector<16xi32>
    %mul3A_33 = arith.constant 1000 : i32
    %mul3A_34 = vector.broadcast %mul3A_33 : i32 to vector<16xi32>
    %mul3A_35 = arith.muli %get3A_29, %mul3A_34 : vector<16xi32>
    %add3A_36 = arith.addi %mul3A_35, %get3A_32 : vector<16xi32>
    %swap3A_37 = arith.constant 0 : i32
    %swap3A_38 = arith.index_cast %swap3A_37 : i32 to index
    %swap3A_39 = arith.constant 16 : index
    %swap3A_40 = tpu.vector_load %arg10[%swap3A_38, %swap3A_39] {strides = array<i32>} : memref<4x128xi32, #tpu.memory_space<vmem>>, vector<1x16xi32>,
    %swap3A_41 = vector.shape_cast %swap3A_40 : vector<1x16xi32> to vector<16xi32>
    %swap3A_42 = vector.shape_cast %add3A_36 : vector<16xi32> to vector<1x16xi32>
    tpu.vector_store %arg10[%swap3A_38, %swap3A_39], %swap3A_42 {strides = array<i32>} : memref<4x128xi32, #tpu.memory_space<vmem>>, vector<1x16xi32>,
    %mul3A_43 = arith.constant 1000 : i32
    %mul3A_44 = vector.broadcast %mul3A_43 : i32 to vector<16xi32>
    %mul3A_45 = arith.muli %get3A_32, %mul3A_44 : vector<16xi32>
    %add3A_46 = arith.addi %mul3A_45, %get3A_29 : vector<16xi32>
    %swap3A_47 = arith.constant 0 : i32
    %swap3A_48 = arith.index_cast %swap3A_47 : i32 to index
    %swap3A_49 = arith.constant 16 : index
    %swap3A_50 = tpu.vector_load %arg11[%swap3A_48, %swap3A_49] {strides = array<i32>} : memref<4x128xi32, #tpu.memory_space<vmem>>, vector<1x16xi32>,
    %swap3A_51 = vector.shape_cast %swap3A_50 : vector<1x16xi32> to vector<16xi32>
    %swap3A_52 = vector.shape_cast %add3A_46 : vector<16xi32> to vector<1x16xi32>
    tpu.vector_store %arg11[%swap3A_48, %swap3A_49], %swap3A_52 {strides = array<i32>} : memref<4x128xi32, #tpu.memory_space<vmem>>, vector<1x16xi32>,
    %get3A_53 = arith.constant 32 : index
    %get3A_54 = tpu.vector_load %arg8[%get3A_53] {strides = array<i32>} : memref<512xi32, #tpu.memory_space<vmem>>, vector<16xi32>,
    %get3A_55 = vector.shape_cast %get3A_54 : vector<16xi32> to vector<16xi32>
    %get3A_56 = arith.constant 32 : index
    %get3A_57 = tpu.vector_load %arg9[%get3A_56] {strides = array<i32>} : memref<512xi32, #tpu.memory_space<vmem>>, vector<16xi32>,
    %get3A_58 = vector.shape_cast %get3A_57 : vector<16xi32> to vector<16xi32>
    %mul3A_59 = arith.constant 1000 : i32
    %mul3A_60 = vector.broadcast %mul3A_59 : i32 to vector<16xi32>
    %mul3A_61 = arith.muli %get3A_55, %mul3A_60 : vector<16xi32>
    %add3A_62 = arith.addi %mul3A_61, %get3A_58 : vector<16xi32>
    %swap3A_63 = arith.constant 0 : i32
    %swap3A_64 = arith.index_cast %swap3A_63 : i32 to index
    %swap3A_65 = arith.constant 32 : index
    %swap3A_66 = tpu.vector_load %arg10[%swap3A_64, %swap3A_65] {strides = array<i32>} : memref<4x128xi32, #tpu.memory_space<vmem>>, vector<1x16xi32>,
    %swap3A_67 = vector.shape_cast %swap3A_66 : vector<1x16xi32> to vector<16xi32>
    %swap3A_68 = vector.shape_cast %add3A_62 : vector<16xi32> to vector<1x16xi32>
    tpu.vector_store %arg10[%swap3A_64, %swap3A_65], %swap3A_68 {strides = array<i32>} : memref<4x128xi32, #tpu.memory_space<vmem>>, vector<1x16xi32>,
    %mul3A_69 = arith.constant 1000 : i32
    %mul3A_70 = vector.broadcast %mul3A_69 : i32 to vector<16xi32>
    %mul3A_71 = arith.muli %get3A_58, %mul3A_70 : vector<16xi32>
    %add3A_72 = arith.addi %mul3A_71, %get3A_55 : vector<16xi32>
    %swap3A_73 = arith.constant 0 : i32
    %swap3A_74 = arith.index_cast %swap3A_73 : i32 to index
    %swap3A_75 = arith.constant 32 : index
    %swap3A_76 = tpu.vector_load %arg11[%swap3A_74, %swap3A_75] {strides = array<i32>} : memref<4x128xi32, #tpu.memory_space<vmem>>, vector<1x16xi32>,
    %swap3A_77 = vector.shape_cast %swap3A_76 : vector<1x16xi32> to vector<16xi32>
    %swap3A_78 = vector.shape_cast %add3A_72 : vector<16xi32> to vector<1x16xi32>
    tpu.vector_store %arg11[%swap3A_74, %swap3A_75], %swap3A_78 {strides = array<i32>} : memref<4x128xi32, #tpu.memory_space<vmem>>, vector<1x16xi32>,
    %get3A_79 = arith.constant 48 : index
    %get3A_80 = tpu.vector_load %arg8[%get3A_79] {strides = array<i32>} : memref<512xi32, #tpu.memory_space<vmem>>, vector<16xi32>,
    %get3A_81 = vector.shape_cast %get3A_80 : vector<16xi32> to vector<16xi32>
    %get3A_82 = arith.constant 48 : index
    %get3A_83 = tpu.vector_load %arg9[%get3A_82] {strides = array<i32>} : memref<512xi32, #tpu.memory_space<vmem>>, vector<16xi32>,
    %get3A_84 = vector.shape_cast %get3A_83 : vector<16xi32> to vector<16xi32>
    %mul3A_85 = arith.constant 1000 : i32
    %mul3A_86 = vector.broadcast %mul3A_85 : i32 to vector<16xi32>
    %mul3A_87 = arith.muli %get3A_81, %mul3A_86 : vector<16xi32>
    %add3A_88 = arith.addi %mul3A_87, %get3A_84 : vector<16xi32>
    %swap3A_89 = arith.constant 0 : i32
    %swap3A_90 = arith.index_cast %swap3A_89 : i32 to index
    %swap3A_91 = arith.constant 48 : index
    %swap3A_92 = tpu.vector_load %arg10[%swap3A_90, %swap3A_91] {strides = array<i32>} : memref<4x128xi32, #tpu.memory_space<vmem>>, vector<1x16xi32>,
    %swap3A_93 = vector.shape_cast %swap3A_92 : vector<1x16xi32> to vector<16xi32>
    %swap3A_94 = vector.shape_cast %add3A_88 : vector<16xi32> to vector<1x16xi32>
    tpu.vector_store %arg10[%swap3A_90, %swap3A_91], %swap3A_94 {strides = array<i32>} : memref<4x128xi32, #tpu.memory_space<vmem>>, vector<1x16xi32>,
    %mul3A_95 = arith.constant 1000 : i32
    %mul3A_96 = vector.broadcast %mul3A_95 : i32 to vector<16xi32>
    %mul3A_97 = arith.muli %get3A_84, %mul3A_96 : vector<16xi32>
    %add3A_98 = arith.addi %mul3A_97, %get3A_81 : vector<16xi32>
    %swap3A_99 = arith.constant 0 : i32
    %swap3A_100 = arith.index_cast %swap3A_99 : i32 to index
    %swap3A_101 = arith.constant 48 : index
    %swap3A_102 = tpu.vector_load %arg11[%swap3A_100, %swap3A_101] {strides = array<i32>} : memref<4x128xi32, #tpu.memory_space<vmem>>, vector<1x16xi32>,
    %swap3A_103 = vector.shape_cast %swap3A_102 : vector<1x16xi32> to vector<16xi32>
    %swap3A_104 = vector.shape_cast %add3A_98 : vector<16xi32> to vector<1x16xi32>
    tpu.vector_store %arg11[%swap3A_100, %swap3A_101], %swap3A_104 {strides = array<i32>} : memref<4x128xi32, #tpu.memory_space<vmem>>, vector<1x16xi32>,
    %get3A_105 = arith.constant 64 : index
    %get3A_106 = tpu.vector_load %arg8[%get3A_105] {strides = array<i32>} : memref<512xi32, #tpu.memory_space<vmem>>, vector<16xi32>,
    %get3A_107 = vector.shape_cast %get3A_106 : vector<16xi32> to vector<16xi32>
    %get3A_108 = arith.constant 64 : index
    %get3A_109 = tpu.vector_load %arg9[%get3A_108] {strides = array<i32>} : memref<512xi32, #tpu.memory_space<vmem>>, vector<16xi32>,
    %get3A_110 = vector.shape_cast %get3A_109 : vector<16xi32> to vector<16xi32>
    %mul3A_111 = arith.constant 1000 : i32
    %mul3A_112 = vector.broadcast %mul3A_111 : i32 to vector<16xi32>
    %mul3A_113 = arith.muli %get3A_107, %mul3A_112 : vector<16xi32>
    %add3A_114 = arith.addi %mul3A_113, %get3A_110 : vector<16xi32>
    %swap3A_115 = arith.constant 0 : i32
    %swap3A_116 = arith.index_cast %swap3A_115 : i32 to index
    %swap3A_117 = arith.constant 64 : index
    %swap3A_118 = tpu.vector_load %arg10[%swap3A_116, %swap3A_117] {strides = array<i32>} : memref<4x128xi32, #tpu.memory_space<vmem>>, vector<1x16xi32>,
    %swap3A_119 = vector.shape_cast %swap3A_118 : vector<1x16xi32> to vector<16xi32>
    %swap3A_120 = vector.shape_cast %add3A_114 : vector<16xi32> to vector<1x16xi32>
    tpu.vector_store %arg10[%swap3A_116, %swap3A_117], %swap3A_120 {strides = array<i32>} : memref<4x128xi32, #tpu.memory_space<vmem>>, vector<1x16xi32>,
    %mul3A_121 = arith.constant 1000 : i32
    %mul3A_122 = vector.broadcast %mul3A_121 : i32 to vector<16xi32>
    %mul3A_123 = arith.muli %get3A_110, %mul3A_122 : vector<16xi32>
    %add3A_124 = arith.addi %mul3A_123, %get3A_107 : vector<16xi32>
    %swap3A_125 = arith.constant 0 : i32
    %swap3A_126 = arith.index_cast %swap3A_125 : i32 to index
    %swap3A_127 = arith.constant 64 : index
    %swap3A_128 = tpu.vector_load %arg11[%swap3A_126, %swap3A_127] {strides = array<i32>} : memref<4x128xi32, #tpu.memory_space<vmem>>, vector<1x16xi32>,
    %swap3A_129 = vector.shape_cast %swap3A_128 : vector<1x16xi32> to vector<16xi32>
    %swap3A_130 = vector.shape_cast %add3A_124 : vector<16xi32> to vector<1x16xi32>
    tpu.vector_store %arg11[%swap3A_126, %swap3A_127], %swap3A_130 {strides = array<i32>} : memref<4x128xi32, #tpu.memory_space<vmem>>, vector<1x16xi32>,
    %get3A_131 = arith.constant 80 : index
    %get3A_132 = tpu.vector_load %arg8[%get3A_131] {strides = array<i32>} : memref<512xi32, #tpu.memory_space<vmem>>, vector<16xi32>,
    %get3A_133 = vector.shape_cast %get3A_132 : vector<16xi32> to vector<16xi32>
    %get3A_134 = arith.constant 80 : index
    %get3A_135 = tpu.vector_load %arg9[%get3A_134] {strides = array<i32>} : memref<512xi32, #tpu.memory_space<vmem>>, vector<16xi32>,
    %get3A_136 = vector.shape_cast %get3A_135 : vector<16xi32> to vector<16xi32>
    %mul3A_137 = arith.constant 1000 : i32
    %mul3A_138 = vector.broadcast %mul3A_137 : i32 to vector<16xi32>
    %mul3A_139 = arith.muli %get3A_133, %mul3A_138 : vector<16xi32>
    %add3A_140 = arith.addi %mul3A_139, %get3A_136 : vector<16xi32>
    %swap3A_141 = arith.constant 0 : i32
    %swap3A_142 = arith.index_cast %swap3A_141 : i32 to index
    %swap3A_143 = arith.constant 80 : index
    %swap3A_144 = tpu.vector_load %arg10[%swap3A_142, %swap3A_143] {strides = array<i32>} : memref<4x128xi32, #tpu.memory_space<vmem>>, vector<1x16xi32>,
    %swap3A_145 = vector.shape_cast %swap3A_144 : vector<1x16xi32> to vector<16xi32>
    %swap3A_146 = vector.shape_cast %add3A_140 : vector<16xi32> to vector<1x16xi32>
    tpu.vector_store %arg10[%swap3A_142, %swap3A_143], %swap3A_146 {strides = array<i32>} : memref<4x128xi32, #tpu.memory_space<vmem>>, vector<1x16xi32>,
    %mul3A_147 = arith.constant 1000 : i32
    %mul3A_148 = vector.broadcast %mul3A_147 : i32 to vector<16xi32>
    %mul3A_149 = arith.muli %get3A_136, %mul3A_148 : vector<16xi32>
    %add3A_150 = arith.addi %mul3A_149, %get3A_133 : vector<16xi32>
    %swap3A_151 = arith.constant 0 : i32
    %swap3A_152 = arith.index_cast %swap3A_151 : i32 to index
    %swap3A_153 = arith.constant 80 : index
    %swap3A_154 = tpu.vector_load %arg11[%swap3A_152, %swap3A_153] {strides = array<i32>} : memref<4x128xi32, #tpu.memory_space<vmem>>, vector<1x16xi32>,
    %swap3A_155 = vector.shape_cast %swap3A_154 : vector<1x16xi32> to vector<16xi32>
    %swap3A_156 = vector.shape_cast %add3A_150 : vector<16xi32> to vector<1x16xi32>
    tpu.vector_store %arg11[%swap3A_152, %swap3A_153], %swap3A_156 {strides = array<i32>} : memref<4x128xi32, #tpu.memory_space<vmem>>, vector<1x16xi32>,
    %get3A_157 = arith.constant 96 : index
    %get3A_158 = tpu.vector_load %arg8[%get3A_157] {strides = array<i32>} : memref<512xi32, #tpu.memory_space<vmem>>, vector<16xi32>,
    %get3A_159 = vector.shape_cast %get3A_158 : vector<16xi32> to vector<16xi32>
    %get3A_160 = arith.constant 96 : index
    %get3A_161 = tpu.vector_load %arg9[%get3A_160] {strides = array<i32>} : memref<512xi32, #tpu.memory_space<vmem>>, vector<16xi32>,
    %get3A_162 = vector.shape_cast %get3A_161 : vector<16xi32> to vector<16xi32>
    %mul3A_163 = arith.constant 1000 : i32
    %mul3A_164 = vector.broadcast %mul3A_163 : i32 to vector<16xi32>
    %mul3A_165 = arith.muli %get3A_159, %mul3A_164 : vector<16xi32>
    %add3A_166 = arith.addi %mul3A_165, %get3A_162 : vector<16xi32>
    %swap3A_167 = arith.constant 0 : i32
    %swap3A_168 = arith.index_cast %swap3A_167 : i32 to index
    %swap3A_169 = arith.constant 96 : index
    %swap3A_170 = tpu.vector_load %arg10[%swap3A_168, %swap3A_169] {strides = array<i32>} : memref<4x128xi32, #tpu.memory_space<vmem>>, vector<1x16xi32>,
    %swap3A_171 = vector.shape_cast %swap3A_170 : vector<1x16xi32> to vector<16xi32>
    %swap3A_172 = vector.shape_cast %add3A_166 : vector<16xi32> to vector<1x16xi32>
    tpu.vector_store %arg10[%swap3A_168, %swap3A_169], %swap3A_172 {strides = array<i32>} : memref<4x128xi32, #tpu.memory_space<vmem>>, vector<1x16xi32>,
    %mul3A_173 = arith.constant 1000 : i32
    %mul3A_174 = vector.broadcast %mul3A_173 : i32 to vector<16xi32>
    %mul3A_175 = arith.muli %get3A_162, %mul3A_174 : vector<16xi32>
    %add3A_176 = arith.addi %mul3A_175, %get3A_159 : vector<16xi32>
    %swap3A_177 = arith.constant 0 : i32
    %swap3A_178 = arith.index_cast %swap3A_177 : i32 to index
    %swap3A_179 = arith.constant 96 : index
    %swap3A_180 = tpu.vector_load %arg11[%swap3A_178, %swap3A_179] {strides = array<i32>} : memref<4x128xi32, #tpu.memory_space<vmem>>, vector<1x16xi32>,
    %swap3A_181 = vector.shape_cast %swap3A_180 : vector<1x16xi32> to vector<16xi32>
    %swap3A_182 = vector.shape_cast %add3A_176 : vector<16xi32> to vector<1x16xi32>
    tpu.vector_store %arg11[%swap3A_178, %swap3A_179], %swap3A_182 {strides = array<i32>} : memref<4x128xi32, #tpu.memory_space<vmem>>, vector<1x16xi32>,
    %get3A_183 = arith.constant 112 : index
    %get3A_184 = tpu.vector_load %arg8[%get3A_183] {strides = array<i32>} : memref<512xi32, #tpu.memory_space<vmem>>, vector<16xi32>,
    %get3A_185 = vector.shape_cast %get3A_184 : vector<16xi32> to vector<16xi32>
    %get3A_186 = arith.constant 112 : index
    %get3A_187 = tpu.vector_load %arg9[%get3A_186] {strides = array<i32>} : memref<512xi32, #tpu.memory_space<vmem>>, vector<16xi32>,
    %get3A_188 = vector.shape_cast %get3A_187 : vector<16xi32> to vector<16xi32>
    %mul3A_189 = arith.constant 1000 : i32
    %mul3A_190 = vector.broadcast %mul3A_189 : i32 to vector<16xi32>
    %mul3A_191 = arith.muli %get3A_185, %mul3A_190 : vector<16xi32>
    %add3A_192 = arith.addi %mul3A_191, %get3A_188 : vector<16xi32>
    %swap3A_193 = arith.constant 0 : i32
    %swap3A_194 = arith.index_cast %swap3A_193 : i32 to index
    %swap3A_195 = arith.constant 112 : index
    %swap3A_196 = tpu.vector_load %arg10[%swap3A_194, %swap3A_195] {strides = array<i32>} : memref<4x128xi32, #tpu.memory_space<vmem>>, vector<1x16xi32>,
    %swap3A_197 = vector.shape_cast %swap3A_196 : vector<1x16xi32> to vector<16xi32>
    %swap3A_198 = vector.shape_cast %add3A_192 : vector<16xi32> to vector<1x16xi32>
    tpu.vector_store %arg10[%swap3A_194, %swap3A_195], %swap3A_198 {strides = array<i32>} : memref<4x128xi32, #tpu.memory_space<vmem>>, vector<1x16xi32>,
    %mul3A_199 = arith.constant 1000 : i32
    %mul3A_200 = vector.broadcast %mul3A_199 : i32 to vector<16xi32>
    %mul3A_201 = arith.muli %get3A_188, %mul3A_200 : vector<16xi32>
    %add3A_202 = arith.addi %mul3A_201, %get3A_185 : vector<16xi32>
    %swap3A_203 = arith.constant 0 : i32
    %swap3A_204 = arith.index_cast %swap3A_203 : i32 to index
    %swap3A_205 = arith.constant 112 : index
    %swap3A_206 = tpu.vector_load %arg11[%swap3A_204, %swap3A_205] {strides = array<i32>} : memref<4x128xi32, #tpu.memory_space<vmem>>, vector<1x16xi32>,
    %swap3A_207 = vector.shape_cast %swap3A_206 : vector<1x16xi32> to vector<16xi32>
    %swap3A_208 = vector.shape_cast %add3A_202 : vector<16xi32> to vector<1x16xi32>
    tpu.vector_store %arg11[%swap3A_204, %swap3A_205], %swap3A_208 {strides = array<i32>} : memref<4x128xi32, #tpu.memory_space<vmem>>, vector<1x16xi32>,
    %get3A_209 = arith.constant 128 : index
    %get3A_210 = tpu.vector_load %arg8[%get3A_209] {strides = array<i32>} : memref<512xi32, #tpu.memory_space<vmem>>, vector<16xi32>,
    %get3A_211 = vector.shape_cast %get3A_210 : vector<16xi32> to vector<16xi32>
    %get3A_212 = arith.constant 128 : index
    %get3A_213 = tpu.vector_load %arg9[%get3A_212] {strides = array<i32>} : memref<512xi32, #tpu.memory_space<vmem>>, vector<16xi32>,
    %get3A_214 = vector.shape_cast %get3A_213 : vector<16xi32> to vector<16xi32>
    %mul3A_215 = arith.constant 1000 : i32
    %mul3A_216 = vector.broadcast %mul3A_215 : i32 to vector<16xi32>
    %mul3A_217 = arith.muli %get3A_211, %mul3A_216 : vector<16xi32>
    %add3A_218 = arith.addi %mul3A_217, %get3A_214 : vector<16xi32>
    %swap3A_219 = arith.constant 1 : i32
    %swap3A_220 = arith.index_cast %swap3A_219 : i32 to index
    %swap3A_221 = arith.constant 0 : index
    %swap3A_222 = tpu.vector_load %arg10[%swap3A_220, %swap3A_221] {strides = array<i32>} : memref<4x128xi32, #tpu.memory_space<vmem>>, vector<1x16xi32>,
    %swap3A_223 = vector.shape_cast %swap3A_222 : vector<1x16xi32> to vector<16xi32>
    %swap3A_224 = vector.shape_cast %add3A_218 : vector<16xi32> to vector<1x16xi32>
    tpu.vector_store %arg10[%swap3A_220, %swap3A_221], %swap3A_224 {strides = array<i32>} : memref<4x128xi32, #tpu.memory_space<vmem>>, vector<1x16xi32>,
    %mul3A_225 = arith.constant 1000 : i32
    %mul3A_226 = vector.broadcast %mul3A_225 : i32 to vector<16xi32>
    %mul3A_227 = arith.muli %get3A_214, %mul3A_226 : vector<16xi32>
    %add3A_228 = arith.addi %mul3A_227, %get3A_211 : vector<16xi32>
    %swap3A_229 = arith.constant 1 : i32
    %swap3A_230 = arith.index_cast %swap3A_229 : i32 to index
    %swap3A_231 = arith.constant 0 : index
    %swap3A_232 = tpu.vector_load %arg11[%swap3A_230, %swap3A_231] {strides = array<i32>} : memref<4x128xi32, #tpu.memory_space<vmem>>, vector<1x16xi32>,
    %swap3A_233 = vector.shape_cast %swap3A_232 : vector<1x16xi32> to vector<16xi32>
    %swap3A_234 = vector.shape_cast %add3A_228 : vector<16xi32> to vector<1x16xi32>
    tpu.vector_store %arg11[%swap3A_230, %swap3A_231], %swap3A_234 {strides = array<i32>} : memref<4x128xi32, #tpu.memory_space<vmem>>, vector<1x16xi32>,
    %get3A_235 = arith.constant 144 : index
    %get3A_236 = tpu.vector_load %arg8[%get3A_235] {strides = array<i32>} : memref<512xi32, #tpu.memory_space<vmem>>, vector<16xi32>,
    %get3A_237 = vector.shape_cast %get3A_236 : vector<16xi32> to vector<16xi32>
    %get3A_238 = arith.constant 144 : index
    %get3A_239 = tpu.vector_load %arg9[%get3A_238] {strides = array<i32>} : memref<512xi32, #tpu.memory_space<vmem>>, vector<16xi32>,
    %get3A_240 = vector.shape_cast %get3A_239 : vector<16xi32> to vector<16xi32>
    %mul3A_241 = arith.constant 1000 : i32
    %mul3A_242 = vector.broadcast %mul3A_241 : i32 to vector<16xi32>
    %mul3A_243 = arith.muli %get3A_237, %mul3A_242 : vector<16xi32>
    %add3A_244 = arith.addi %mul3A_243, %get3A_240 : vector<16xi32>
    %swap3A_245 = arith.constant 1 : i32
    %swap3A_246 = arith.index_cast %swap3A_245 : i32 to index
    %swap3A_247 = arith.constant 16 : index
    %swap3A_248 = tpu.vector_load %arg10[%swap3A_246, %swap3A_247] {strides = array<i32>} : memref<4x128xi32, #tpu.memory_space<vmem>>, vector<1x16xi32>,
    %swap3A_249 = vector.shape_cast %swap3A_248 : vector<1x16xi32> to vector<16xi32>
    %swap3A_250 = vector.shape_cast %add3A_244 : vector<16xi32> to vector<1x16xi32>
    tpu.vector_store %arg10[%swap3A_246, %swap3A_247], %swap3A_250 {strides = array<i32>} : memref<4x128xi32, #tpu.memory_space<vmem>>, vector<1x16xi32>,
    %mul3A_251 = arith.constant 1000 : i32
    %mul3A_252 = vector.broadcast %mul3A_251 : i32 to vector<16xi32>
    %mul3A_253 = arith.muli %get3A_240, %mul3A_252 : vector<16xi32>
    %add3A_254 = arith.addi %mul3A_253, %get3A_237 : vector<16xi32>
    %swap3A_255 = arith.constant 1 : i32
    %swap3A_256 = arith.index_cast %swap3A_255 : i32 to index
    %swap3A_257 = arith.constant 16 : index
    %swap3A_258 = tpu.vector_load %arg11[%swap3A_256, %swap3A_257] {strides = array<i32>} : memref<4x128xi32, #tpu.memory_space<vmem>>, vector<1x16xi32>,
    %swap3A_259 = vector.shape_cast %swap3A_258 : vector<1x16xi32> to vector<16xi32>
    %swap3A_260 = vector.shape_cast %add3A_254 : vector<16xi32> to vector<1x16xi32>
    tpu.vector_store %arg11[%swap3A_256, %swap3A_257], %swap3A_260 {strides = array<i32>} : memref<4x128xi32, #tpu.memory_space<vmem>>, vector<1x16xi32>,
    %get3A_261 = arith.constant 160 : index
    %get3A_262 = tpu.vector_load %arg8[%get3A_261] {strides = array<i32>} : memref<512xi32, #tpu.memory_space<vmem>>, vector<16xi32>,
    %get3A_263 = vector.shape_cast %get3A_262 : vector<16xi32> to vector<16xi32>
    %get3A_264 = arith.constant 160 : index
    %get3A_265 = tpu.vector_load %arg9[%get3A_264] {strides = array<i32>} : memref<512xi32, #tpu.memory_space<vmem>>, vector<16xi32>,
    %get3A_266 = vector.shape_cast %get3A_265 : vector<16xi32> to vector<16xi32>
    %mul3A_267 = arith.constant 1000 : i32
    %mul3A_268 = vector.broadcast %mul3A_267 : i32 to vector<16xi32>
    %mul3A_269 = arith.muli %get3A_263, %mul3A_268 : vector<16xi32>
    %add3A_270 = arith.addi %mul3A_269, %get3A_266 : vector<16xi32>
    %swap3A_271 = arith.constant 1 : i32
    %swap3A_272 = arith.index_cast %swap3A_271 : i32 to index
    %swap3A_273 = arith.constant 32 : index
    %swap3A_274 = tpu.vector_load %arg10[%swap3A_272, %swap3A_273] {strides = array<i32>} : memref<4x128xi32, #tpu.memory_space<vmem>>, vector<1x16xi32>,
    %swap3A_275 = vector.shape_cast %swap3A_274 : vector<1x16xi32> to vector<16xi32>
    %swap3A_276 = vector.shape_cast %add3A_270 : vector<16xi32> to vector<1x16xi32>
    tpu.vector_store %arg10[%swap3A_272, %swap3A_273], %swap3A_276 {strides = array<i32>} : memref<4x128xi32, #tpu.memory_space<vmem>>, vector<1x16xi32>,
    %mul3A_277 = arith.constant 1000 : i32
    %mul3A_278 = vector.broadcast %mul3A_277 : i32 to vector<16xi32>
    %mul3A_279 = arith.muli %get3A_266, %mul3A_278 : vector<16xi32>
    %add3A_280 = arith.addi %mul3A_279, %get3A_263 : vector<16xi32>
    %swap3A_281 = arith.constant 1 : i32
    %swap3A_282 = arith.index_cast %swap3A_281 : i32 to index
    %swap3A_283 = arith.constant 32 : index
    %swap3A_284 = tpu.vector_load %arg11[%swap3A_282, %swap3A_283] {strides = array<i32>} : memref<4x128xi32, #tpu.memory_space<vmem>>, vector<1x16xi32>,
    %swap3A_285 = vector.shape_cast %swap3A_284 : vector<1x16xi32> to vector<16xi32>
    %swap3A_286 = vector.shape_cast %add3A_280 : vector<16xi32> to vector<1x16xi32>
    tpu.vector_store %arg11[%swap3A_282, %swap3A_283], %swap3A_286 {strides = array<i32>} : memref<4x128xi32, #tpu.memory_space<vmem>>, vector<1x16xi32>,
    %get3A_287 = arith.constant 176 : index
    %get3A_288 = tpu.vector_load %arg8[%get3A_287] {strides = array<i32>} : memref<512xi32, #tpu.memory_space<vmem>>, vector<16xi32>,
    %get3A_289 = vector.shape_cast %get3A_288 : vector<16xi32> to vector<16xi32>
    %get3A_290 = arith.constant 176 : index
    %get3A_291 = tpu.vector_load %arg9[%get3A_290] {strides = array<i32>} : memref<512xi32, #tpu.memory_space<vmem>>, vector<16xi32>,
    %get3A_292 = vector.shape_cast %get3A_291 : vector<16xi32> to vector<16xi32>
    %mul3A_293 = arith.constant 1000 : i32
    %mul3A_294 = vector.broadcast %mul3A_293 : i32 to vector<16xi32>
    %mul3A_295 = arith.muli %get3A_289, %mul3A_294 : vector<16xi32>
    %add3A_296 = arith.addi %mul3A_295, %get3A_292 : vector<16xi32>
    %swap3A_297 = arith.constant 1 : i32
    %swap3A_298 = arith.index_cast %swap3A_297 : i32 to index
    %swap3A_299 = arith.constant 48 : index
    %swap3A_300 = tpu.vector_load %arg10[%swap3A_298, %swap3A_299] {strides = array<i32>} : memref<4x128xi32, #tpu.memory_space<vmem>>, vector<1x16xi32>,
    %swap3A_301 = vector.shape_cast %swap3A_300 : vector<1x16xi32> to vector<16xi32>
    %swap3A_302 = vector.shape_cast %add3A_296 : vector<16xi32> to vector<1x16xi32>
    tpu.vector_store %arg10[%swap3A_298, %swap3A_299], %swap3A_302 {strides = array<i32>} : memref<4x128xi32, #tpu.memory_space<vmem>>, vector<1x16xi32>,
    %mul3A_303 = arith.constant 1000 : i32
    %mul3A_304 = vector.broadcast %mul3A_303 : i32 to vector<16xi32>
    %mul3A_305 = arith.muli %get3A_292, %mul3A_304 : vector<16xi32>
    %add3A_306 = arith.addi %mul3A_305, %get3A_289 : vector<16xi32>
    %swap3A_307 = arith.constant 1 : i32
    %swap3A_308 = arith.index_cast %swap3A_307 : i32 to index
    %swap3A_309 = arith.constant 48 : index
    %swap3A_310 = tpu.vector_load %arg11[%swap3A_308, %swap3A_309] {strides = array<i32>} : memref<4x128xi32, #tpu.memory_space<vmem>>, vector<1x16xi32>,
    %swap3A_311 = vector.shape_cast %swap3A_310 : vector<1x16xi32> to vector<16xi32>
    %swap3A_312 = vector.shape_cast %add3A_306 : vector<16xi32> to vector<1x16xi32>
    tpu.vector_store %arg11[%swap3A_308, %swap3A_309], %swap3A_312 {strides = array<i32>} : memref<4x128xi32, #tpu.memory_space<vmem>>, vector<1x16xi32>,
    %get3A_313 = arith.constant 192 : index
    %get3A_314 = tpu.vector_load %arg8[%get3A_313] {strides = array<i32>} : memref<512xi32, #tpu.memory_space<vmem>>, vector<16xi32>,
    %get3A_315 = vector.shape_cast %get3A_314 : vector<16xi32> to vector<16xi32>
    %get3A_316 = arith.constant 192 : index
    %get3A_317 = tpu.vector_load %arg9[%get3A_316] {strides = array<i32>} : memref<512xi32, #tpu.memory_space<vmem>>, vector<16xi32>,
    %get3A_318 = vector.shape_cast %get3A_317 : vector<16xi32> to vector<16xi32>
    %mul3A_319 = arith.constant 1000 : i32
    %mul3A_320 = vector.broadcast %mul3A_319 : i32 to vector<16xi32>
    %mul3A_321 = arith.muli %get3A_315, %mul3A_320 : vector<16xi32>
    %add3A_322 = arith.addi %mul3A_321, %get3A_318 : vector<16xi32>
    %swap3A_323 = arith.constant 1 : i32
    %swap3A_324 = arith.index_cast %swap3A_323 : i32 to index
    %swap3A_325 = arith.constant 64 : index
    %swap3A_326 = tpu.vector_load %arg10[%swap3A_324, %swap3A_325] {strides = array<i32>} : memref<4x128xi32, #tpu.memory_space<vmem>>, vector<1x16xi32>,
    %swap3A_327 = vector.shape_cast %swap3A_326 : vector<1x16xi32> to vector<16xi32>
    %swap3A_328 = vector.shape_cast %add3A_322 : vector<16xi32> to vector<1x16xi32>
    tpu.vector_store %arg10[%swap3A_324, %swap3A_325], %swap3A_328 {strides = array<i32>} : memref<4x128xi32, #tpu.memory_space<vmem>>, vector<1x16xi32>,
    %mul3A_329 = arith.constant 1000 : i32
    %mul3A_330 = vector.broadcast %mul3A_329 : i32 to vector<16xi32>
    %mul3A_331 = arith.muli %get3A_318, %mul3A_330 : vector<16xi32>
    %add3A_332 = arith.addi %mul3A_331, %get3A_315 : vector<16xi32>
    %swap3A_333 = arith.constant 1 : i32
    %swap3A_334 = arith.index_cast %swap3A_333 : i32 to index
    %swap3A_335 = arith.constant 64 : index
    %swap3A_336 = tpu.vector_load %arg11[%swap3A_334, %swap3A_335] {strides = array<i32>} : memref<4x128xi32, #tpu.memory_space<vmem>>, vector<1x16xi32>,
    %swap3A_337 = vector.shape_cast %swap3A_336 : vector<1x16xi32> to vector<16xi32>
    %swap3A_338 = vector.shape_cast %add3A_332 : vector<16xi32> to vector<1x16xi32>
    tpu.vector_store %arg11[%swap3A_334, %swap3A_335], %swap3A_338 {strides = array<i32>} : memref<4x128xi32, #tpu.memory_space<vmem>>, vector<1x16xi32>,
    %get3A_339 = arith.constant 208 : index
    %get3A_340 = tpu.vector_load %arg8[%get3A_339] {strides = array<i32>} : memref<512xi32, #tpu.memory_space<vmem>>, vector<16xi32>,
    %get3A_341 = vector.shape_cast %get3A_340 : vector<16xi32> to vector<16xi32>
    %get3A_342 = arith.constant 208 : index
    %get3A_343 = tpu.vector_load %arg9[%get3A_342] {strides = array<i32>} : memref<512xi32, #tpu.memory_space<vmem>>, vector<16xi32>,
    %get3A_344 = vector.shape_cast %get3A_343 : vector<16xi32> to vector<16xi32>
    %mul3A_345 = arith.constant 1000 : i32
    %mul3A_346 = vector.broadcast %mul3A_345 : i32 to vector<16xi32>
    %mul3A_347 = arith.muli %get3A_341, %mul3A_346 : vector<16xi32>
    %add3A_348 = arith.addi %mul3A_347, %get3A_344 : vector<16xi32>
    %swap3A_349 = arith.constant 1 : i32
    %swap3A_350 = arith.index_cast %swap3A_349 : i32 to index
    %swap3A_351 = arith.constant 80 : index
    %swap3A_352 = tpu.vector_load %arg10[%swap3A_350, %swap3A_351] {strides = array<i32>} : memref<4x128xi32, #tpu.memory_space<vmem>>, vector<1x16xi32>,
    %swap3A_353 = vector.shape_cast %swap3A_352 : vector<1x16xi32> to vector<16xi32>
    %swap3A_354 = vector.shape_cast %add3A_348 : vector<16xi32> to vector<1x16xi32>
    tpu.vector_store %arg10[%swap3A_350, %swap3A_351], %swap3A_354 {strides = array<i32>} : memref<4x128xi32, #tpu.memory_space<vmem>>, vector<1x16xi32>,
    %mul3A_355 = arith.constant 1000 : i32
    %mul3A_356 = vector.broadcast %mul3A_355 : i32 to vector<16xi32>
    %mul3A_357 = arith.muli %get3A_344, %mul3A_356 : vector<16xi32>
    %add3A_358 = arith.addi %mul3A_357, %get3A_341 : vector<16xi32>
    %swap3A_359 = arith.constant 1 : i32
    %swap3A_360 = arith.index_cast %swap3A_359 : i32 to index
    %swap3A_361 = arith.constant 80 : index
    %swap3A_362 = tpu.vector_load %arg11[%swap3A_360, %swap3A_361] {strides = array<i32>} : memref<4x128xi32, #tpu.memory_space<vmem>>, vector<1x16xi32>,
    %swap3A_363 = vector.shape_cast %swap3A_362 : vector<1x16xi32> to vector<16xi32>
    %swap3A_364 = vector.shape_cast %add3A_358 : vector<16xi32> to vector<1x16xi32>
    tpu.vector_store %arg11[%swap3A_360, %swap3A_361], %swap3A_364 {strides = array<i32>} : memref<4x128xi32, #tpu.memory_space<vmem>>, vector<1x16xi32>,
    %get3A_365 = arith.constant 224 : index
    %get3A_366 = tpu.vector_load %arg8[%get3A_365] {strides = array<i32>} : memref<512xi32, #tpu.memory_space<vmem>>, vector<16xi32>,
    %get3A_367 = vector.shape_cast %get3A_366 : vector<16xi32> to vector<16xi32>
    %get3A_368 = arith.constant 224 : index
    %get3A_369 = tpu.vector_load %arg9[%get3A_368] {strides = array<i32>} : memref<512xi32, #tpu.memory_space<vmem>>, vector<16xi32>,
    %get3A_370 = vector.shape_cast %get3A_369 : vector<16xi32> to vector<16xi32>
    %mul3A_371 = arith.constant 1000 : i32
    %mul3A_372 = vector.broadcast %mul3A_371 : i32 to vector<16xi32>
    %mul3A_373 = arith.muli %get3A_367, %mul3A_372 : vector<16xi32>
    %add3A_374 = arith.addi %mul3A_373, %get3A_370 : vector<16xi32>
    %swap3A_375 = arith.constant 1 : i32
    %swap3A_376 = arith.index_cast %swap3A_375 : i32 to index
    %swap3A_377 = arith.constant 96 : index
    %swap3A_378 = tpu.vector_load %arg10[%swap3A_376, %swap3A_377] {strides = array<i32>} : memref<4x128xi32, #tpu.memory_space<vmem>>, vector<1x16xi32>,
    %swap3A_379 = vector.shape_cast %swap3A_378 : vector<1x16xi32> to vector<16xi32>
    %swap3A_380 = vector.shape_cast %add3A_374 : vector<16xi32> to vector<1x16xi32>
    tpu.vector_store %arg10[%swap3A_376, %swap3A_377], %swap3A_380 {strides = array<i32>} : memref<4x128xi32, #tpu.memory_space<vmem>>, vector<1x16xi32>,
    %mul3A_381 = arith.constant 1000 : i32
    %mul3A_382 = vector.broadcast %mul3A_381 : i32 to vector<16xi32>
    %mul3A_383 = arith.muli %get3A_370, %mul3A_382 : vector<16xi32>
    %add3A_384 = arith.addi %mul3A_383, %get3A_367 : vector<16xi32>
    %swap3A_385 = arith.constant 1 : i32
    %swap3A_386 = arith.index_cast %swap3A_385 : i32 to index
    %swap3A_387 = arith.constant 96 : index
    %swap3A_388 = tpu.vector_load %arg11[%swap3A_386, %swap3A_387] {strides = array<i32>} : memref<4x128xi32, #tpu.memory_space<vmem>>, vector<1x16xi32>,
    %swap3A_389 = vector.shape_cast %swap3A_388 : vector<1x16xi32> to vector<16xi32>
    %swap3A_390 = vector.shape_cast %add3A_384 : vector<16xi32> to vector<1x16xi32>
    tpu.vector_store %arg11[%swap3A_386, %swap3A_387], %swap3A_390 {strides = array<i32>} : memref<4x128xi32, #tpu.memory_space<vmem>>, vector<1x16xi32>,
    %get3A_391 = arith.constant 240 : index
    %get3A_392 = tpu.vector_load %arg8[%get3A_391] {strides = array<i32>} : memref<512xi32, #tpu.memory_space<vmem>>, vector<16xi32>,
    %get3A_393 = vector.shape_cast %get3A_392 : vector<16xi32> to vector<16xi32>
    %get3A_394 = arith.constant 240 : index
    %get3A_395 = tpu.vector_load %arg9[%get3A_394] {strides = array<i32>} : memref<512xi32, #tpu.memory_space<vmem>>, vector<16xi32>,
    %get3A_396 = vector.shape_cast %get3A_395 : vector<16xi32> to vector<16xi32>
    %mul3A_397 = arith.constant 1000 : i32
    %mul3A_398 = vector.broadcast %mul3A_397 : i32 to vector<16xi32>
    %mul3A_399 = arith.muli %get3A_393, %mul3A_398 : vector<16xi32>
    %add3A_400 = arith.addi %mul3A_399, %get3A_396 : vector<16xi32>
    %swap3A_401 = arith.constant 1 : i32
    %swap3A_402 = arith.index_cast %swap3A_401 : i32 to index
    %swap3A_403 = arith.constant 112 : index
    %swap3A_404 = tpu.vector_load %arg10[%swap3A_402, %swap3A_403] {strides = array<i32>} : memref<4x128xi32, #tpu.memory_space<vmem>>, vector<1x16xi32>,
    %swap3A_405 = vector.shape_cast %swap3A_404 : vector<1x16xi32> to vector<16xi32>
    %swap3A_406 = vector.shape_cast %add3A_400 : vector<16xi32> to vector<1x16xi32>
    tpu.vector_store %arg10[%swap3A_402, %swap3A_403], %swap3A_406 {strides = array<i32>} : memref<4x128xi32, #tpu.memory_space<vmem>>, vector<1x16xi32>,
    %mul3A_407 = arith.constant 1000 : i32
    %mul3A_408 = vector.broadcast %mul3A_407 : i32 to vector<16xi32>
    %mul3A_409 = arith.muli %get3A_396, %mul3A_408 : vector<16xi32>
    %add3A_410 = arith.addi %mul3A_409, %get3A_393 : vector<16xi32>
    %swap3A_411 = arith.constant 1 : i32
    %swap3A_412 = arith.index_cast %swap3A_411 : i32 to index
    %swap3A_413 = arith.constant 112 : index
    %swap3A_414 = tpu.vector_load %arg11[%swap3A_412, %swap3A_413] {strides = array<i32>} : memref<4x128xi32, #tpu.memory_space<vmem>>, vector<1x16xi32>,
    %swap3A_415 = vector.shape_cast %swap3A_414 : vector<1x16xi32> to vector<16xi32>
    %swap3A_416 = vector.shape_cast %add3A_410 : vector<16xi32> to vector<1x16xi32>
    tpu.vector_store %arg11[%swap3A_412, %swap3A_413], %swap3A_416 {strides = array<i32>} : memref<4x128xi32, #tpu.memory_space<vmem>>, vector<1x16xi32>,
    %get3A_417 = arith.constant 256 : index
    %get3A_418 = tpu.vector_load %arg8[%get3A_417] {strides = array<i32>} : memref<512xi32, #tpu.memory_space<vmem>>, vector<16xi32>,
    %get3A_419 = vector.shape_cast %get3A_418 : vector<16xi32> to vector<16xi32>
    %get3A_420 = arith.constant 256 : index
    %get3A_421 = tpu.vector_load %arg9[%get3A_420] {strides = array<i32>} : memref<512xi32, #tpu.memory_space<vmem>>, vector<16xi32>,
    %get3A_422 = vector.shape_cast %get3A_421 : vector<16xi32> to vector<16xi32>
    %mul3A_423 = arith.constant 1000 : i32
    %mul3A_424 = vector.broadcast %mul3A_423 : i32 to vector<16xi32>
    %mul3A_425 = arith.muli %get3A_419, %mul3A_424 : vector<16xi32>
    %add3A_426 = arith.addi %mul3A_425, %get3A_422 : vector<16xi32>
    %swap3A_427 = arith.constant 2 : i32
    %swap3A_428 = arith.index_cast %swap3A_427 : i32 to index
    %swap3A_429 = arith.constant 0 : index
    %swap3A_430 = tpu.vector_load %arg10[%swap3A_428, %swap3A_429] {strides = array<i32>} : memref<4x128xi32, #tpu.memory_space<vmem>>, vector<1x16xi32>,
    %swap3A_431 = vector.shape_cast %swap3A_430 : vector<1x16xi32> to vector<16xi32>
    %swap3A_432 = vector.shape_cast %add3A_426 : vector<16xi32> to vector<1x16xi32>
    tpu.vector_store %arg10[%swap3A_428, %swap3A_429], %swap3A_432 {strides = array<i32>} : memref<4x128xi32, #tpu.memory_space<vmem>>, vector<1x16xi32>,
    %mul3A_433 = arith.constant 1000 : i32
    %mul3A_434 = vector.broadcast %mul3A_433 : i32 to vector<16xi32>
    %mul3A_435 = arith.muli %get3A_422, %mul3A_434 : vector<16xi32>
    %add3A_436 = arith.addi %mul3A_435, %get3A_419 : vector<16xi32>
    %swap3A_437 = arith.constant 2 : i32
    %swap3A_438 = arith.index_cast %swap3A_437 : i32 to index
    %swap3A_439 = arith.constant 0 : index
    %swap3A_440 = tpu.vector_load %arg11[%swap3A_438, %swap3A_439] {strides = array<i32>} : memref<4x128xi32, #tpu.memory_space<vmem>>, vector<1x16xi32>,
    %swap3A_441 = vector.shape_cast %swap3A_440 : vector<1x16xi32> to vector<16xi32>
    %swap3A_442 = vector.shape_cast %add3A_436 : vector<16xi32> to vector<1x16xi32>
    tpu.vector_store %arg11[%swap3A_438, %swap3A_439], %swap3A_442 {strides = array<i32>} : memref<4x128xi32, #tpu.memory_space<vmem>>, vector<1x16xi32>,
    %get3A_443 = arith.constant 272 : index
    %get3A_444 = tpu.vector_load %arg8[%get3A_443] {strides = array<i32>} : memref<512xi32, #tpu.memory_space<vmem>>, vector<16xi32>,
    %get3A_445 = vector.shape_cast %get3A_444 : vector<16xi32> to vector<16xi32>
    %get3A_446 = arith.constant 272 : index
    %get3A_447 = tpu.vector_load %arg9[%get3A_446] {strides = array<i32>} : memref<512xi32, #tpu.memory_space<vmem>>, vector<16xi32>,
    %get3A_448 = vector.shape_cast %get3A_447 : vector<16xi32> to vector<16xi32>
    %mul3A_449 = arith.constant 1000 : i32
    %mul3A_450 = vector.broadcast %mul3A_449 : i32 to vector<16xi32>
    %mul3A_451 = arith.muli %get3A_445, %mul3A_450 : vector<16xi32>
    %add3A_452 = arith.addi %mul3A_451, %get3A_448 : vector<16xi32>
    %swap3A_453 = arith.constant 2 : i32
    %swap3A_454 = arith.index_cast %swap3A_453 : i32 to index
    %swap3A_455 = arith.constant 16 : index
    %swap3A_456 = tpu.vector_load %arg10[%swap3A_454, %swap3A_455] {strides = array<i32>} : memref<4x128xi32, #tpu.memory_space<vmem>>, vector<1x16xi32>,
    %swap3A_457 = vector.shape_cast %swap3A_456 : vector<1x16xi32> to vector<16xi32>
    %swap3A_458 = vector.shape_cast %add3A_452 : vector<16xi32> to vector<1x16xi32>
    tpu.vector_store %arg10[%swap3A_454, %swap3A_455], %swap3A_458 {strides = array<i32>} : memref<4x128xi32, #tpu.memory_space<vmem>>, vector<1x16xi32>,
    %mul3A_459 = arith.constant 1000 : i32
    %mul3A_460 = vector.broadcast %mul3A_459 : i32 to vector<16xi32>
    %mul3A_461 = arith.muli %get3A_448, %mul3A_460 : vector<16xi32>
    %add3A_462 = arith.addi %mul3A_461, %get3A_445 : vector<16xi32>
    %swap3A_463 = arith.constant 2 : i32
    %swap3A_464 = arith.index_cast %swap3A_463 : i32 to index
    %swap3A_465 = arith.constant 16 : index
    %swap3A_466 = tpu.vector_load %arg11[%swap3A_464, %swap3A_465] {strides = array<i32>} : memref<4x128xi32, #tpu.memory_space<vmem>>, vector<1x16xi32>,
    %swap3A_467 = vector.shape_cast %swap3A_466 : vector<1x16xi32> to vector<16xi32>
    %swap3A_468 = vector.shape_cast %add3A_462 : vector<16xi32> to vector<1x16xi32>
    tpu.vector_store %arg11[%swap3A_464, %swap3A_465], %swap3A_468 {strides = array<i32>} : memref<4x128xi32, #tpu.memory_space<vmem>>, vector<1x16xi32>,
    %get3A_469 = arith.constant 288 : index
    %get3A_470 = tpu.vector_load %arg8[%get3A_469] {strides = array<i32>} : memref<512xi32, #tpu.memory_space<vmem>>, vector<16xi32>,
    %get3A_471 = vector.shape_cast %get3A_470 : vector<16xi32> to vector<16xi32>
    %get3A_472 = arith.constant 288 : index
    %get3A_473 = tpu.vector_load %arg9[%get3A_472] {strides = array<i32>} : memref<512xi32, #tpu.memory_space<vmem>>, vector<16xi32>,
    %get3A_474 = vector.shape_cast %get3A_473 : vector<16xi32> to vector<16xi32>
    %mul3A_475 = arith.constant 1000 : i32
    %mul3A_476 = vector.broadcast %mul3A_475 : i32 to vector<16xi32>
    %mul3A_477 = arith.muli %get3A_471, %mul3A_476 : vector<16xi32>
    %add3A_478 = arith.addi %mul3A_477, %get3A_474 : vector<16xi32>
    %swap3A_479 = arith.constant 2 : i32
    %swap3A_480 = arith.index_cast %swap3A_479 : i32 to index
    %swap3A_481 = arith.constant 32 : index
    %swap3A_482 = tpu.vector_load %arg10[%swap3A_480, %swap3A_481] {strides = array<i32>} : memref<4x128xi32, #tpu.memory_space<vmem>>, vector<1x16xi32>,
    %swap3A_483 = vector.shape_cast %swap3A_482 : vector<1x16xi32> to vector<16xi32>
    %swap3A_484 = vector.shape_cast %add3A_478 : vector<16xi32> to vector<1x16xi32>
    tpu.vector_store %arg10[%swap3A_480, %swap3A_481], %swap3A_484 {strides = array<i32>} : memref<4x128xi32, #tpu.memory_space<vmem>>, vector<1x16xi32>,
    %mul3A_485 = arith.constant 1000 : i32
    %mul3A_486 = vector.broadcast %mul3A_485 : i32 to vector<16xi32>
    %mul3A_487 = arith.muli %get3A_474, %mul3A_486 : vector<16xi32>
    %add3A_488 = arith.addi %mul3A_487, %get3A_471 : vector<16xi32>
    %swap3A_489 = arith.constant 2 : i32
    %swap3A_490 = arith.index_cast %swap3A_489 : i32 to index
    %swap3A_491 = arith.constant 32 : index
    %swap3A_492 = tpu.vector_load %arg11[%swap3A_490, %swap3A_491] {strides = array<i32>} : memref<4x128xi32, #tpu.memory_space<vmem>>, vector<1x16xi32>,
    %swap3A_493 = vector.shape_cast %swap3A_492 : vector<1x16xi32> to vector<16xi32>
    %swap3A_494 = vector.shape_cast %add3A_488 : vector<16xi32> to vector<1x16xi32>
    tpu.vector_store %arg11[%swap3A_490, %swap3A_491], %swap3A_494 {strides = array<i32>} : memref<4x128xi32, #tpu.memory_space<vmem>>, vector<1x16xi32>,
    %get3A_495 = arith.constant 304 : index
    %get3A_496 = tpu.vector_load %arg8[%get3A_495] {strides = array<i32>} : memref<512xi32, #tpu.memory_space<vmem>>, vector<16xi32>,
    %get3A_497 = vector.shape_cast %get3A_496 : vector<16xi32> to vector<16xi32>
    %get3A_498 = arith.constant 304 : index
    %get3A_499 = tpu.vector_load %arg9[%get3A_498] {strides = array<i32>} : memref<512xi32, #tpu.memory_space<vmem>>, vector<16xi32>,
    %get3A_500 = vector.shape_cast %get3A_499 : vector<16xi32> to vector<16xi32>
    %mul3A_501 = arith.constant 1000 : i32
    %mul3A_502 = vector.broadcast %mul3A_501 : i32 to vector<16xi32>
    %mul3A_503 = arith.muli %get3A_497, %mul3A_502 : vector<16xi32>
    %add3A_504 = arith.addi %mul3A_503, %get3A_500 : vector<16xi32>
    %swap3A_505 = arith.constant 2 : i32
    %swap3A_506 = arith.index_cast %swap3A_505 : i32 to index
    %swap3A_507 = arith.constant 48 : index
    %swap3A_508 = tpu.vector_load %arg10[%swap3A_506, %swap3A_507] {strides = array<i32>} : memref<4x128xi32, #tpu.memory_space<vmem>>, vector<1x16xi32>,
    %swap3A_509 = vector.shape_cast %swap3A_508 : vector<1x16xi32> to vector<16xi32>
    %swap3A_510 = vector.shape_cast %add3A_504 : vector<16xi32> to vector<1x16xi32>
    tpu.vector_store %arg10[%swap3A_506, %swap3A_507], %swap3A_510 {strides = array<i32>} : memref<4x128xi32, #tpu.memory_space<vmem>>, vector<1x16xi32>,
    %mul3A_511 = arith.constant 1000 : i32
    %mul3A_512 = vector.broadcast %mul3A_511 : i32 to vector<16xi32>
    %mul3A_513 = arith.muli %get3A_500, %mul3A_512 : vector<16xi32>
    %add3A_514 = arith.addi %mul3A_513, %get3A_497 : vector<16xi32>
    %swap3A_515 = arith.constant 2 : i32
    %swap3A_516 = arith.index_cast %swap3A_515 : i32 to index
    %swap3A_517 = arith.constant 48 : index
    %swap3A_518 = tpu.vector_load %arg11[%swap3A_516, %swap3A_517] {strides = array<i32>} : memref<4x128xi32, #tpu.memory_space<vmem>>, vector<1x16xi32>,
    %swap3A_519 = vector.shape_cast %swap3A_518 : vector<1x16xi32> to vector<16xi32>
    %swap3A_520 = vector.shape_cast %add3A_514 : vector<16xi32> to vector<1x16xi32>
    tpu.vector_store %arg11[%swap3A_516, %swap3A_517], %swap3A_520 {strides = array<i32>} : memref<4x128xi32, #tpu.memory_space<vmem>>, vector<1x16xi32>,
    %get3A_521 = arith.constant 320 : index
    %get3A_522 = tpu.vector_load %arg8[%get3A_521] {strides = array<i32>} : memref<512xi32, #tpu.memory_space<vmem>>, vector<16xi32>,
    %get3A_523 = vector.shape_cast %get3A_522 : vector<16xi32> to vector<16xi32>
    %get3A_524 = arith.constant 320 : index
    %get3A_525 = tpu.vector_load %arg9[%get3A_524] {strides = array<i32>} : memref<512xi32, #tpu.memory_space<vmem>>, vector<16xi32>,
    %get3A_526 = vector.shape_cast %get3A_525 : vector<16xi32> to vector<16xi32>
    %mul3A_527 = arith.constant 1000 : i32
    %mul3A_528 = vector.broadcast %mul3A_527 : i32 to vector<16xi32>
    %mul3A_529 = arith.muli %get3A_523, %mul3A_528 : vector<16xi32>
    %add3A_530 = arith.addi %mul3A_529, %get3A_526 : vector<16xi32>
    %swap3A_531 = arith.constant 2 : i32
    %swap3A_532 = arith.index_cast %swap3A_531 : i32 to index
    %swap3A_533 = arith.constant 64 : index
    %swap3A_534 = tpu.vector_load %arg10[%swap3A_532, %swap3A_533] {strides = array<i32>} : memref<4x128xi32, #tpu.memory_space<vmem>>, vector<1x16xi32>,
    %swap3A_535 = vector.shape_cast %swap3A_534 : vector<1x16xi32> to vector<16xi32>
    %swap3A_536 = vector.shape_cast %add3A_530 : vector<16xi32> to vector<1x16xi32>
    tpu.vector_store %arg10[%swap3A_532, %swap3A_533], %swap3A_536 {strides = array<i32>} : memref<4x128xi32, #tpu.memory_space<vmem>>, vector<1x16xi32>,
    %mul3A_537 = arith.constant 1000 : i32
    %mul3A_538 = vector.broadcast %mul3A_537 : i32 to vector<16xi32>
    %mul3A_539 = arith.muli %get3A_526, %mul3A_538 : vector<16xi32>
    %add3A_540 = arith.addi %mul3A_539, %get3A_523 : vector<16xi32>
    %swap3A_541 = arith.constant 2 : i32
    %swap3A_542 = arith.index_cast %swap3A_541 : i32 to index
    %swap3A_543 = arith.constant 64 : index
    %swap3A_544 = tpu.vector_load %arg11[%swap3A_542, %swap3A_543] {strides = array<i32>} : memref<4x128xi32, #tpu.memory_space<vmem>>, vector<1x16xi32>,
    %swap3A_545 = vector.shape_cast %swap3A_544 : vector<1x16xi32> to vector<16xi32>
    %swap3A_546 = vector.shape_cast %add3A_540 : vector<16xi32> to vector<1x16xi32>
    tpu.vector_store %arg11[%swap3A_542, %swap3A_543], %swap3A_546 {strides = array<i32>} : memref<4x128xi32, #tpu.memory_space<vmem>>, vector<1x16xi32>,
    %get3A_547 = arith.constant 336 : index
    %get3A_548 = tpu.vector_load %arg8[%get3A_547] {strides = array<i32>} : memref<512xi32, #tpu.memory_space<vmem>>, vector<16xi32>,
    %get3A_549 = vector.shape_cast %get3A_548 : vector<16xi32> to vector<16xi32>
    %get3A_550 = arith.constant 336 : index
    %get3A_551 = tpu.vector_load %arg9[%get3A_550] {strides = array<i32>} : memref<512xi32, #tpu.memory_space<vmem>>, vector<16xi32>,
    %get3A_552 = vector.shape_cast %get3A_551 : vector<16xi32> to vector<16xi32>
    %mul3A_553 = arith.constant 1000 : i32
    %mul3A_554 = vector.broadcast %mul3A_553 : i32 to vector<16xi32>
    %mul3A_555 = arith.muli %get3A_549, %mul3A_554 : vector<16xi32>
    %add3A_556 = arith.addi %mul3A_555, %get3A_552 : vector<16xi32>
    %swap3A_557 = arith.constant 2 : i32
    %swap3A_558 = arith.index_cast %swap3A_557 : i32 to index
    %swap3A_559 = arith.constant 80 : index
    %swap3A_560 = tpu.vector_load %arg10[%swap3A_558, %swap3A_559] {strides = array<i32>} : memref<4x128xi32, #tpu.memory_space<vmem>>, vector<1x16xi32>,
    %swap3A_561 = vector.shape_cast %swap3A_560 : vector<1x16xi32> to vector<16xi32>
    %swap3A_562 = vector.shape_cast %add3A_556 : vector<16xi32> to vector<1x16xi32>
    tpu.vector_store %arg10[%swap3A_558, %swap3A_559], %swap3A_562 {strides = array<i32>} : memref<4x128xi32, #tpu.memory_space<vmem>>, vector<1x16xi32>,
    %mul3A_563 = arith.constant 1000 : i32
    %mul3A_564 = vector.broadcast %mul3A_563 : i32 to vector<16xi32>
    %mul3A_565 = arith.muli %get3A_552, %mul3A_564 : vector<16xi32>
    %add3A_566 = arith.addi %mul3A_565, %get3A_549 : vector<16xi32>
    %swap3A_567 = arith.constant 2 : i32
    %swap3A_568 = arith.index_cast %swap3A_567 : i32 to index
    %swap3A_569 = arith.constant 80 : index
    %swap3A_570 = tpu.vector_load %arg11[%swap3A_568, %swap3A_569] {strides = array<i32>} : memref<4x128xi32, #tpu.memory_space<vmem>>, vector<1x16xi32>,
    %swap3A_571 = vector.shape_cast %swap3A_570 : vector<1x16xi32> to vector<16xi32>
    %swap3A_572 = vector.shape_cast %add3A_566 : vector<16xi32> to vector<1x16xi32>
    tpu.vector_store %arg11[%swap3A_568, %swap3A_569], %swap3A_572 {strides = array<i32>} : memref<4x128xi32, #tpu.memory_space<vmem>>, vector<1x16xi32>,
    %get3A_573 = arith.constant 352 : index
    %get3A_574 = tpu.vector_load %arg8[%get3A_573] {strides = array<i32>} : memref<512xi32, #tpu.memory_space<vmem>>, vector<16xi32>,
    %get3A_575 = vector.shape_cast %get3A_574 : vector<16xi32> to vector<16xi32>
    %get3A_576 = arith.constant 352 : index
    %get3A_577 = tpu.vector_load %arg9[%get3A_576] {strides = array<i32>} : memref<512xi32, #tpu.memory_space<vmem>>, vector<16xi32>,
    %get3A_578 = vector.shape_cast %get3A_577 : vector<16xi32> to vector<16xi32>
    %mul3A_579 = arith.constant 1000 : i32
    %mul3A_580 = vector.broadcast %mul3A_579 : i32 to vector<16xi32>
    %mul3A_581 = arith.muli %get3A_575, %mul3A_580 : vector<16xi32>
    %add3A_582 = arith.addi %mul3A_581, %get3A_578 : vector<16xi32>
    %swap3A_583 = arith.constant 2 : i32
    %swap3A_584 = arith.index_cast %swap3A_583 : i32 to index
    %swap3A_585 = arith.constant 96 : index
    %swap3A_586 = tpu.vector_load %arg10[%swap3A_584, %swap3A_585] {strides = array<i32>} : memref<4x128xi32, #tpu.memory_space<vmem>>, vector<1x16xi32>,
    %swap3A_587 = vector.shape_cast %swap3A_586 : vector<1x16xi32> to vector<16xi32>
    %swap3A_588 = vector.shape_cast %add3A_582 : vector<16xi32> to vector<1x16xi32>
    tpu.vector_store %arg10[%swap3A_584, %swap3A_585], %swap3A_588 {strides = array<i32>} : memref<4x128xi32, #tpu.memory_space<vmem>>, vector<1x16xi32>,
    %mul3A_589 = arith.constant 1000 : i32
    %mul3A_590 = vector.broadcast %mul3A_589 : i32 to vector<16xi32>
    %mul3A_591 = arith.muli %get3A_578, %mul3A_590 : vector<16xi32>
    %add3A_592 = arith.addi %mul3A_591, %get3A_575 : vector<16xi32>
    %swap3A_593 = arith.constant 2 : i32
    %swap3A_594 = arith.index_cast %swap3A_593 : i32 to index
    %swap3A_595 = arith.constant 96 : index
    %swap3A_596 = tpu.vector_load %arg11[%swap3A_594, %swap3A_595] {strides = array<i32>} : memref<4x128xi32, #tpu.memory_space<vmem>>, vector<1x16xi32>,
    %swap3A_597 = vector.shape_cast %swap3A_596 : vector<1x16xi32> to vector<16xi32>
    %swap3A_598 = vector.shape_cast %add3A_592 : vector<16xi32> to vector<1x16xi32>
    tpu.vector_store %arg11[%swap3A_594, %swap3A_595], %swap3A_598 {strides = array<i32>} : memref<4x128xi32, #tpu.memory_space<vmem>>, vector<1x16xi32>,
    %get3A_599 = arith.constant 368 : index
    %get3A_600 = tpu.vector_load %arg8[%get3A_599] {strides = array<i32>} : memref<512xi32, #tpu.memory_space<vmem>>, vector<16xi32>,
    %get3A_601 = vector.shape_cast %get3A_600 : vector<16xi32> to vector<16xi32>
    %get3A_602 = arith.constant 368 : index
    %get3A_603 = tpu.vector_load %arg9[%get3A_602] {strides = array<i32>} : memref<512xi32, #tpu.memory_space<vmem>>, vector<16xi32>,
    %get3A_604 = vector.shape_cast %get3A_603 : vector<16xi32> to vector<16xi32>
    %mul3A_605 = arith.constant 1000 : i32
    %mul3A_606 = vector.broadcast %mul3A_605 : i32 to vector<16xi32>
    %mul3A_607 = arith.muli %get3A_601, %mul3A_606 : vector<16xi32>
    %add3A_608 = arith.addi %mul3A_607, %get3A_604 : vector<16xi32>
    %swap3A_609 = arith.constant 2 : i32
    %swap3A_610 = arith.index_cast %swap3A_609 : i32 to index
    %swap3A_611 = arith.constant 112 : index
    %swap3A_612 = tpu.vector_load %arg10[%swap3A_610, %swap3A_611] {strides = array<i32>} : memref<4x128xi32, #tpu.memory_space<vmem>>, vector<1x16xi32>,
    %swap3A_613 = vector.shape_cast %swap3A_612 : vector<1x16xi32> to vector<16xi32>
    %swap3A_614 = vector.shape_cast %add3A_608 : vector<16xi32> to vector<1x16xi32>
    tpu.vector_store %arg10[%swap3A_610, %swap3A_611], %swap3A_614 {strides = array<i32>} : memref<4x128xi32, #tpu.memory_space<vmem>>, vector<1x16xi32>,
    %mul3A_615 = arith.constant 1000 : i32
    %mul3A_616 = vector.broadcast %mul3A_615 : i32 to vector<16xi32>
    %mul3A_617 = arith.muli %get3A_604, %mul3A_616 : vector<16xi32>
    %add3A_618 = arith.addi %mul3A_617, %get3A_601 : vector<16xi32>
    %swap3A_619 = arith.constant 2 : i32
    %swap3A_620 = arith.index_cast %swap3A_619 : i32 to index
    %swap3A_621 = arith.constant 112 : index
    %swap3A_622 = tpu.vector_load %arg11[%swap3A_620, %swap3A_621] {strides = array<i32>} : memref<4x128xi32, #tpu.memory_space<vmem>>, vector<1x16xi32>,
    %swap3A_623 = vector.shape_cast %swap3A_622 : vector<1x16xi32> to vector<16xi32>
    %swap3A_624 = vector.shape_cast %add3A_618 : vector<16xi32> to vector<1x16xi32>
    tpu.vector_store %arg11[%swap3A_620, %swap3A_621], %swap3A_624 {strides = array<i32>} : memref<4x128xi32, #tpu.memory_space<vmem>>, vector<1x16xi32>,
    %get3A_625 = arith.constant 384 : index
    %get3A_626 = tpu.vector_load %arg8[%get3A_625] {strides = array<i32>} : memref<512xi32, #tpu.memory_space<vmem>>, vector<16xi32>,
    %get3A_627 = vector.shape_cast %get3A_626 : vector<16xi32> to vector<16xi32>
    %get3A_628 = arith.constant 384 : index
    %get3A_629 = tpu.vector_load %arg9[%get3A_628] {strides = array<i32>} : memref<512xi32, #tpu.memory_space<vmem>>, vector<16xi32>,
    %get3A_630 = vector.shape_cast %get3A_629 : vector<16xi32> to vector<16xi32>
    %mul3A_631 = arith.constant 1000 : i32
    %mul3A_632 = vector.broadcast %mul3A_631 : i32 to vector<16xi32>
    %mul3A_633 = arith.muli %get3A_627, %mul3A_632 : vector<16xi32>
    %add3A_634 = arith.addi %mul3A_633, %get3A_630 : vector<16xi32>
    %swap3A_635 = arith.constant 3 : i32
    %swap3A_636 = arith.index_cast %swap3A_635 : i32 to index
    %swap3A_637 = arith.constant 0 : index
    %swap3A_638 = tpu.vector_load %arg10[%swap3A_636, %swap3A_637] {strides = array<i32>} : memref<4x128xi32, #tpu.memory_space<vmem>>, vector<1x16xi32>,
    %swap3A_639 = vector.shape_cast %swap3A_638 : vector<1x16xi32> to vector<16xi32>
    %swap3A_640 = vector.shape_cast %add3A_634 : vector<16xi32> to vector<1x16xi32>
    tpu.vector_store %arg10[%swap3A_636, %swap3A_637], %swap3A_640 {strides = array<i32>} : memref<4x128xi32, #tpu.memory_space<vmem>>, vector<1x16xi32>,
    %mul3A_641 = arith.constant 1000 : i32
    %mul3A_642 = vector.broadcast %mul3A_641 : i32 to vector<16xi32>
    %mul3A_643 = arith.muli %get3A_630, %mul3A_642 : vector<16xi32>
    %add3A_644 = arith.addi %mul3A_643, %get3A_627 : vector<16xi32>
    %swap3A_645 = arith.constant 3 : i32
    %swap3A_646 = arith.index_cast %swap3A_645 : i32 to index
    %swap3A_647 = arith.constant 0 : index
    %swap3A_648 = tpu.vector_load %arg11[%swap3A_646, %swap3A_647] {strides = array<i32>} : memref<4x128xi32, #tpu.memory_space<vmem>>, vector<1x16xi32>,
    %swap3A_649 = vector.shape_cast %swap3A_648 : vector<1x16xi32> to vector<16xi32>
    %swap3A_650 = vector.shape_cast %add3A_644 : vector<16xi32> to vector<1x16xi32>
    tpu.vector_store %arg11[%swap3A_646, %swap3A_647], %swap3A_650 {strides = array<i32>} : memref<4x128xi32, #tpu.memory_space<vmem>>, vector<1x16xi32>,
    %get3A_651 = arith.constant 400 : index
    %get3A_652 = tpu.vector_load %arg8[%get3A_651] {strides = array<i32>} : memref<512xi32, #tpu.memory_space<vmem>>, vector<16xi32>,
    %get3A_653 = vector.shape_cast %get3A_652 : vector<16xi32> to vector<16xi32>
    %get3A_654 = arith.constant 400 : index
    %get3A_655 = tpu.vector_load %arg9[%get3A_654] {strides = array<i32>} : memref<512xi32, #tpu.memory_space<vmem>>, vector<16xi32>,
    %get3A_656 = vector.shape_cast %get3A_655 : vector<16xi32> to vector<16xi32>
    %mul3A_657 = arith.constant 1000 : i32
    %mul3A_658 = vector.broadcast %mul3A_657 : i32 to vector<16xi32>
    %mul3A_659 = arith.muli %get3A_653, %mul3A_658 : vector<16xi32>
    %add3A_660 = arith.addi %mul3A_659, %get3A_656 : vector<16xi32>
    %swap3A_661 = arith.constant 3 : i32
    %swap3A_662 = arith.index_cast %swap3A_661 : i32 to index
    %swap3A_663 = arith.constant 16 : index
    %swap3A_664 = tpu.vector_load %arg10[%swap3A_662, %swap3A_663] {strides = array<i32>} : memref<4x128xi32, #tpu.memory_space<vmem>>, vector<1x16xi32>,
    %swap3A_665 = vector.shape_cast %swap3A_664 : vector<1x16xi32> to vector<16xi32>
    %swap3A_666 = vector.shape_cast %add3A_660 : vector<16xi32> to vector<1x16xi32>
    tpu.vector_store %arg10[%swap3A_662, %swap3A_663], %swap3A_666 {strides = array<i32>} : memref<4x128xi32, #tpu.memory_space<vmem>>, vector<1x16xi32>,
    %mul3A_667 = arith.constant 1000 : i32
    %mul3A_668 = vector.broadcast %mul3A_667 : i32 to vector<16xi32>
    %mul3A_669 = arith.muli %get3A_656, %mul3A_668 : vector<16xi32>
    %add3A_670 = arith.addi %mul3A_669, %get3A_653 : vector<16xi32>
    %swap3A_671 = arith.constant 3 : i32
    %swap3A_672 = arith.index_cast %swap3A_671 : i32 to index
    %swap3A_673 = arith.constant 16 : index
    %swap3A_674 = tpu.vector_load %arg11[%swap3A_672, %swap3A_673] {strides = array<i32>} : memref<4x128xi32, #tpu.memory_space<vmem>>, vector<1x16xi32>,
    %swap3A_675 = vector.shape_cast %swap3A_674 : vector<1x16xi32> to vector<16xi32>
    %swap3A_676 = vector.shape_cast %add3A_670 : vector<16xi32> to vector<1x16xi32>
    tpu.vector_store %arg11[%swap3A_672, %swap3A_673], %swap3A_676 {strides = array<i32>} : memref<4x128xi32, #tpu.memory_space<vmem>>, vector<1x16xi32>,
    %get3A_677 = arith.constant 416 : index
    %get3A_678 = tpu.vector_load %arg8[%get3A_677] {strides = array<i32>} : memref<512xi32, #tpu.memory_space<vmem>>, vector<16xi32>,
    %get3A_679 = vector.shape_cast %get3A_678 : vector<16xi32> to vector<16xi32>
    %get3A_680 = arith.constant 416 : index
    %get3A_681 = tpu.vector_load %arg9[%get3A_680] {strides = array<i32>} : memref<512xi32, #tpu.memory_space<vmem>>, vector<16xi32>,
    %get3A_682 = vector.shape_cast %get3A_681 : vector<16xi32> to vector<16xi32>
    %mul3A_683 = arith.constant 1000 : i32
    %mul3A_684 = vector.broadcast %mul3A_683 : i32 to vector<16xi32>
    %mul3A_685 = arith.muli %get3A_679, %mul3A_684 : vector<16xi32>
    %add3A_686 = arith.addi %mul3A_685, %get3A_682 : vector<16xi32>
    %swap3A_687 = arith.constant 3 : i32
    %swap3A_688 = arith.index_cast %swap3A_687 : i32 to index
    %swap3A_689 = arith.constant 32 : index
    %swap3A_690 = tpu.vector_load %arg10[%swap3A_688, %swap3A_689] {strides = array<i32>} : memref<4x128xi32, #tpu.memory_space<vmem>>, vector<1x16xi32>,
    %swap3A_691 = vector.shape_cast %swap3A_690 : vector<1x16xi32> to vector<16xi32>
    %swap3A_692 = vector.shape_cast %add3A_686 : vector<16xi32> to vector<1x16xi32>
    tpu.vector_store %arg10[%swap3A_688, %swap3A_689], %swap3A_692 {strides = array<i32>} : memref<4x128xi32, #tpu.memory_space<vmem>>, vector<1x16xi32>,
    %mul3A_693 = arith.constant 1000 : i32
    %mul3A_694 = vector.broadcast %mul3A_693 : i32 to vector<16xi32>
    %mul3A_695 = arith.muli %get3A_682, %mul3A_694 : vector<16xi32>
    %add3A_696 = arith.addi %mul3A_695, %get3A_679 : vector<16xi32>
    %swap3A_697 = arith.constant 3 : i32
    %swap3A_698 = arith.index_cast %swap3A_697 : i32 to index
    %swap3A_699 = arith.constant 32 : index
    %swap3A_700 = tpu.vector_load %arg11[%swap3A_698, %swap3A_699] {strides = array<i32>} : memref<4x128xi32, #tpu.memory_space<vmem>>, vector<1x16xi32>,
    %swap3A_701 = vector.shape_cast %swap3A_700 : vector<1x16xi32> to vector<16xi32>
    %swap3A_702 = vector.shape_cast %add3A_696 : vector<16xi32> to vector<1x16xi32>
    tpu.vector_store %arg11[%swap3A_698, %swap3A_699], %swap3A_702 {strides = array<i32>} : memref<4x128xi32, #tpu.memory_space<vmem>>, vector<1x16xi32>,
    %get3A_703 = arith.constant 432 : index
    %get3A_704 = tpu.vector_load %arg8[%get3A_703] {strides = array<i32>} : memref<512xi32, #tpu.memory_space<vmem>>, vector<16xi32>,
    %get3A_705 = vector.shape_cast %get3A_704 : vector<16xi32> to vector<16xi32>
    %get3A_706 = arith.constant 432 : index
    %get3A_707 = tpu.vector_load %arg9[%get3A_706] {strides = array<i32>} : memref<512xi32, #tpu.memory_space<vmem>>, vector<16xi32>,
    %get3A_708 = vector.shape_cast %get3A_707 : vector<16xi32> to vector<16xi32>
    %mul3A_709 = arith.constant 1000 : i32
    %mul3A_710 = vector.broadcast %mul3A_709 : i32 to vector<16xi32>
    %mul3A_711 = arith.muli %get3A_705, %mul3A_710 : vector<16xi32>
    %add3A_712 = arith.addi %mul3A_711, %get3A_708 : vector<16xi32>
    %swap3A_713 = arith.constant 3 : i32
    %swap3A_714 = arith.index_cast %swap3A_713 : i32 to index
    %swap3A_715 = arith.constant 48 : index
    %swap3A_716 = tpu.vector_load %arg10[%swap3A_714, %swap3A_715] {strides = array<i32>} : memref<4x128xi32, #tpu.memory_space<vmem>>, vector<1x16xi32>,
    %swap3A_717 = vector.shape_cast %swap3A_716 : vector<1x16xi32> to vector<16xi32>
    %swap3A_718 = vector.shape_cast %add3A_712 : vector<16xi32> to vector<1x16xi32>
    tpu.vector_store %arg10[%swap3A_714, %swap3A_715], %swap3A_718 {strides = array<i32>} : memref<4x128xi32, #tpu.memory_space<vmem>>, vector<1x16xi32>,
    %mul3A_719 = arith.constant 1000 : i32
    %mul3A_720 = vector.broadcast %mul3A_719 : i32 to vector<16xi32>
    %mul3A_721 = arith.muli %get3A_708, %mul3A_720 : vector<16xi32>
    %add3A_722 = arith.addi %mul3A_721, %get3A_705 : vector<16xi32>
    %swap3A_723 = arith.constant 3 : i32
    %swap3A_724 = arith.index_cast %swap3A_723 : i32 to index
    %swap3A_725 = arith.constant 48 : index
    %swap3A_726 = tpu.vector_load %arg11[%swap3A_724, %swap3A_725] {strides = array<i32>} : memref<4x128xi32, #tpu.memory_space<vmem>>, vector<1x16xi32>,
    %swap3A_727 = vector.shape_cast %swap3A_726 : vector<1x16xi32> to vector<16xi32>
    %swap3A_728 = vector.shape_cast %add3A_722 : vector<16xi32> to vector<1x16xi32>
    tpu.vector_store %arg11[%swap3A_724, %swap3A_725], %swap3A_728 {strides = array<i32>} : memref<4x128xi32, #tpu.memory_space<vmem>>, vector<1x16xi32>,
    %get3A_729 = arith.constant 448 : index
    %get3A_730 = tpu.vector_load %arg8[%get3A_729] {strides = array<i32>} : memref<512xi32, #tpu.memory_space<vmem>>, vector<16xi32>,
    %get3A_731 = vector.shape_cast %get3A_730 : vector<16xi32> to vector<16xi32>
    %get3A_732 = arith.constant 448 : index
    %get3A_733 = tpu.vector_load %arg9[%get3A_732] {strides = array<i32>} : memref<512xi32, #tpu.memory_space<vmem>>, vector<16xi32>,
    %get3A_734 = vector.shape_cast %get3A_733 : vector<16xi32> to vector<16xi32>
    %mul3A_735 = arith.constant 1000 : i32
    %mul3A_736 = vector.broadcast %mul3A_735 : i32 to vector<16xi32>
    %mul3A_737 = arith.muli %get3A_731, %mul3A_736 : vector<16xi32>
    %add3A_738 = arith.addi %mul3A_737, %get3A_734 : vector<16xi32>
    %swap3A_739 = arith.constant 3 : i32
    %swap3A_740 = arith.index_cast %swap3A_739 : i32 to index
    %swap3A_741 = arith.constant 64 : index
    %swap3A_742 = tpu.vector_load %arg10[%swap3A_740, %swap3A_741] {strides = array<i32>} : memref<4x128xi32, #tpu.memory_space<vmem>>, vector<1x16xi32>,
    %swap3A_743 = vector.shape_cast %swap3A_742 : vector<1x16xi32> to vector<16xi32>
    %swap3A_744 = vector.shape_cast %add3A_738 : vector<16xi32> to vector<1x16xi32>
    tpu.vector_store %arg10[%swap3A_740, %swap3A_741], %swap3A_744 {strides = array<i32>} : memref<4x128xi32, #tpu.memory_space<vmem>>, vector<1x16xi32>,
    %mul3A_745 = arith.constant 1000 : i32
    %mul3A_746 = vector.broadcast %mul3A_745 : i32 to vector<16xi32>
    %mul3A_747 = arith.muli %get3A_734, %mul3A_746 : vector<16xi32>
    %add3A_748 = arith.addi %mul3A_747, %get3A_731 : vector<16xi32>
    %swap3A_749 = arith.constant 3 : i32
    %swap3A_750 = arith.index_cast %swap3A_749 : i32 to index
    %swap3A_751 = arith.constant 64 : index
    %swap3A_752 = tpu.vector_load %arg11[%swap3A_750, %swap3A_751] {strides = array<i32>} : memref<4x128xi32, #tpu.memory_space<vmem>>, vector<1x16xi32>,
    %swap3A_753 = vector.shape_cast %swap3A_752 : vector<1x16xi32> to vector<16xi32>
    %swap3A_754 = vector.shape_cast %add3A_748 : vector<16xi32> to vector<1x16xi32>
    tpu.vector_store %arg11[%swap3A_750, %swap3A_751], %swap3A_754 {strides = array<i32>} : memref<4x128xi32, #tpu.memory_space<vmem>>, vector<1x16xi32>,
    %get3A_755 = arith.constant 464 : index
    %get3A_756 = tpu.vector_load %arg8[%get3A_755] {strides = array<i32>} : memref<512xi32, #tpu.memory_space<vmem>>, vector<16xi32>,
    %get3A_757 = vector.shape_cast %get3A_756 : vector<16xi32> to vector<16xi32>
    %get3A_758 = arith.constant 464 : index
    %get3A_759 = tpu.vector_load %arg9[%get3A_758] {strides = array<i32>} : memref<512xi32, #tpu.memory_space<vmem>>, vector<16xi32>,
    %get3A_760 = vector.shape_cast %get3A_759 : vector<16xi32> to vector<16xi32>
    %mul3A_761 = arith.constant 1000 : i32
    %mul3A_762 = vector.broadcast %mul3A_761 : i32 to vector<16xi32>
    %mul3A_763 = arith.muli %get3A_757, %mul3A_762 : vector<16xi32>
    %add3A_764 = arith.addi %mul3A_763, %get3A_760 : vector<16xi32>
    %swap3A_765 = arith.constant 3 : i32
    %swap3A_766 = arith.index_cast %swap3A_765 : i32 to index
    %swap3A_767 = arith.constant 80 : index
    %swap3A_768 = tpu.vector_load %arg10[%swap3A_766, %swap3A_767] {strides = array<i32>} : memref<4x128xi32, #tpu.memory_space<vmem>>, vector<1x16xi32>,
    %swap3A_769 = vector.shape_cast %swap3A_768 : vector<1x16xi32> to vector<16xi32>
    %swap3A_770 = vector.shape_cast %add3A_764 : vector<16xi32> to vector<1x16xi32>
    tpu.vector_store %arg10[%swap3A_766, %swap3A_767], %swap3A_770 {strides = array<i32>} : memref<4x128xi32, #tpu.memory_space<vmem>>, vector<1x16xi32>,
    %mul3A_771 = arith.constant 1000 : i32
    %mul3A_772 = vector.broadcast %mul3A_771 : i32 to vector<16xi32>
    %mul3A_773 = arith.muli %get3A_760, %mul3A_772 : vector<16xi32>
    %add3A_774 = arith.addi %mul3A_773, %get3A_757 : vector<16xi32>
    %swap3A_775 = arith.constant 3 : i32
    %swap3A_776 = arith.index_cast %swap3A_775 : i32 to index
    %swap3A_777 = arith.constant 80 : index
    %swap3A_778 = tpu.vector_load %arg11[%swap3A_776, %swap3A_777] {strides = array<i32>} : memref<4x128xi32, #tpu.memory_space<vmem>>, vector<1x16xi32>,
    %swap3A_779 = vector.shape_cast %swap3A_778 : vector<1x16xi32> to vector<16xi32>
    %swap3A_780 = vector.shape_cast %add3A_774 : vector<16xi32> to vector<1x16xi32>
    tpu.vector_store %arg11[%swap3A_776, %swap3A_777], %swap3A_780 {strides = array<i32>} : memref<4x128xi32, #tpu.memory_space<vmem>>, vector<1x16xi32>,
    %get3A_781 = arith.constant 480 : index
    %get3A_782 = tpu.vector_load %arg8[%get3A_781] {strides = array<i32>} : memref<512xi32, #tpu.memory_space<vmem>>, vector<16xi32>,
    %get3A_783 = vector.shape_cast %get3A_782 : vector<16xi32> to vector<16xi32>
    %get3A_784 = arith.constant 480 : index
    %get3A_785 = tpu.vector_load %arg9[%get3A_784] {strides = array<i32>} : memref<512xi32, #tpu.memory_space<vmem>>, vector<16xi32>,
    %get3A_786 = vector.shape_cast %get3A_785 : vector<16xi32> to vector<16xi32>
    %mul3A_787 = arith.constant 1000 : i32
    %mul3A_788 = vector.broadcast %mul3A_787 : i32 to vector<16xi32>
    %mul3A_789 = arith.muli %get3A_783, %mul3A_788 : vector<16xi32>
    %add3A_790 = arith.addi %mul3A_789, %get3A_786 : vector<16xi32>
    %swap3A_791 = arith.constant 3 : i32
    %swap3A_792 = arith.index_cast %swap3A_791 : i32 to index
    %swap3A_793 = arith.constant 96 : index
    %swap3A_794 = tpu.vector_load %arg10[%swap3A_792, %swap3A_793] {strides = array<i32>} : memref<4x128xi32, #tpu.memory_space<vmem>>, vector<1x16xi32>,
    %swap3A_795 = vector.shape_cast %swap3A_794 : vector<1x16xi32> to vector<16xi32>
    %swap3A_796 = vector.shape_cast %add3A_790 : vector<16xi32> to vector<1x16xi32>
    tpu.vector_store %arg10[%swap3A_792, %swap3A_793], %swap3A_796 {strides = array<i32>} : memref<4x128xi32, #tpu.memory_space<vmem>>, vector<1x16xi32>,
    %mul3A_797 = arith.constant 1000 : i32
    %mul3A_798 = vector.broadcast %mul3A_797 : i32 to vector<16xi32>
    %mul3A_799 = arith.muli %get3A_786, %mul3A_798 : vector<16xi32>
    %add3A_800 = arith.addi %mul3A_799, %get3A_783 : vector<16xi32>
    %swap3A_801 = arith.constant 3 : i32
    %swap3A_802 = arith.index_cast %swap3A_801 : i32 to index
    %swap3A_803 = arith.constant 96 : index
    %swap3A_804 = tpu.vector_load %arg11[%swap3A_802, %swap3A_803] {strides = array<i32>} : memref<4x128xi32, #tpu.memory_space<vmem>>, vector<1x16xi32>,
    %swap3A_805 = vector.shape_cast %swap3A_804 : vector<1x16xi32> to vector<16xi32>
    %swap3A_806 = vector.shape_cast %add3A_800 : vector<16xi32> to vector<1x16xi32>
    tpu.vector_store %arg11[%swap3A_802, %swap3A_803], %swap3A_806 {strides = array<i32>} : memref<4x128xi32, #tpu.memory_space<vmem>>, vector<1x16xi32>,
    %get3A_807 = arith.constant 496 : index
    %get3A_808 = tpu.vector_load %arg8[%get3A_807] {strides = array<i32>} : memref<512xi32, #tpu.memory_space<vmem>>, vector<16xi32>,
    %get3A_809 = vector.shape_cast %get3A_808 : vector<16xi32> to vector<16xi32>
    %get3A_810 = arith.constant 496 : index
    %get3A_811 = tpu.vector_load %arg9[%get3A_810] {strides = array<i32>} : memref<512xi32, #tpu.memory_space<vmem>>, vector<16xi32>,
    %get3A_812 = vector.shape_cast %get3A_811 : vector<16xi32> to vector<16xi32>
    %mul3A_813 = arith.constant 1000 : i32
    %mul3A_814 = vector.broadcast %mul3A_813 : i32 to vector<16xi32>
    %mul3A_815 = arith.muli %get3A_809, %mul3A_814 : vector<16xi32>
    %add3A_816 = arith.addi %mul3A_815, %get3A_812 : vector<16xi32>
    %swap3A_817 = arith.constant 3 : i32
    %swap3A_818 = arith.index_cast %swap3A_817 : i32 to index
    %swap3A_819 = arith.constant 112 : index
    %swap3A_820 = tpu.vector_load %arg10[%swap3A_818, %swap3A_819] {strides = array<i32>} : memref<4x128xi32, #tpu.memory_space<vmem>>, vector<1x16xi32>,
    %swap3A_821 = vector.shape_cast %swap3A_820 : vector<1x16xi32> to vector<16xi32>
    %swap3A_822 = vector.shape_cast %add3A_816 : vector<16xi32> to vector<1x16xi32>
    tpu.vector_store %arg10[%swap3A_818, %swap3A_819], %swap3A_822 {strides = array<i32>} : memref<4x128xi32, #tpu.memory_space<vmem>>, vector<1x16xi32>,
    %mul3A_823 = arith.constant 1000 : i32
    %mul3A_824 = vector.broadcast %mul3A_823 : i32 to vector<16xi32>
    %mul3A_825 = arith.muli %get3A_812, %mul3A_824 : vector<16xi32>
    %add3A_826 = arith.addi %mul3A_825, %get3A_809 : vector<16xi32>
    %swap3A_827 = arith.constant 3 : i32
    %swap3A_828 = arith.index_cast %swap3A_827 : i32 to index
    %swap3A_829 = arith.constant 112 : index
    %swap3A_830 = tpu.vector_load %arg11[%swap3A_828, %swap3A_829] {strides = array<i32>} : memref<4x128xi32, #tpu.memory_space<vmem>>, vector<1x16xi32>,
    %swap3A_831 = vector.shape_cast %swap3A_830 : vector<1x16xi32> to vector<16xi32>
    %swap3A_832 = vector.shape_cast %add3A_826 : vector<16xi32> to vector<1x16xi32>
    tpu.vector_store %arg11[%swap3A_828, %swap3A_829], %swap3A_832 {strides = array<i32>} : memref<4x128xi32, #tpu.memory_space<vmem>>, vector<1x16xi32>,
    %dma_start3A = arith.constant 0 : i32
    %dma_start3A_833 = arith.constant 0 : i32
    %dma_start3A_834 = arith.constant 0 : i32
    %dma_start3A_835 = tpu.memref_slice %arg12[%dma_start3A_833, %dma_start3A_834] : memref<4x128xf32, #tpu.memory_space<vmem>> -> memref<1x128xf32, #tpu.memory_space<vmem>>
    %dma_start3A_836 = tpu.memref_squeeze %dma_start3A_835 : memref<1x128xf32, #tpu.memory_space<vmem>> -> memref<128xf32, #tpu.memory_space<vmem>>
    %dma_start3A_837 = arith.constant 0 : i32
    %dma_start3A_838 = tpu.memref_slice %arg10[%dma_start3A, %dma_start3A_837] : memref<4x128xi32, #tpu.memory_space<vmem>> -> memref<1x128xi32, #tpu.memory_space<vmem>>
    %dma_start3A_839 = tpu.memref_squeeze %dma_start3A_838 : memref<1x128xi32, #tpu.memory_space<vmem>> -> memref<128xi32, #tpu.memory_space<vmem>>
    %dma_start3A_840 = arith.constant 0 : i32
    %dma_start3A_841 = tpu.memref_slice %arg4[%dma_start3A_840] : memref<1000000xf32, #tpu.memory_space<hbm>> -> memref<1000000xf32, #tpu.memory_space<hbm>>
    tpu.enqueue_indirect_dma source(%dma_start3A_841 : memref<1000000xf32, #tpu.memory_space<hbm>>) target(%dma_start3A_836 : memref<128xf32, #tpu.memory_space<vmem>>) offsets(%dma_start3A_839 : memref<128xi32, #tpu.memory_space<vmem>>) semaphore(%arg16 : memref<!tpu.dma_semaphore, #tpu.memory_space<semaphore_mem>>)
    %dma_start3A_842 = arith.constant 0 : i32
    %dma_start3A_843 = arith.constant 0 : i32
    %dma_start3A_844 = arith.constant 0 : i32
    %dma_start3A_845 = tpu.memref_slice %arg13[%dma_start3A_843, %dma_start3A_844] : memref<4x128xf32, #tpu.memory_space<vmem>> -> memref<1x128xf32, #tpu.memory_space<vmem>>
    %dma_start3A_846 = tpu.memref_squeeze %dma_start3A_845 : memref<1x128xf32, #tpu.memory_space<vmem>> -> memref<128xf32, #tpu.memory_space<vmem>>
    %dma_start3A_847 = arith.constant 0 : i32
    %dma_start3A_848 = tpu.memref_slice %arg11[%dma_start3A_842, %dma_start3A_847] : memref<4x128xi32, #tpu.memory_space<vmem>> -> memref<1x128xi32, #tpu.memory_space<vmem>>
    %dma_start3A_849 = tpu.memref_squeeze %dma_start3A_848 : memref<1x128xi32, #tpu.memory_space<vmem>> -> memref<128xi32, #tpu.memory_space<vmem>>
    %dma_start3A_850 = arith.constant 0 : i32
    %dma_start3A_851 = tpu.memref_slice %arg5[%dma_start3A_850] : memref<1000000xf32, #tpu.memory_space<hbm>> -> memref<1000000xf32, #tpu.memory_space<hbm>>
    tpu.enqueue_indirect_dma source(%dma_start3A_851 : memref<1000000xf32, #tpu.memory_space<hbm>>) target(%dma_start3A_846 : memref<128xf32, #tpu.memory_space<vmem>>) offsets(%dma_start3A_849 : memref<128xi32, #tpu.memory_space<vmem>>) semaphore(%arg16 : memref<!tpu.dma_semaphore, #tpu.memory_space<semaphore_mem>>)
    %dma_start3A_852 = arith.constant 1 : i32
    %dma_start3A_853 = arith.constant 1 : i32
    %dma_start3A_854 = arith.constant 0 : i32
    %dma_start3A_855 = tpu.memref_slice %arg12[%dma_start3A_853, %dma_start3A_854] : memref<4x128xf32, #tpu.memory_space<vmem>> -> memref<1x128xf32, #tpu.memory_space<vmem>>
    %dma_start3A_856 = tpu.memref_squeeze %dma_start3A_855 : memref<1x128xf32, #tpu.memory_space<vmem>> -> memref<128xf32, #tpu.memory_space<vmem>>
    %dma_start3A_857 = arith.constant 0 : i32
    %dma_start3A_858 = tpu.memref_slice %arg10[%dma_start3A_852, %dma_start3A_857] : memref<4x128xi32, #tpu.memory_space<vmem>> -> memref<1x128xi32, #tpu.memory_space<vmem>>
    %dma_start3A_859 = tpu.memref_squeeze %dma_start3A_858 : memref<1x128xi32, #tpu.memory_space<vmem>> -> memref<128xi32, #tpu.memory_space<vmem>>
    %dma_start3A_860 = arith.constant 0 : i32
    %dma_start3A_861 = tpu.memref_slice %arg4[%dma_start3A_860] : memref<1000000xf32, #tpu.memory_space<hbm>> -> memref<1000000xf32, #tpu.memory_space<hbm>>
    tpu.enqueue_indirect_dma source(%dma_start3A_861 : memref<1000000xf32, #tpu.memory_space<hbm>>) target(%dma_start3A_856 : memref<128xf32, #tpu.memory_space<vmem>>) offsets(%dma_start3A_859 : memref<128xi32, #tpu.memory_space<vmem>>) semaphore(%arg16 : memref<!tpu.dma_semaphore, #tpu.memory_space<semaphore_mem>>)
    %dma_start3A_862 = arith.constant 1 : i32
    %dma_start3A_863 = arith.constant 1 : i32
    %dma_start3A_864 = arith.constant 0 : i32
    %dma_start3A_865 = tpu.memref_slice %arg13[%dma_start3A_863, %dma_start3A_864] : memref<4x128xf32, #tpu.memory_space<vmem>> -> memref<1x128xf32, #tpu.memory_space<vmem>>
    %dma_start3A_866 = tpu.memref_squeeze %dma_start3A_865 : memref<1x128xf32, #tpu.memory_space<vmem>> -> memref<128xf32, #tpu.memory_space<vmem>>
    %dma_start3A_867 = arith.constant 0 : i32
    %dma_start3A_868 = tpu.memref_slice %arg11[%dma_start3A_862, %dma_start3A_867] : memref<4x128xi32, #tpu.memory_space<vmem>> -> memref<1x128xi32, #tpu.memory_space<vmem>>
    %dma_start3A_869 = tpu.memref_squeeze %dma_start3A_868 : memref<1x128xi32, #tpu.memory_space<vmem>> -> memref<128xi32, #tpu.memory_space<vmem>>
    %dma_start3A_870 = arith.constant 0 : i32
    %dma_start3A_871 = tpu.memref_slice %arg5[%dma_start3A_870] : memref<1000000xf32, #tpu.memory_space<hbm>> -> memref<1000000xf32, #tpu.memory_space<hbm>>
    tpu.enqueue_indirect_dma source(%dma_start3A_871 : memref<1000000xf32, #tpu.memory_space<hbm>>) target(%dma_start3A_866 : memref<128xf32, #tpu.memory_space<vmem>>) offsets(%dma_start3A_869 : memref<128xi32, #tpu.memory_space<vmem>>) semaphore(%arg16 : memref<!tpu.dma_semaphore, #tpu.memory_space<semaphore_mem>>)
    %dma_start3A_872 = arith.constant 2 : i32
    %dma_start3A_873 = arith.constant 2 : i32
    %dma_start3A_874 = arith.constant 0 : i32
    %dma_start3A_875 = tpu.memref_slice %arg12[%dma_start3A_873, %dma_start3A_874] : memref<4x128xf32, #tpu.memory_space<vmem>> -> memref<1x128xf32, #tpu.memory_space<vmem>>
    %dma_start3A_876 = tpu.memref_squeeze %dma_start3A_875 : memref<1x128xf32, #tpu.memory_space<vmem>> -> memref<128xf32, #tpu.memory_space<vmem>>
    %dma_start3A_877 = arith.constant 0 : i32
    %dma_start3A_878 = tpu.memref_slice %arg10[%dma_start3A_872, %dma_start3A_877] : memref<4x128xi32, #tpu.memory_space<vmem>> -> memref<1x128xi32, #tpu.memory_space<vmem>>
    %dma_start3A_879 = tpu.memref_squeeze %dma_start3A_878 : memref<1x128xi32, #tpu.memory_space<vmem>> -> memref<128xi32, #tpu.memory_space<vmem>>
    %dma_start3A_880 = arith.constant 0 : i32
    %dma_start3A_881 = tpu.memref_slice %arg4[%dma_start3A_880] : memref<1000000xf32, #tpu.memory_space<hbm>> -> memref<1000000xf32, #tpu.memory_space<hbm>>
    tpu.enqueue_indirect_dma source(%dma_start3A_881 : memref<1000000xf32, #tpu.memory_space<hbm>>) target(%dma_start3A_876 : memref<128xf32, #tpu.memory_space<vmem>>) offsets(%dma_start3A_879 : memref<128xi32, #tpu.memory_space<vmem>>) semaphore(%arg16 : memref<!tpu.dma_semaphore, #tpu.memory_space<semaphore_mem>>)
    %dma_start3A_882 = arith.constant 2 : i32
    %dma_start3A_883 = arith.constant 2 : i32
    %dma_start3A_884 = arith.constant 0 : i32
    %dma_start3A_885 = tpu.memref_slice %arg13[%dma_start3A_883, %dma_start3A_884] : memref<4x128xf32, #tpu.memory_space<vmem>> -> memref<1x128xf32, #tpu.memory_space<vmem>>
    %dma_start3A_886 = tpu.memref_squeeze %dma_start3A_885 : memref<1x128xf32, #tpu.memory_space<vmem>> -> memref<128xf32, #tpu.memory_space<vmem>>
    %dma_start3A_887 = arith.constant 0 : i32
    %dma_start3A_888 = tpu.memref_slice %arg11[%dma_start3A_882, %dma_start3A_887] : memref<4x128xi32, #tpu.memory_space<vmem>> -> memref<1x128xi32, #tpu.memory_space<vmem>>
    %dma_start3A_889 = tpu.memref_squeeze %dma_start3A_888 : memref<1x128xi32, #tpu.memory_space<vmem>> -> memref<128xi32, #tpu.memory_space<vmem>>
    %dma_start3A_890 = arith.constant 0 : i32
    %dma_start3A_891 = tpu.memref_slice %arg5[%dma_start3A_890] : memref<1000000xf32, #tpu.memory_space<hbm>> -> memref<1000000xf32, #tpu.memory_space<hbm>>
    tpu.enqueue_indirect_dma source(%dma_start3A_891 : memref<1000000xf32, #tpu.memory_space<hbm>>) target(%dma_start3A_886 : memref<128xf32, #tpu.memory_space<vmem>>) offsets(%dma_start3A_889 : memref<128xi32, #tpu.memory_space<vmem>>) semaphore(%arg16 : memref<!tpu.dma_semaphore, #tpu.memory_space<semaphore_mem>>)
    %dma_start3A_892 = arith.constant 3 : i32
    %dma_start3A_893 = arith.constant 3 : i32
    %dma_start3A_894 = arith.constant 0 : i32
    %dma_start3A_895 = tpu.memref_slice %arg12[%dma_start3A_893, %dma_start3A_894] : memref<4x128xf32, #tpu.memory_space<vmem>> -> memref<1x128xf32, #tpu.memory_space<vmem>>
    %dma_start3A_896 = tpu.memref_squeeze %dma_start3A_895 : memref<1x128xf32, #tpu.memory_space<vmem>> -> memref<128xf32, #tpu.memory_space<vmem>>
    %dma_start3A_897 = arith.constant 0 : i32
    %dma_start3A_898 = tpu.memref_slice %arg10[%dma_start3A_892, %dma_start3A_897] : memref<4x128xi32, #tpu.memory_space<vmem>> -> memref<1x128xi32, #tpu.memory_space<vmem>>
    %dma_start3A_899 = tpu.memref_squeeze %dma_start3A_898 : memref<1x128xi32, #tpu.memory_space<vmem>> -> memref<128xi32, #tpu.memory_space<vmem>>
    %dma_start3A_900 = arith.constant 0 : i32
    %dma_start3A_901 = tpu.memref_slice %arg4[%dma_start3A_900] : memref<1000000xf32, #tpu.memory_space<hbm>> -> memref<1000000xf32, #tpu.memory_space<hbm>>
    tpu.enqueue_indirect_dma source(%dma_start3A_901 : memref<1000000xf32, #tpu.memory_space<hbm>>) target(%dma_start3A_896 : memref<128xf32, #tpu.memory_space<vmem>>) offsets(%dma_start3A_899 : memref<128xi32, #tpu.memory_space<vmem>>) semaphore(%arg16 : memref<!tpu.dma_semaphore, #tpu.memory_space<semaphore_mem>>)
    %dma_start3A_902 = arith.constant 3 : i32
    %dma_start3A_903 = arith.constant 3 : i32
    %dma_start3A_904 = arith.constant 0 : i32
    %dma_start3A_905 = tpu.memref_slice %arg13[%dma_start3A_903, %dma_start3A_904] : memref<4x128xf32, #tpu.memory_space<vmem>> -> memref<1x128xf32, #tpu.memory_space<vmem>>
    %dma_start3A_906 = tpu.memref_squeeze %dma_start3A_905 : memref<1x128xf32, #tpu.memory_space<vmem>> -> memref<128xf32, #tpu.memory_space<vmem>>
    %dma_start3A_907 = arith.constant 0 : i32
    %dma_start3A_908 = tpu.memref_slice %arg11[%dma_start3A_902, %dma_start3A_907] : memref<4x128xi32, #tpu.memory_space<vmem>> -> memref<1x128xi32, #tpu.memory_space<vmem>>
    %dma_start3A_909 = tpu.memref_squeeze %dma_start3A_908 : memref<1x128xi32, #tpu.memory_space<vmem>> -> memref<128xi32, #tpu.memory_space<vmem>>
    %dma_start3A_910 = arith.constant 0 : i32
    %dma_start3A_911 = tpu.memref_slice %arg5[%dma_start3A_910] : memref<1000000xf32, #tpu.memory_space<hbm>> -> memref<1000000xf32, #tpu.memory_space<hbm>>
    tpu.enqueue_indirect_dma source(%dma_start3A_911 : memref<1000000xf32, #tpu.memory_space<hbm>>) target(%dma_start3A_906 : memref<128xf32, #tpu.memory_space<vmem>>) offsets(%dma_start3A_909 : memref<128xi32, #tpu.memory_space<vmem>>) semaphore(%arg16 : memref<!tpu.dma_semaphore, #tpu.memory_space<semaphore_mem>>)
    %dma_wait3A = arith.constant 0 : i32
    %dma_wait3A_912 = arith.constant 0 : i32
    %dma_wait3A_913 = arith.constant 0 : i32
    %dma_wait3A_914 = tpu.memref_slice %arg12[%dma_wait3A_912, %dma_wait3A_913] : memref<4x128xf32, #tpu.memory_space<vmem>> -> memref<1x128xf32, #tpu.memory_space<vmem>>
    %dma_wait3A_915 = tpu.memref_squeeze %dma_wait3A_914 : memref<1x128xf32, #tpu.memory_space<vmem>> -> memref<128xf32, #tpu.memory_space<vmem>>
    %dma_wait3A_916 = arith.constant 0 : i32
    %dma_wait3A_917 = tpu.memref_slice %arg10[%dma_wait3A, %dma_wait3A_916] : memref<4x128xi32, #tpu.memory_space<vmem>> -> memref<1x128xi32, #tpu.memory_space<vmem>>
    %dma_wait3A_918 = tpu.memref_squeeze %dma_wait3A_917 : memref<1x128xi32, #tpu.memory_space<vmem>> -> memref<128xi32, #tpu.memory_space<vmem>>
    %dma_wait3A_919 = arith.constant 0 : i32
    %dma_wait3A_920 = tpu.memref_slice %arg4[%dma_wait3A_919] : memref<1000000xf32, #tpu.memory_space<hbm>> -> memref<1000000xf32, #tpu.memory_space<hbm>>
    tpu.wait_indirect_dma semaphore(%arg16 : memref<!tpu.dma_semaphore, #tpu.memory_space<semaphore_mem>>) src(%dma_wait3A_920 : memref<1000000xf32, #tpu.memory_space<hbm>>) dst(%dma_wait3A_915 : memref<128xf32, #tpu.memory_space<vmem>>)
    %dma_wait3A_921 = arith.constant 0 : i32
    %dma_wait3A_922 = arith.constant 0 : i32
    %dma_wait3A_923 = arith.constant 0 : i32
    %dma_wait3A_924 = tpu.memref_slice %arg13[%dma_wait3A_922, %dma_wait3A_923] : memref<4x128xf32, #tpu.memory_space<vmem>> -> memref<1x128xf32, #tpu.memory_space<vmem>>
    %dma_wait3A_925 = tpu.memref_squeeze %dma_wait3A_924 : memref<1x128xf32, #tpu.memory_space<vmem>> -> memref<128xf32, #tpu.memory_space<vmem>>
    %dma_wait3A_926 = arith.constant 0 : i32
    %dma_wait3A_927 = tpu.memref_slice %arg11[%dma_wait3A_921, %dma_wait3A_926] : memref<4x128xi32, #tpu.memory_space<vmem>> -> memref<1x128xi32, #tpu.memory_space<vmem>>
    %dma_wait3A_928 = tpu.memref_squeeze %dma_wait3A_927 : memref<1x128xi32, #tpu.memory_space<vmem>> -> memref<128xi32, #tpu.memory_space<vmem>>
    %dma_wait3A_929 = arith.constant 0 : i32
    %dma_wait3A_930 = tpu.memref_slice %arg5[%dma_wait3A_929] : memref<1000000xf32, #tpu.memory_space<hbm>> -> memref<1000000xf32, #tpu.memory_space<hbm>>
    tpu.wait_indirect_dma semaphore(%arg16 : memref<!tpu.dma_semaphore, #tpu.memory_space<semaphore_mem>>) src(%dma_wait3A_930 : memref<1000000xf32, #tpu.memory_space<hbm>>) dst(%dma_wait3A_925 : memref<128xf32, #tpu.memory_space<vmem>>)
    %dma_wait3A_931 = arith.constant 1 : i32
    %dma_wait3A_932 = arith.constant 1 : i32
    %dma_wait3A_933 = arith.constant 0 : i32
    %dma_wait3A_934 = tpu.memref_slice %arg12[%dma_wait3A_932, %dma_wait3A_933] : memref<4x128xf32, #tpu.memory_space<vmem>> -> memref<1x128xf32, #tpu.memory_space<vmem>>
    %dma_wait3A_935 = tpu.memref_squeeze %dma_wait3A_934 : memref<1x128xf32, #tpu.memory_space<vmem>> -> memref<128xf32, #tpu.memory_space<vmem>>
    %dma_wait3A_936 = arith.constant 0 : i32
    %dma_wait3A_937 = tpu.memref_slice %arg10[%dma_wait3A_931, %dma_wait3A_936] : memref<4x128xi32, #tpu.memory_space<vmem>> -> memref<1x128xi32, #tpu.memory_space<vmem>>
    %dma_wait3A_938 = tpu.memref_squeeze %dma_wait3A_937 : memref<1x128xi32, #tpu.memory_space<vmem>> -> memref<128xi32, #tpu.memory_space<vmem>>
    %dma_wait3A_939 = arith.constant 0 : i32
    %dma_wait3A_940 = tpu.memref_slice %arg4[%dma_wait3A_939] : memref<1000000xf32, #tpu.memory_space<hbm>> -> memref<1000000xf32, #tpu.memory_space<hbm>>
    tpu.wait_indirect_dma semaphore(%arg16 : memref<!tpu.dma_semaphore, #tpu.memory_space<semaphore_mem>>) src(%dma_wait3A_940 : memref<1000000xf32, #tpu.memory_space<hbm>>) dst(%dma_wait3A_935 : memref<128xf32, #tpu.memory_space<vmem>>)
    %dma_wait3A_941 = arith.constant 1 : i32
    %dma_wait3A_942 = arith.constant 1 : i32
    %dma_wait3A_943 = arith.constant 0 : i32
    %dma_wait3A_944 = tpu.memref_slice %arg13[%dma_wait3A_942, %dma_wait3A_943] : memref<4x128xf32, #tpu.memory_space<vmem>> -> memref<1x128xf32, #tpu.memory_space<vmem>>
    %dma_wait3A_945 = tpu.memref_squeeze %dma_wait3A_944 : memref<1x128xf32, #tpu.memory_space<vmem>> -> memref<128xf32, #tpu.memory_space<vmem>>
    %dma_wait3A_946 = arith.constant 0 : i32
    %dma_wait3A_947 = tpu.memref_slice %arg11[%dma_wait3A_941, %dma_wait3A_946] : memref<4x128xi32, #tpu.memory_space<vmem>> -> memref<1x128xi32, #tpu.memory_space<vmem>>
    %dma_wait3A_948 = tpu.memref_squeeze %dma_wait3A_947 : memref<1x128xi32, #tpu.memory_space<vmem>> -> memref<128xi32, #tpu.memory_space<vmem>>
    %dma_wait3A_949 = arith.constant 0 : i32
    %dma_wait3A_950 = tpu.memref_slice %arg5[%dma_wait3A_949] : memref<1000000xf32, #tpu.memory_space<hbm>> -> memref<1000000xf32, #tpu.memory_space<hbm>>
    tpu.wait_indirect_dma semaphore(%arg16 : memref<!tpu.dma_semaphore, #tpu.memory_space<semaphore_mem>>) src(%dma_wait3A_950 : memref<1000000xf32, #tpu.memory_space<hbm>>) dst(%dma_wait3A_945 : memref<128xf32, #tpu.memory_space<vmem>>)
    %dma_wait3A_951 = arith.constant 2 : i32
    %dma_wait3A_952 = arith.constant 2 : i32
    %dma_wait3A_953 = arith.constant 0 : i32
    %dma_wait3A_954 = tpu.memref_slice %arg12[%dma_wait3A_952, %dma_wait3A_953] : memref<4x128xf32, #tpu.memory_space<vmem>> -> memref<1x128xf32, #tpu.memory_space<vmem>>
    %dma_wait3A_955 = tpu.memref_squeeze %dma_wait3A_954 : memref<1x128xf32, #tpu.memory_space<vmem>> -> memref<128xf32, #tpu.memory_space<vmem>>
    %dma_wait3A_956 = arith.constant 0 : i32
    %dma_wait3A_957 = tpu.memref_slice %arg10[%dma_wait3A_951, %dma_wait3A_956] : memref<4x128xi32, #tpu.memory_space<vmem>> -> memref<1x128xi32, #tpu.memory_space<vmem>>
    %dma_wait3A_958 = tpu.memref_squeeze %dma_wait3A_957 : memref<1x128xi32, #tpu.memory_space<vmem>> -> memref<128xi32, #tpu.memory_space<vmem>>
    %dma_wait3A_959 = arith.constant 0 : i32
    %dma_wait3A_960 = tpu.memref_slice %arg4[%dma_wait3A_959] : memref<1000000xf32, #tpu.memory_space<hbm>> -> memref<1000000xf32, #tpu.memory_space<hbm>>
    tpu.wait_indirect_dma semaphore(%arg16 : memref<!tpu.dma_semaphore, #tpu.memory_space<semaphore_mem>>) src(%dma_wait3A_960 : memref<1000000xf32, #tpu.memory_space<hbm>>) dst(%dma_wait3A_955 : memref<128xf32, #tpu.memory_space<vmem>>)
    %dma_wait3A_961 = arith.constant 2 : i32
    %dma_wait3A_962 = arith.constant 2 : i32
    %dma_wait3A_963 = arith.constant 0 : i32
    %dma_wait3A_964 = tpu.memref_slice %arg13[%dma_wait3A_962, %dma_wait3A_963] : memref<4x128xf32, #tpu.memory_space<vmem>> -> memref<1x128xf32, #tpu.memory_space<vmem>>
    %dma_wait3A_965 = tpu.memref_squeeze %dma_wait3A_964 : memref<1x128xf32, #tpu.memory_space<vmem>> -> memref<128xf32, #tpu.memory_space<vmem>>
    %dma_wait3A_966 = arith.constant 0 : i32
    %dma_wait3A_967 = tpu.memref_slice %arg11[%dma_wait3A_961, %dma_wait3A_966] : memref<4x128xi32, #tpu.memory_space<vmem>> -> memref<1x128xi32, #tpu.memory_space<vmem>>
    %dma_wait3A_968 = tpu.memref_squeeze %dma_wait3A_967 : memref<1x128xi32, #tpu.memory_space<vmem>> -> memref<128xi32, #tpu.memory_space<vmem>>
    %dma_wait3A_969 = arith.constant 0 : i32
    %dma_wait3A_970 = tpu.memref_slice %arg5[%dma_wait3A_969] : memref<1000000xf32, #tpu.memory_space<hbm>> -> memref<1000000xf32, #tpu.memory_space<hbm>>
    tpu.wait_indirect_dma semaphore(%arg16 : memref<!tpu.dma_semaphore, #tpu.memory_space<semaphore_mem>>) src(%dma_wait3A_970 : memref<1000000xf32, #tpu.memory_space<hbm>>) dst(%dma_wait3A_965 : memref<128xf32, #tpu.memory_space<vmem>>)
    %dma_wait3A_971 = arith.constant 3 : i32
    %dma_wait3A_972 = arith.constant 3 : i32
    %dma_wait3A_973 = arith.constant 0 : i32
    %dma_wait3A_974 = tpu.memref_slice %arg12[%dma_wait3A_972, %dma_wait3A_973] : memref<4x128xf32, #tpu.memory_space<vmem>> -> memref<1x128xf32, #tpu.memory_space<vmem>>
    %dma_wait3A_975 = tpu.memref_squeeze %dma_wait3A_974 : memref<1x128xf32, #tpu.memory_space<vmem>> -> memref<128xf32, #tpu.memory_space<vmem>>
    %dma_wait3A_976 = arith.constant 0 : i32
    %dma_wait3A_977 = tpu.memref_slice %arg10[%dma_wait3A_971, %dma_wait3A_976] : memref<4x128xi32, #tpu.memory_space<vmem>> -> memref<1x128xi32, #tpu.memory_space<vmem>>
    %dma_wait3A_978 = tpu.memref_squeeze %dma_wait3A_977 : memref<1x128xi32, #tpu.memory_space<vmem>> -> memref<128xi32, #tpu.memory_space<vmem>>
    %dma_wait3A_979 = arith.constant 0 : i32
    %dma_wait3A_980 = tpu.memref_slice %arg4[%dma_wait3A_979] : memref<1000000xf32, #tpu.memory_space<hbm>> -> memref<1000000xf32, #tpu.memory_space<hbm>>
    tpu.wait_indirect_dma semaphore(%arg16 : memref<!tpu.dma_semaphore, #tpu.memory_space<semaphore_mem>>) src(%dma_wait3A_980 : memref<1000000xf32, #tpu.memory_space<hbm>>) dst(%dma_wait3A_975 : memref<128xf32, #tpu.memory_space<vmem>>)
    %dma_wait3A_981 = arith.constant 3 : i32
    %dma_wait3A_982 = arith.constant 3 : i32
    %dma_wait3A_983 = arith.constant 0 : i32
    %dma_wait3A_984 = tpu.memref_slice %arg13[%dma_wait3A_982, %dma_wait3A_983] : memref<4x128xf32, #tpu.memory_space<vmem>> -> memref<1x128xf32, #tpu.memory_space<vmem>>
    %dma_wait3A_985 = tpu.memref_squeeze %dma_wait3A_984 : memref<1x128xf32, #tpu.memory_space<vmem>> -> memref<128xf32, #tpu.memory_space<vmem>>
    %dma_wait3A_986 = arith.constant 0 : i32
    %dma_wait3A_987 = tpu.memref_slice %arg11[%dma_wait3A_981, %dma_wait3A_986] : memref<4x128xi32, #tpu.memory_space<vmem>> -> memref<1x128xi32, #tpu.memory_space<vmem>>
    %dma_wait3A_988 = tpu.memref_squeeze %dma_wait3A_987 : memref<1x128xi32, #tpu.memory_space<vmem>> -> memref<128xi32, #tpu.memory_space<vmem>>
    %dma_wait3A_989 = arith.constant 0 : i32
    %dma_wait3A_990 = tpu.memref_slice %arg5[%dma_wait3A_989] : memref<1000000xf32, #tpu.memory_space<hbm>> -> memref<1000000xf32, #tpu.memory_space<hbm>>
    tpu.wait_indirect_dma semaphore(%arg16 : memref<!tpu.dma_semaphore, #tpu.memory_space<semaphore_mem>>) src(%dma_wait3A_990 : memref<1000000xf32, #tpu.memory_space<hbm>>) dst(%dma_wait3A_985 : memref<128xf32, #tpu.memory_space<vmem>>)
    %broadcast_in_dim3A = arith.constant 0.000000e+00 : f32
    %broadcast_in_dim3A_991 = vector.broadcast %broadcast_in_dim3A : f32 to vector<16xf32>
    %broadcast_in_dim3A_992 = arith.constant 0.000000e+00 : f32
    %broadcast_in_dim3A_993 = vector.broadcast %broadcast_in_dim3A_992 : f32 to vector<16xf32>
    %get3A_994 = arith.constant 0 : i32
    %get3A_995 = arith.index_cast %get3A_994 : i32 to index
    %get3A_996 = arith.constant 0 : index
    %get3A_997 = tpu.vector_load %arg12[%get3A_995, %get3A_996] {strides = array<i32>} : memref<4x128xf32, #tpu.memory_space<vmem>>, vector<1x16xf32>,
    %get3A_998 = vector.shape_cast %get3A_997 : vector<1x16xf32> to vector<16xf32>
    %add3A_999 = arith.addf %broadcast_in_dim3A_991, %get3A_998 : vector<16xf32>
    %get3A_1000 = arith.constant 0 : i32
    %get3A_1001 = arith.index_cast %get3A_1000 : i32 to index
    %get3A_1002 = arith.constant 0 : index
    %get3A_1003 = tpu.vector_load %arg13[%get3A_1001, %get3A_1002] {strides = array<i32>} : memref<4x128xf32, #tpu.memory_space<vmem>>, vector<1x16xf32>,
    %get3A_1004 = vector.shape_cast %get3A_1003 : vector<1x16xf32> to vector<16xf32>
    %add3A_1005 = arith.addf %broadcast_in_dim3A_993, %get3A_1004 : vector<16xf32>
    %get3A_1006 = arith.constant 0 : i32
    %get3A_1007 = arith.index_cast %get3A_1006 : i32 to index
    %get3A_1008 = arith.constant 16 : index
    %get3A_1009 = tpu.vector_load %arg12[%get3A_1007, %get3A_1008] {strides = array<i32>} : memref<4x128xf32, #tpu.memory_space<vmem>>, vector<1x16xf32>,
    %get3A_1010 = vector.shape_cast %get3A_1009 : vector<1x16xf32> to vector<16xf32>
    %add3A_1011 = arith.addf %add3A_999, %get3A_1010 : vector<16xf32>
    %get3A_1012 = arith.constant 0 : i32
    %get3A_1013 = arith.index_cast %get3A_1012 : i32 to index
    %get3A_1014 = arith.constant 16 : index
    %get3A_1015 = tpu.vector_load %arg13[%get3A_1013, %get3A_1014] {strides = array<i32>} : memref<4x128xf32, #tpu.memory_space<vmem>>, vector<1x16xf32>,
    %get3A_1016 = vector.shape_cast %get3A_1015 : vector<1x16xf32> to vector<16xf32>
    %add3A_1017 = arith.addf %add3A_1005, %get3A_1016 : vector<16xf32>
    %get3A_1018 = arith.constant 0 : i32
    %get3A_1019 = arith.index_cast %get3A_1018 : i32 to index
    %get3A_1020 = arith.constant 32 : index
    %get3A_1021 = tpu.vector_load %arg12[%get3A_1019, %get3A_1020] {strides = array<i32>} : memref<4x128xf32, #tpu.memory_space<vmem>>, vector<1x16xf32>,
    %get3A_1022 = vector.shape_cast %get3A_1021 : vector<1x16xf32> to vector<16xf32>
    %add3A_1023 = arith.addf %add3A_1011, %get3A_1022 : vector<16xf32>
    %get3A_1024 = arith.constant 0 : i32
    %get3A_1025 = arith.index_cast %get3A_1024 : i32 to index
    %get3A_1026 = arith.constant 32 : index
    %get3A_1027 = tpu.vector_load %arg13[%get3A_1025, %get3A_1026] {strides = array<i32>} : memref<4x128xf32, #tpu.memory_space<vmem>>, vector<1x16xf32>,
    %get3A_1028 = vector.shape_cast %get3A_1027 : vector<1x16xf32> to vector<16xf32>
    %add3A_1029 = arith.addf %add3A_1017, %get3A_1028 : vector<16xf32>
    %get3A_1030 = arith.constant 0 : i32
    %get3A_1031 = arith.index_cast %get3A_1030 : i32 to index
    %get3A_1032 = arith.constant 48 : index
    %get3A_1033 = tpu.vector_load %arg12[%get3A_1031, %get3A_1032] {strides = array<i32>} : memref<4x128xf32, #tpu.memory_space<vmem>>, vector<1x16xf32>,
    %get3A_1034 = vector.shape_cast %get3A_1033 : vector<1x16xf32> to vector<16xf32>
    %add3A_1035 = arith.addf %add3A_1023, %get3A_1034 : vector<16xf32>
    %get3A_1036 = arith.constant 0 : i32
    %get3A_1037 = arith.index_cast %get3A_1036 : i32 to index
    %get3A_1038 = arith.constant 48 : index
    %get3A_1039 = tpu.vector_load %arg13[%get3A_1037, %get3A_1038] {strides = array<i32>} : memref<4x128xf32, #tpu.memory_space<vmem>>, vector<1x16xf32>,
    %get3A_1040 = vector.shape_cast %get3A_1039 : vector<1x16xf32> to vector<16xf32>
    %add3A_1041 = arith.addf %add3A_1029, %get3A_1040 : vector<16xf32>
    %get3A_1042 = arith.constant 0 : i32
    %get3A_1043 = arith.index_cast %get3A_1042 : i32 to index
    %get3A_1044 = arith.constant 64 : index
    %get3A_1045 = tpu.vector_load %arg12[%get3A_1043, %get3A_1044] {strides = array<i32>} : memref<4x128xf32, #tpu.memory_space<vmem>>, vector<1x16xf32>,
    %get3A_1046 = vector.shape_cast %get3A_1045 : vector<1x16xf32> to vector<16xf32>
    %add3A_1047 = arith.addf %add3A_1035, %get3A_1046 : vector<16xf32>
    %get3A_1048 = arith.constant 0 : i32
    %get3A_1049 = arith.index_cast %get3A_1048 : i32 to index
    %get3A_1050 = arith.constant 64 : index
    %get3A_1051 = tpu.vector_load %arg13[%get3A_1049, %get3A_1050] {strides = array<i32>} : memref<4x128xf32, #tpu.memory_space<vmem>>, vector<1x16xf32>,
    %get3A_1052 = vector.shape_cast %get3A_1051 : vector<1x16xf32> to vector<16xf32>
    %add3A_1053 = arith.addf %add3A_1041, %get3A_1052 : vector<16xf32>
    %get3A_1054 = arith.constant 0 : i32
    %get3A_1055 = arith.index_cast %get3A_1054 : i32 to index
    %get3A_1056 = arith.constant 80 : index
    %get3A_1057 = tpu.vector_load %arg12[%get3A_1055, %get3A_1056] {strides = array<i32>} : memref<4x128xf32, #tpu.memory_space<vmem>>, vector<1x16xf32>,
    %get3A_1058 = vector.shape_cast %get3A_1057 : vector<1x16xf32> to vector<16xf32>
    %add3A_1059 = arith.addf %add3A_1047, %get3A_1058 : vector<16xf32>
    %get3A_1060 = arith.constant 0 : i32
    %get3A_1061 = arith.index_cast %get3A_1060 : i32 to index
    %get3A_1062 = arith.constant 80 : index
    %get3A_1063 = tpu.vector_load %arg13[%get3A_1061, %get3A_1062] {strides = array<i32>} : memref<4x128xf32, #tpu.memory_space<vmem>>, vector<1x16xf32>,
    %get3A_1064 = vector.shape_cast %get3A_1063 : vector<1x16xf32> to vector<16xf32>
    %add3A_1065 = arith.addf %add3A_1053, %get3A_1064 : vector<16xf32>
    %get3A_1066 = arith.constant 0 : i32
    %get3A_1067 = arith.index_cast %get3A_1066 : i32 to index
    %get3A_1068 = arith.constant 96 : index
    %get3A_1069 = tpu.vector_load %arg12[%get3A_1067, %get3A_1068] {strides = array<i32>} : memref<4x128xf32, #tpu.memory_space<vmem>>, vector<1x16xf32>,
    %get3A_1070 = vector.shape_cast %get3A_1069 : vector<1x16xf32> to vector<16xf32>
    %add3A_1071 = arith.addf %add3A_1059, %get3A_1070 : vector<16xf32>
    %get3A_1072 = arith.constant 0 : i32
    %get3A_1073 = arith.index_cast %get3A_1072 : i32 to index
    %get3A_1074 = arith.constant 96 : index
    %get3A_1075 = tpu.vector_load %arg13[%get3A_1073, %get3A_1074] {strides = array<i32>} : memref<4x128xf32, #tpu.memory_space<vmem>>, vector<1x16xf32>,
    %get3A_1076 = vector.shape_cast %get3A_1075 : vector<1x16xf32> to vector<16xf32>
    %add3A_1077 = arith.addf %add3A_1065, %get3A_1076 : vector<16xf32>
    %get3A_1078 = arith.constant 0 : i32
    %get3A_1079 = arith.index_cast %get3A_1078 : i32 to index
    %get3A_1080 = arith.constant 112 : index
    %get3A_1081 = tpu.vector_load %arg12[%get3A_1079, %get3A_1080] {strides = array<i32>} : memref<4x128xf32, #tpu.memory_space<vmem>>, vector<1x16xf32>,
    %get3A_1082 = vector.shape_cast %get3A_1081 : vector<1x16xf32> to vector<16xf32>
    %add3A_1083 = arith.addf %add3A_1071, %get3A_1082 : vector<16xf32>
    %get3A_1084 = arith.constant 0 : i32
    %get3A_1085 = arith.index_cast %get3A_1084 : i32 to index
    %get3A_1086 = arith.constant 112 : index
    %get3A_1087 = tpu.vector_load %arg13[%get3A_1085, %get3A_1086] {strides = array<i32>} : memref<4x128xf32, #tpu.memory_space<vmem>>, vector<1x16xf32>,
    %get3A_1088 = vector.shape_cast %get3A_1087 : vector<1x16xf32> to vector<16xf32>
    %add3A_1089 = arith.addf %add3A_1077, %get3A_1088 : vector<16xf32>
    %get3A_1090 = arith.constant 1 : i32
    %get3A_1091 = arith.index_cast %get3A_1090 : i32 to index
    %get3A_1092 = arith.constant 0 : index
    %get3A_1093 = tpu.vector_load %arg12[%get3A_1091, %get3A_1092] {strides = array<i32>} : memref<4x128xf32, #tpu.memory_space<vmem>>, vector<1x16xf32>,
    %get3A_1094 = vector.shape_cast %get3A_1093 : vector<1x16xf32> to vector<16xf32>
    %add3A_1095 = arith.addf %add3A_1083, %get3A_1094 : vector<16xf32>
    %get3A_1096 = arith.constant 1 : i32
    %get3A_1097 = arith.index_cast %get3A_1096 : i32 to index
    %get3A_1098 = arith.constant 0 : index
    %get3A_1099 = tpu.vector_load %arg13[%get3A_1097, %get3A_1098] {strides = array<i32>} : memref<4x128xf32, #tpu.memory_space<vmem>>, vector<1x16xf32>,
    %get3A_1100 = vector.shape_cast %get3A_1099 : vector<1x16xf32> to vector<16xf32>
    %add3A_1101 = arith.addf %add3A_1089, %get3A_1100 : vector<16xf32>
    %get3A_1102 = arith.constant 1 : i32
    %get3A_1103 = arith.index_cast %get3A_1102 : i32 to index
    %get3A_1104 = arith.constant 16 : index
    %get3A_1105 = tpu.vector_load %arg12[%get3A_1103, %get3A_1104] {strides = array<i32>} : memref<4x128xf32, #tpu.memory_space<vmem>>, vector<1x16xf32>,
    %get3A_1106 = vector.shape_cast %get3A_1105 : vector<1x16xf32> to vector<16xf32>
    %add3A_1107 = arith.addf %add3A_1095, %get3A_1106 : vector<16xf32>
    %get3A_1108 = arith.constant 1 : i32
    %get3A_1109 = arith.index_cast %get3A_1108 : i32 to index
    %get3A_1110 = arith.constant 16 : index
    %get3A_1111 = tpu.vector_load %arg13[%get3A_1109, %get3A_1110] {strides = array<i32>} : memref<4x128xf32, #tpu.memory_space<vmem>>, vector<1x16xf32>,
    %get3A_1112 = vector.shape_cast %get3A_1111 : vector<1x16xf32> to vector<16xf32>
    %add3A_1113 = arith.addf %add3A_1101, %get3A_1112 : vector<16xf32>
    %get3A_1114 = arith.constant 1 : i32
    %get3A_1115 = arith.index_cast %get3A_1114 : i32 to index
    %get3A_1116 = arith.constant 32 : index
    %get3A_1117 = tpu.vector_load %arg12[%get3A_1115, %get3A_1116] {strides = array<i32>} : memref<4x128xf32, #tpu.memory_space<vmem>>, vector<1x16xf32>,
    %get3A_1118 = vector.shape_cast %get3A_1117 : vector<1x16xf32> to vector<16xf32>
    %add3A_1119 = arith.addf %add3A_1107, %get3A_1118 : vector<16xf32>
    %get3A_1120 = arith.constant 1 : i32
    %get3A_1121 = arith.index_cast %get3A_1120 : i32 to index
    %get3A_1122 = arith.constant 32 : index
    %get3A_1123 = tpu.vector_load %arg13[%get3A_1121, %get3A_1122] {strides = array<i32>} : memref<4x128xf32, #tpu.memory_space<vmem>>, vector<1x16xf32>,
    %get3A_1124 = vector.shape_cast %get3A_1123 : vector<1x16xf32> to vector<16xf32>
    %add3A_1125 = arith.addf %add3A_1113, %get3A_1124 : vector<16xf32>
    %get3A_1126 = arith.constant 1 : i32
    %get3A_1127 = arith.index_cast %get3A_1126 : i32 to index
    %get3A_1128 = arith.constant 48 : index
    %get3A_1129 = tpu.vector_load %arg12[%get3A_1127, %get3A_1128] {strides = array<i32>} : memref<4x128xf32, #tpu.memory_space<vmem>>, vector<1x16xf32>,
    %get3A_1130 = vector.shape_cast %get3A_1129 : vector<1x16xf32> to vector<16xf32>
    %add3A_1131 = arith.addf %add3A_1119, %get3A_1130 : vector<16xf32>
    %get3A_1132 = arith.constant 1 : i32
    %get3A_1133 = arith.index_cast %get3A_1132 : i32 to index
    %get3A_1134 = arith.constant 48 : index
    %get3A_1135 = tpu.vector_load %arg13[%get3A_1133, %get3A_1134] {strides = array<i32>} : memref<4x128xf32, #tpu.memory_space<vmem>>, vector<1x16xf32>,
    %get3A_1136 = vector.shape_cast %get3A_1135 : vector<1x16xf32> to vector<16xf32>
    %add3A_1137 = arith.addf %add3A_1125, %get3A_1136 : vector<16xf32>
    %get3A_1138 = arith.constant 1 : i32
    %get3A_1139 = arith.index_cast %get3A_1138 : i32 to index
    %get3A_1140 = arith.constant 64 : index
    %get3A_1141 = tpu.vector_load %arg12[%get3A_1139, %get3A_1140] {strides = array<i32>} : memref<4x128xf32, #tpu.memory_space<vmem>>, vector<1x16xf32>,
    %get3A_1142 = vector.shape_cast %get3A_1141 : vector<1x16xf32> to vector<16xf32>
    %add3A_1143 = arith.addf %add3A_1131, %get3A_1142 : vector<16xf32>
    %get3A_1144 = arith.constant 1 : i32
    %get3A_1145 = arith.index_cast %get3A_1144 : i32 to index
    %get3A_1146 = arith.constant 64 : index
    %get3A_1147 = tpu.vector_load %arg13[%get3A_1145, %get3A_1146] {strides = array<i32>} : memref<4x128xf32, #tpu.memory_space<vmem>>, vector<1x16xf32>,
    %get3A_1148 = vector.shape_cast %get3A_1147 : vector<1x16xf32> to vector<16xf32>
    %add3A_1149 = arith.addf %add3A_1137, %get3A_1148 : vector<16xf32>
    %get3A_1150 = arith.constant 1 : i32
    %get3A_1151 = arith.index_cast %get3A_1150 : i32 to index
    %get3A_1152 = arith.constant 80 : index
    %get3A_1153 = tpu.vector_load %arg12[%get3A_1151, %get3A_1152] {strides = array<i32>} : memref<4x128xf32, #tpu.memory_space<vmem>>, vector<1x16xf32>,
    %get3A_1154 = vector.shape_cast %get3A_1153 : vector<1x16xf32> to vector<16xf32>
    %add3A_1155 = arith.addf %add3A_1143, %get3A_1154 : vector<16xf32>
    %get3A_1156 = arith.constant 1 : i32
    %get3A_1157 = arith.index_cast %get3A_1156 : i32 to index
    %get3A_1158 = arith.constant 80 : index
    %get3A_1159 = tpu.vector_load %arg13[%get3A_1157, %get3A_1158] {strides = array<i32>} : memref<4x128xf32, #tpu.memory_space<vmem>>, vector<1x16xf32>,
    %get3A_1160 = vector.shape_cast %get3A_1159 : vector<1x16xf32> to vector<16xf32>
    %add3A_1161 = arith.addf %add3A_1149, %get3A_1160 : vector<16xf32>
    %get3A_1162 = arith.constant 1 : i32
    %get3A_1163 = arith.index_cast %get3A_1162 : i32 to index
    %get3A_1164 = arith.constant 96 : index
    %get3A_1165 = tpu.vector_load %arg12[%get3A_1163, %get3A_1164] {strides = array<i32>} : memref<4x128xf32, #tpu.memory_space<vmem>>, vector<1x16xf32>,
    %get3A_1166 = vector.shape_cast %get3A_1165 : vector<1x16xf32> to vector<16xf32>
    %add3A_1167 = arith.addf %add3A_1155, %get3A_1166 : vector<16xf32>
    %get3A_1168 = arith.constant 1 : i32
    %get3A_1169 = arith.index_cast %get3A_1168 : i32 to index
    %get3A_1170 = arith.constant 96 : index
    %get3A_1171 = tpu.vector_load %arg13[%get3A_1169, %get3A_1170] {strides = array<i32>} : memref<4x128xf32, #tpu.memory_space<vmem>>, vector<1x16xf32>,
    %get3A_1172 = vector.shape_cast %get3A_1171 : vector<1x16xf32> to vector<16xf32>
    %add3A_1173 = arith.addf %add3A_1161, %get3A_1172 : vector<16xf32>
    %get3A_1174 = arith.constant 1 : i32
    %get3A_1175 = arith.index_cast %get3A_1174 : i32 to index
    %get3A_1176 = arith.constant 112 : index
    %get3A_1177 = tpu.vector_load %arg12[%get3A_1175, %get3A_1176] {strides = array<i32>} : memref<4x128xf32, #tpu.memory_space<vmem>>, vector<1x16xf32>,
    %get3A_1178 = vector.shape_cast %get3A_1177 : vector<1x16xf32> to vector<16xf32>
    %add3A_1179 = arith.addf %add3A_1167, %get3A_1178 : vector<16xf32>
    %get3A_1180 = arith.constant 1 : i32
    %get3A_1181 = arith.index_cast %get3A_1180 : i32 to index
    %get3A_1182 = arith.constant 112 : index
    %get3A_1183 = tpu.vector_load %arg13[%get3A_1181, %get3A_1182] {strides = array<i32>} : memref<4x128xf32, #tpu.memory_space<vmem>>, vector<1x16xf32>,
    %get3A_1184 = vector.shape_cast %get3A_1183 : vector<1x16xf32> to vector<16xf32>
    %add3A_1185 = arith.addf %add3A_1173, %get3A_1184 : vector<16xf32>
    %get3A_1186 = arith.constant 2 : i32
    %get3A_1187 = arith.index_cast %get3A_1186 : i32 to index
    %get3A_1188 = arith.constant 0 : index
    %get3A_1189 = tpu.vector_load %arg12[%get3A_1187, %get3A_1188] {strides = array<i32>} : memref<4x128xf32, #tpu.memory_space<vmem>>, vector<1x16xf32>,
    %get3A_1190 = vector.shape_cast %get3A_1189 : vector<1x16xf32> to vector<16xf32>
    %add3A_1191 = arith.addf %add3A_1179, %get3A_1190 : vector<16xf32>
    %get3A_1192 = arith.constant 2 : i32
    %get3A_1193 = arith.index_cast %get3A_1192 : i32 to index
    %get3A_1194 = arith.constant 0 : index
    %get3A_1195 = tpu.vector_load %arg13[%get3A_1193, %get3A_1194] {strides = array<i32>} : memref<4x128xf32, #tpu.memory_space<vmem>>, vector<1x16xf32>,
    %get3A_1196 = vector.shape_cast %get3A_1195 : vector<1x16xf32> to vector<16xf32>
    %add3A_1197 = arith.addf %add3A_1185, %get3A_1196 : vector<16xf32>
    %get3A_1198 = arith.constant 2 : i32
    %get3A_1199 = arith.index_cast %get3A_1198 : i32 to index
    %get3A_1200 = arith.constant 16 : index
    %get3A_1201 = tpu.vector_load %arg12[%get3A_1199, %get3A_1200] {strides = array<i32>} : memref<4x128xf32, #tpu.memory_space<vmem>>, vector<1x16xf32>,
    %get3A_1202 = vector.shape_cast %get3A_1201 : vector<1x16xf32> to vector<16xf32>
    %add3A_1203 = arith.addf %add3A_1191, %get3A_1202 : vector<16xf32>
    %get3A_1204 = arith.constant 2 : i32
    %get3A_1205 = arith.index_cast %get3A_1204 : i32 to index
    %get3A_1206 = arith.constant 16 : index
    %get3A_1207 = tpu.vector_load %arg13[%get3A_1205, %get3A_1206] {strides = array<i32>} : memref<4x128xf32, #tpu.memory_space<vmem>>, vector<1x16xf32>,
    %get3A_1208 = vector.shape_cast %get3A_1207 : vector<1x16xf32> to vector<16xf32>
    %add3A_1209 = arith.addf %add3A_1197, %get3A_1208 : vector<16xf32>
    %get3A_1210 = arith.constant 2 : i32
    %get3A_1211 = arith.index_cast %get3A_1210 : i32 to index
    %get3A_1212 = arith.constant 32 : index
    %get3A_1213 = tpu.vector_load %arg12[%get3A_1211, %get3A_1212] {strides = array<i32>} : memref<4x128xf32, #tpu.memory_space<vmem>>, vector<1x16xf32>,
    %get3A_1214 = vector.shape_cast %get3A_1213 : vector<1x16xf32> to vector<16xf32>
    %add3A_1215 = arith.addf %add3A_1203, %get3A_1214 : vector<16xf32>
    %get3A_1216 = arith.constant 2 : i32
    %get3A_1217 = arith.index_cast %get3A_1216 : i32 to index
    %get3A_1218 = arith.constant 32 : index
    %get3A_1219 = tpu.vector_load %arg13[%get3A_1217, %get3A_1218] {strides = array<i32>} : memref<4x128xf32, #tpu.memory_space<vmem>>, vector<1x16xf32>,
    %get3A_1220 = vector.shape_cast %get3A_1219 : vector<1x16xf32> to vector<16xf32>
    %add3A_1221 = arith.addf %add3A_1209, %get3A_1220 : vector<16xf32>
    %get3A_1222 = arith.constant 2 : i32
    %get3A_1223 = arith.index_cast %get3A_1222 : i32 to index
    %get3A_1224 = arith.constant 48 : index
    %get3A_1225 = tpu.vector_load %arg12[%get3A_1223, %get3A_1224] {strides = array<i32>} : memref<4x128xf32, #tpu.memory_space<vmem>>, vector<1x16xf32>,
    %get3A_1226 = vector.shape_cast %get3A_1225 : vector<1x16xf32> to vector<16xf32>
    %add3A_1227 = arith.addf %add3A_1215, %get3A_1226 : vector<16xf32>
    %get3A_1228 = arith.constant 2 : i32
    %get3A_1229 = arith.index_cast %get3A_1228 : i32 to index
    %get3A_1230 = arith.constant 48 : index
    %get3A_1231 = tpu.vector_load %arg13[%get3A_1229, %get3A_1230] {strides = array<i32>} : memref<4x128xf32, #tpu.memory_space<vmem>>, vector<1x16xf32>,
    %get3A_1232 = vector.shape_cast %get3A_1231 : vector<1x16xf32> to vector<16xf32>
    %add3A_1233 = arith.addf %add3A_1221, %get3A_1232 : vector<16xf32>
    %get3A_1234 = arith.constant 2 : i32
    %get3A_1235 = arith.index_cast %get3A_1234 : i32 to index
    %get3A_1236 = arith.constant 64 : index
    %get3A_1237 = tpu.vector_load %arg12[%get3A_1235, %get3A_1236] {strides = array<i32>} : memref<4x128xf32, #tpu.memory_space<vmem>>, vector<1x16xf32>,
    %get3A_1238 = vector.shape_cast %get3A_1237 : vector<1x16xf32> to vector<16xf32>
    %add3A_1239 = arith.addf %add3A_1227, %get3A_1238 : vector<16xf32>
    %get3A_1240 = arith.constant 2 : i32
    %get3A_1241 = arith.index_cast %get3A_1240 : i32 to index
    %get3A_1242 = arith.constant 64 : index
    %get3A_1243 = tpu.vector_load %arg13[%get3A_1241, %get3A_1242] {strides = array<i32>} : memref<4x128xf32, #tpu.memory_space<vmem>>, vector<1x16xf32>,
    %get3A_1244 = vector.shape_cast %get3A_1243 : vector<1x16xf32> to vector<16xf32>
    %add3A_1245 = arith.addf %add3A_1233, %get3A_1244 : vector<16xf32>
    %get3A_1246 = arith.constant 2 : i32
    %get3A_1247 = arith.index_cast %get3A_1246 : i32 to index
    %get3A_1248 = arith.constant 80 : index
    %get3A_1249 = tpu.vector_load %arg12[%get3A_1247, %get3A_1248] {strides = array<i32>} : memref<4x128xf32, #tpu.memory_space<vmem>>, vector<1x16xf32>,
    %get3A_1250 = vector.shape_cast %get3A_1249 : vector<1x16xf32> to vector<16xf32>
    %add3A_1251 = arith.addf %add3A_1239, %get3A_1250 : vector<16xf32>
    %get3A_1252 = arith.constant 2 : i32
    %get3A_1253 = arith.index_cast %get3A_1252 : i32 to index
    %get3A_1254 = arith.constant 80 : index
    %get3A_1255 = tpu.vector_load %arg13[%get3A_1253, %get3A_1254] {strides = array<i32>} : memref<4x128xf32, #tpu.memory_space<vmem>>, vector<1x16xf32>,
    %get3A_1256 = vector.shape_cast %get3A_1255 : vector<1x16xf32> to vector<16xf32>
    %add3A_1257 = arith.addf %add3A_1245, %get3A_1256 : vector<16xf32>
    %get3A_1258 = arith.constant 2 : i32
    %get3A_1259 = arith.index_cast %get3A_1258 : i32 to index
    %get3A_1260 = arith.constant 96 : index
    %get3A_1261 = tpu.vector_load %arg12[%get3A_1259, %get3A_1260] {strides = array<i32>} : memref<4x128xf32, #tpu.memory_space<vmem>>, vector<1x16xf32>,
    %get3A_1262 = vector.shape_cast %get3A_1261 : vector<1x16xf32> to vector<16xf32>
    %add3A_1263 = arith.addf %add3A_1251, %get3A_1262 : vector<16xf32>
    %get3A_1264 = arith.constant 2 : i32
    %get3A_1265 = arith.index_cast %get3A_1264 : i32 to index
    %get3A_1266 = arith.constant 96 : index
    %get3A_1267 = tpu.vector_load %arg13[%get3A_1265, %get3A_1266] {strides = array<i32>} : memref<4x128xf32, #tpu.memory_space<vmem>>, vector<1x16xf32>,
    %get3A_1268 = vector.shape_cast %get3A_1267 : vector<1x16xf32> to vector<16xf32>
    %add3A_1269 = arith.addf %add3A_1257, %get3A_1268 : vector<16xf32>
    %get3A_1270 = arith.constant 2 : i32
    %get3A_1271 = arith.index_cast %get3A_1270 : i32 to index
    %get3A_1272 = arith.constant 112 : index
    %get3A_1273 = tpu.vector_load %arg12[%get3A_1271, %get3A_1272] {strides = array<i32>} : memref<4x128xf32, #tpu.memory_space<vmem>>, vector<1x16xf32>,
    %get3A_1274 = vector.shape_cast %get3A_1273 : vector<1x16xf32> to vector<16xf32>
    %add3A_1275 = arith.addf %add3A_1263, %get3A_1274 : vector<16xf32>
    %get3A_1276 = arith.constant 2 : i32
    %get3A_1277 = arith.index_cast %get3A_1276 : i32 to index
    %get3A_1278 = arith.constant 112 : index
    %get3A_1279 = tpu.vector_load %arg13[%get3A_1277, %get3A_1278] {strides = array<i32>} : memref<4x128xf32, #tpu.memory_space<vmem>>, vector<1x16xf32>,
    %get3A_1280 = vector.shape_cast %get3A_1279 : vector<1x16xf32> to vector<16xf32>
    %add3A_1281 = arith.addf %add3A_1269, %get3A_1280 : vector<16xf32>
    %get3A_1282 = arith.constant 3 : i32
    %get3A_1283 = arith.index_cast %get3A_1282 : i32 to index
    %get3A_1284 = arith.constant 0 : index
    %get3A_1285 = tpu.vector_load %arg12[%get3A_1283, %get3A_1284] {strides = array<i32>} : memref<4x128xf32, #tpu.memory_space<vmem>>, vector<1x16xf32>,
    %get3A_1286 = vector.shape_cast %get3A_1285 : vector<1x16xf32> to vector<16xf32>
    %add3A_1287 = arith.addf %add3A_1275, %get3A_1286 : vector<16xf32>
    %get3A_1288 = arith.constant 3 : i32
    %get3A_1289 = arith.index_cast %get3A_1288 : i32 to index
    %get3A_1290 = arith.constant 0 : index
    %get3A_1291 = tpu.vector_load %arg13[%get3A_1289, %get3A_1290] {strides = array<i32>} : memref<4x128xf32, #tpu.memory_space<vmem>>, vector<1x16xf32>,
    %get3A_1292 = vector.shape_cast %get3A_1291 : vector<1x16xf32> to vector<16xf32>
    %add3A_1293 = arith.addf %add3A_1281, %get3A_1292 : vector<16xf32>
    %get3A_1294 = arith.constant 3 : i32
    %get3A_1295 = arith.index_cast %get3A_1294 : i32 to index
    %get3A_1296 = arith.constant 16 : index
    %get3A_1297 = tpu.vector_load %arg12[%get3A_1295, %get3A_1296] {strides = array<i32>} : memref<4x128xf32, #tpu.memory_space<vmem>>, vector<1x16xf32>,
    %get3A_1298 = vector.shape_cast %get3A_1297 : vector<1x16xf32> to vector<16xf32>
    %add3A_1299 = arith.addf %add3A_1287, %get3A_1298 : vector<16xf32>
    %get3A_1300 = arith.constant 3 : i32
    %get3A_1301 = arith.index_cast %get3A_1300 : i32 to index
    %get3A_1302 = arith.constant 16 : index
    %get3A_1303 = tpu.vector_load %arg13[%get3A_1301, %get3A_1302] {strides = array<i32>} : memref<4x128xf32, #tpu.memory_space<vmem>>, vector<1x16xf32>,
    %get3A_1304 = vector.shape_cast %get3A_1303 : vector<1x16xf32> to vector<16xf32>
    %add3A_1305 = arith.addf %add3A_1293, %get3A_1304 : vector<16xf32>
    %get3A_1306 = arith.constant 3 : i32
    %get3A_1307 = arith.index_cast %get3A_1306 : i32 to index
    %get3A_1308 = arith.constant 32 : index
    %get3A_1309 = tpu.vector_load %arg12[%get3A_1307, %get3A_1308] {strides = array<i32>} : memref<4x128xf32, #tpu.memory_space<vmem>>, vector<1x16xf32>,
    %get3A_1310 = vector.shape_cast %get3A_1309 : vector<1x16xf32> to vector<16xf32>
    %add3A_1311 = arith.addf %add3A_1299, %get3A_1310 : vector<16xf32>
    %get3A_1312 = arith.constant 3 : i32
    %get3A_1313 = arith.index_cast %get3A_1312 : i32 to index
    %get3A_1314 = arith.constant 32 : index
    %get3A_1315 = tpu.vector_load %arg13[%get3A_1313, %get3A_1314] {strides = array<i32>} : memref<4x128xf32, #tpu.memory_space<vmem>>, vector<1x16xf32>,
    %get3A_1316 = vector.shape_cast %get3A_1315 : vector<1x16xf32> to vector<16xf32>
    %add3A_1317 = arith.addf %add3A_1305, %get3A_1316 : vector<16xf32>
    %get3A_1318 = arith.constant 3 : i32
    %get3A_1319 = arith.index_cast %get3A_1318 : i32 to index
    %get3A_1320 = arith.constant 48 : index
    %get3A_1321 = tpu.vector_load %arg12[%get3A_1319, %get3A_1320] {strides = array<i32>} : memref<4x128xf32, #tpu.memory_space<vmem>>, vector<1x16xf32>,
    %get3A_1322 = vector.shape_cast %get3A_1321 : vector<1x16xf32> to vector<16xf32>
    %add3A_1323 = arith.addf %add3A_1311, %get3A_1322 : vector<16xf32>
    %get3A_1324 = arith.constant 3 : i32
    %get3A_1325 = arith.index_cast %get3A_1324 : i32 to index
    %get3A_1326 = arith.constant 48 : index
    %get3A_1327 = tpu.vector_load %arg13[%get3A_1325, %get3A_1326] {strides = array<i32>} : memref<4x128xf32, #tpu.memory_space<vmem>>, vector<1x16xf32>,
    %get3A_1328 = vector.shape_cast %get3A_1327 : vector<1x16xf32> to vector<16xf32>
    %add3A_1329 = arith.addf %add3A_1317, %get3A_1328 : vector<16xf32>
    %get3A_1330 = arith.constant 3 : i32
    %get3A_1331 = arith.index_cast %get3A_1330 : i32 to index
    %get3A_1332 = arith.constant 64 : index
    %get3A_1333 = tpu.vector_load %arg12[%get3A_1331, %get3A_1332] {strides = array<i32>} : memref<4x128xf32, #tpu.memory_space<vmem>>, vector<1x16xf32>,
    %get3A_1334 = vector.shape_cast %get3A_1333 : vector<1x16xf32> to vector<16xf32>
    %add3A_1335 = arith.addf %add3A_1323, %get3A_1334 : vector<16xf32>
    %get3A_1336 = arith.constant 3 : i32
    %get3A_1337 = arith.index_cast %get3A_1336 : i32 to index
    %get3A_1338 = arith.constant 64 : index
    %get3A_1339 = tpu.vector_load %arg13[%get3A_1337, %get3A_1338] {strides = array<i32>} : memref<4x128xf32, #tpu.memory_space<vmem>>, vector<1x16xf32>,
    %get3A_1340 = vector.shape_cast %get3A_1339 : vector<1x16xf32> to vector<16xf32>
    %add3A_1341 = arith.addf %add3A_1329, %get3A_1340 : vector<16xf32>
    %get3A_1342 = arith.constant 3 : i32
    %get3A_1343 = arith.index_cast %get3A_1342 : i32 to index
    %get3A_1344 = arith.constant 80 : index
    %get3A_1345 = tpu.vector_load %arg12[%get3A_1343, %get3A_1344] {strides = array<i32>} : memref<4x128xf32, #tpu.memory_space<vmem>>, vector<1x16xf32>,
    %get3A_1346 = vector.shape_cast %get3A_1345 : vector<1x16xf32> to vector<16xf32>
    %add3A_1347 = arith.addf %add3A_1335, %get3A_1346 : vector<16xf32>
    %get3A_1348 = arith.constant 3 : i32
    %get3A_1349 = arith.index_cast %get3A_1348 : i32 to index
    %get3A_1350 = arith.constant 80 : index
    %get3A_1351 = tpu.vector_load %arg13[%get3A_1349, %get3A_1350] {strides = array<i32>} : memref<4x128xf32, #tpu.memory_space<vmem>>, vector<1x16xf32>,
    %get3A_1352 = vector.shape_cast %get3A_1351 : vector<1x16xf32> to vector<16xf32>
    %add3A_1353 = arith.addf %add3A_1341, %get3A_1352 : vector<16xf32>
    %get3A_1354 = arith.constant 3 : i32
    %get3A_1355 = arith.index_cast %get3A_1354 : i32 to index
    %get3A_1356 = arith.constant 96 : index
    %get3A_1357 = tpu.vector_load %arg12[%get3A_1355, %get3A_1356] {strides = array<i32>} : memref<4x128xf32, #tpu.memory_space<vmem>>, vector<1x16xf32>,
    %get3A_1358 = vector.shape_cast %get3A_1357 : vector<1x16xf32> to vector<16xf32>
    %add3A_1359 = arith.addf %add3A_1347, %get3A_1358 : vector<16xf32>
    %get3A_1360 = arith.constant 3 : i32
    %get3A_1361 = arith.index_cast %get3A_1360 : i32 to index
    %get3A_1362 = arith.constant 96 : index
    %get3A_1363 = tpu.vector_load %arg13[%get3A_1361, %get3A_1362] {strides = array<i32>} : memref<4x128xf32, #tpu.memory_space<vmem>>, vector<1x16xf32>,
    %get3A_1364 = vector.shape_cast %get3A_1363 : vector<1x16xf32> to vector<16xf32>
    %add3A_1365 = arith.addf %add3A_1353, %get3A_1364 : vector<16xf32>
    %get3A_1366 = arith.constant 3 : i32
    %get3A_1367 = arith.index_cast %get3A_1366 : i32 to index
    %get3A_1368 = arith.constant 112 : index
    %get3A_1369 = tpu.vector_load %arg12[%get3A_1367, %get3A_1368] {strides = array<i32>} : memref<4x128xf32, #tpu.memory_space<vmem>>, vector<1x16xf32>,
    %get3A_1370 = vector.shape_cast %get3A_1369 : vector<1x16xf32> to vector<16xf32>
    %add3A_1371 = arith.addf %add3A_1359, %get3A_1370 : vector<16xf32>
    %get3A_1372 = arith.constant 3 : i32
    %get3A_1373 = arith.index_cast %get3A_1372 : i32 to index
    %get3A_1374 = arith.constant 112 : index
    %get3A_1375 = tpu.vector_load %arg13[%get3A_1373, %get3A_1374] {strides = array<i32>} : memref<4x128xf32, #tpu.memory_space<vmem>>, vector<1x16xf32>,
    %get3A_1376 = vector.shape_cast %get3A_1375 : vector<1x16xf32> to vector<16xf32>
    %add3A_1377 = arith.addf %add3A_1365, %get3A_1376 : vector<16xf32>
    %swap3A_1378 = arith.constant 0 : index
    %swap3A_1379 = tpu.vector_load %arg14[%swap3A_1378] {strides = array<i32>} : memref<16xf32, #tpu.memory_space<vmem>>, vector<16xf32>,
    %swap3A_1380 = vector.shape_cast %swap3A_1379 : vector<16xf32> to vector<16xf32>
    %swap3A_1381 = vector.shape_cast %add3A_1371 : vector<16xf32> to vector<16xf32>
    tpu.vector_store %arg14[%swap3A_1378], %swap3A_1381 {strides = array<i32>} : memref<16xf32, #tpu.memory_space<vmem>>, vector<16xf32>,
    %swap3A_1382 = arith.constant 0 : index
    %swap3A_1383 = tpu.vector_load %arg15[%swap3A_1382] {strides = array<i32>} : memref<16xf32, #tpu.memory_space<vmem>>, vector<16xf32>,
    %swap3A_1384 = vector.shape_cast %swap3A_1383 : vector<16xf32> to vector<16xf32>
    %swap3A_1385 = vector.shape_cast %add3A_1377 : vector<16xf32> to vector<16xf32>
    tpu.vector_store %arg15[%swap3A_1382], %swap3A_1385 {strides = array<i32>} : memref<16xf32, #tpu.memory_space<vmem>>, vector<16xf32>,
    "tpu.region"() ({
      %run_scoped3A = tpu.sem_alloc : memref<!tpu.dma_semaphore, #tpu.memory_space<semaphore_mem>>
      %dma_start3A_1386 = arith.constant 0 : i32
      %dma_start3A_1387 = tpu.memref_slice %arg6[%add3A, %dma_start3A_1386] : memref<32x16xf32, #tpu.memory_space<hbm>> -> memref<1x16xf32, #tpu.memory_space<hbm>>
      %dma_start3A_1388 = tpu.memref_squeeze %dma_start3A_1387 : memref<1x16xf32, #tpu.memory_space<hbm>> -> memref<16xf32, #tpu.memory_space<hbm>>
      %dma_start3A_1389 = arith.constant 0 : i32
      %dma_start3A_1390 = tpu.memref_slice %arg6[%add3A, %dma_start3A_1389] : memref<32x16xf32, #tpu.memory_space<hbm>> -> memref<1x16xf32, #tpu.memory_space<hbm>>
      %dma_start3A_1391 = tpu.memref_squeeze %dma_start3A_1390 : memref<1x16xf32, #tpu.memory_space<hbm>> -> memref<16xf32, #tpu.memory_space<hbm>>
      tpu.enqueue_dma source(%arg14 : memref<16xf32, #tpu.memory_space<vmem>>) target(%dma_start3A_1391 : memref<16xf32, #tpu.memory_space<hbm>>) target_semaphore(%run_scoped3A : memref<!tpu.dma_semaphore, #tpu.memory_space<semaphore_mem>>)
      %dma_wait3A_1392 = arith.constant 0 : i32
      %dma_wait3A_1393 = tpu.memref_slice %arg6[%add3A, %dma_wait3A_1392] : memref<32x16xf32, #tpu.memory_space<hbm>> -> memref<1x16xf32, #tpu.memory_space<hbm>>
      %dma_wait3A_1394 = tpu.memref_squeeze %dma_wait3A_1393 : memref<1x16xf32, #tpu.memory_space<hbm>> -> memref<16xf32, #tpu.memory_space<hbm>>
      %dma_wait3A_1395 = arith.constant 0 : i32
      %dma_wait3A_1396 = tpu.memref_slice %arg6[%add3A, %dma_wait3A_1395] : memref<32x16xf32, #tpu.memory_space<hbm>> -> memref<1x16xf32, #tpu.memory_space<hbm>>
      %dma_wait3A_1397 = tpu.memref_squeeze %dma_wait3A_1396 : memref<1x16xf32, #tpu.memory_space<hbm>> -> memref<16xf32, #tpu.memory_space<hbm>>
      tpu.wait_dma2 semaphore(%run_scoped3A : memref<!tpu.dma_semaphore, #tpu.memory_space<semaphore_mem>>) src(%arg14 : memref<16xf32, #tpu.memory_space<vmem>>) dst(%dma_wait3A_1397 : memref<16xf32, #tpu.memory_space<hbm>>)
      tpu.yield
    }) : () -> ()
    "tpu.region"() ({
      %run_scoped3A = tpu.sem_alloc : memref<!tpu.dma_semaphore, #tpu.memory_space<semaphore_mem>>
      %dma_start3A_1386 = arith.constant 0 : i32
      %dma_start3A_1387 = tpu.memref_slice %arg7[%add3A, %dma_start3A_1386] : memref<32x16xf32, #tpu.memory_space<hbm>> -> memref<1x16xf32, #tpu.memory_space<hbm>>
      %dma_start3A_1388 = tpu.memref_squeeze %dma_start3A_1387 : memref<1x16xf32, #tpu.memory_space<hbm>> -> memref<16xf32, #tpu.memory_space<hbm>>
      %dma_start3A_1389 = arith.constant 0 : i32
      %dma_start3A_1390 = tpu.memref_slice %arg7[%add3A, %dma_start3A_1389] : memref<32x16xf32, #tpu.memory_space<hbm>> -> memref<1x16xf32, #tpu.memory_space<hbm>>
      %dma_start3A_1391 = tpu.memref_squeeze %dma_start3A_1390 : memref<1x16xf32, #tpu.memory_space<hbm>> -> memref<16xf32, #tpu.memory_space<hbm>>
      tpu.enqueue_dma source(%arg15 : memref<16xf32, #tpu.memory_space<vmem>>) target(%dma_start3A_1391 : memref<16xf32, #tpu.memory_space<hbm>>) target_semaphore(%run_scoped3A : memref<!tpu.dma_semaphore, #tpu.memory_space<semaphore_mem>>)
      %dma_wait3A_1392 = arith.constant 0 : i32
      %dma_wait3A_1393 = tpu.memref_slice %arg7[%add3A, %dma_wait3A_1392] : memref<32x16xf32, #tpu.memory_space<hbm>> -> memref<1x16xf32, #tpu.memory_space<hbm>>
      %dma_wait3A_1394 = tpu.memref_squeeze %dma_wait3A_1393 : memref<1x16xf32, #tpu.memory_space<hbm>> -> memref<16xf32, #tpu.memory_space<hbm>>
      %dma_wait3A_1395 = arith.constant 0 : i32
      %dma_wait3A_1396 = tpu.memref_slice %arg7[%add3A, %dma_wait3A_1395] : memref<32x16xf32, #tpu.memory_space<hbm>> -> memref<1x16xf32, #tpu.memory_space<hbm>>
      %dma_wait3A_1397 = tpu.memref_squeeze %dma_wait3A_1396 : memref<1x16xf32, #tpu.memory_space<hbm>> -> memref<16xf32, #tpu.memory_space<hbm>>
      tpu.wait_dma2 semaphore(%run_scoped3A : memref<!tpu.dma_semaphore, #tpu.memory_space<semaphore_mem>>) src(%arg15 : memref<16xf32, #tpu.memory_space<vmem>>) dst(%dma_wait3A_1397 : memref<16xf32, #tpu.memory_space<hbm>>)
      tpu.yield
    }) : () -> ()
    return
  }
}

module attributes {stable_mosaic.version = 14 : i64} {
  func.func @_final_body(%arg0: memref<1x1xf32, #tpu.memory_space<vmem>>, %arg1: memref<1x2xf32, #tpu.memory_space<vmem>>, %arg2: memref<32x16xf32, #tpu.memory_space<vmem>>, %arg3: memref<32x16xf32, #tpu.memory_space<vmem>>, %arg4: memref<1x1xf32, #tpu.memory_space<vmem>>) attributes {dimension_semantics = [], scalar_prefetch = 0 : i64, scratch_operands = 0 : i64, tpu.core_type = #tpu.core_type<tc>} {
    %get3A = arith.constant 0 : index
    %get3A_0 = arith.constant 0 : index
    %get3A_1 = vector.load %arg1[%get3A, %get3A_0] : memref<1x2xf32, #tpu.memory_space<vmem>>, vector<1x1xf32>
    %get3A_2 = vector.extract %get3A_1[0, 0] : f32 from vector<1x1xf32>
    %get3A_3 = arith.constant 0 : index
    %get3A_4 = arith.constant 0 : index
    %get3A_5 = vector.load %arg2[%get3A_3, %get3A_4] : memref<32x16xf32, #tpu.memory_space<vmem>>, vector<32x16xf32>
    %reduce_sum3A = vector.shape_cast %get3A_5 : vector<32x16xf32> to vector<1x32x16xf32>
    %reduce_sum3A_6 = arith.constant dense<0.000000e+00> : vector<1xf32>
    %reduce_sum3A_7 = vector.multi_reduction <add>, %reduce_sum3A, %reduce_sum3A_6 [1, 2] : vector<1x32x16xf32> to vector<1xf32>
    %reduce_sum3A_8 = vector.shape_cast %reduce_sum3A_7 : vector<1xf32> to vector<1x1x1xf32>
    %reduce_sum3A_9 = vector.extract %reduce_sum3A_8[0, 0, 0] : f32 from vector<1x1x1xf32>
    %add3A = arith.addf %get3A_2, %reduce_sum3A_9 : f32
    %get3A_10 = arith.constant 0 : index
    %get3A_11 = arith.constant 1 : index
    %get3A_12 = vector.load %arg1[%get3A_10, %get3A_11] : memref<1x2xf32, #tpu.memory_space<vmem>>, vector<1x1xf32>
    %get3A_13 = vector.extract %get3A_12[0, 0] : f32 from vector<1x1xf32>
    %get3A_14 = arith.constant 0 : index
    %get3A_15 = arith.constant 0 : index
    %get3A_16 = vector.load %arg3[%get3A_14, %get3A_15] : memref<32x16xf32, #tpu.memory_space<vmem>>, vector<32x16xf32>
    %reduce_sum3A_17 = vector.shape_cast %get3A_16 : vector<32x16xf32> to vector<1x32x16xf32>
    %reduce_sum3A_18 = arith.constant dense<0.000000e+00> : vector<1xf32>
    %reduce_sum3A_19 = vector.multi_reduction <add>, %reduce_sum3A_17, %reduce_sum3A_18 [1, 2] : vector<1x32x16xf32> to vector<1xf32>
    %reduce_sum3A_20 = vector.shape_cast %reduce_sum3A_19 : vector<1xf32> to vector<1x1x1xf32>
    %reduce_sum3A_21 = vector.extract %reduce_sum3A_20[0, 0, 0] : f32 from vector<1x1x1xf32>
    %add3A_22 = arith.addf %get3A_13, %reduce_sum3A_21 : f32
    %get3A_23 = arith.constant 0 : index
    %get3A_24 = arith.constant 0 : index
    %get3A_25 = vector.load %arg0[%get3A_23, %get3A_24] : memref<1x1xf32, #tpu.memory_space<vmem>>, vector<1x1xf32>
    %neg3A = arith.constant 0.000000e+00 : f32
    %neg3A_26 = vector.broadcast %neg3A : f32 to vector<1x1xf32>
    %neg3A_27 = arith.subf %neg3A_26, %get3A_25 : vector<1x1xf32>
    %exp3A = math.exp %neg3A_27 : vector<1x1xf32>
    %add3A_28 = arith.constant 1.000000e+00 : f32
    %add3A_29 = vector.broadcast %add3A_28 : f32 to vector<1x1xf32>
    %add3A_30 = arith.addf %add3A_29, %exp3A : vector<1x1xf32>
    %log3A = math.log %add3A_30 : vector<1x1xf32>
    %neg3A_31 = arith.constant 0.000000e+00 : f32
    %neg3A_32 = vector.broadcast %neg3A_31 : f32 to vector<1x1xf32>
    %neg3A_33 = arith.subf %neg3A_32, %log3A : vector<1x1xf32>
    %exp3A_34 = math.exp %get3A_25 : vector<1x1xf32>
    %add3A_35 = arith.constant 1.000000e+00 : f32
    %add3A_36 = vector.broadcast %add3A_35 : f32 to vector<1x1xf32>
    %add3A_37 = arith.addf %add3A_36, %exp3A_34 : vector<1x1xf32>
    %log3A_38 = math.log %add3A_37 : vector<1x1xf32>
    %neg3A_39 = arith.constant 0.000000e+00 : f32
    %neg3A_40 = vector.broadcast %neg3A_39 : f32 to vector<1x1xf32>
    %neg3A_41 = arith.subf %neg3A_40, %log3A_38 : vector<1x1xf32>
    %add3A_42 = vector.broadcast %add3A : f32 to vector<1x1xf32>
    %add3A_43 = arith.addf %neg3A_33, %add3A_42 : vector<1x1xf32>
    %add3A_44 = vector.broadcast %add3A_22 : f32 to vector<1x1xf32>
    %add3A_45 = arith.addf %neg3A_41, %add3A_44 : vector<1x1xf32>
    %max3A = arith.maximumf %add3A_43, %add3A_45 : vector<1x1xf32>
    %sub3A = arith.subf %add3A_43, %max3A : vector<1x1xf32>
    %exp3A_46 = math.exp %sub3A : vector<1x1xf32>
    %sub3A_47 = arith.subf %add3A_45, %max3A : vector<1x1xf32>
    %exp3A_48 = math.exp %sub3A_47 : vector<1x1xf32>
    %add3A_49 = arith.addf %exp3A_46, %exp3A_48 : vector<1x1xf32>
    %log3A_50 = math.log %add3A_49 : vector<1x1xf32>
    %add3A_51 = arith.addf %max3A, %log3A_50 : vector<1x1xf32>
    %swap3A = arith.constant 0 : index
    %swap3A_52 = arith.constant 0 : index
    %swap3A_53 = vector.load %arg4[%swap3A, %swap3A_52] : memref<1x1xf32, #tpu.memory_space<vmem>>, vector<1x1xf32>
    tpu.vector_store %arg4[%swap3A, %swap3A_52], %add3A_51 {strides = array<i32>} : memref<1x1xf32, #tpu.memory_space<vmem>>, vector<1x1xf32>,
    return
  }
}

module attributes {stable_mosaic.version = 14 : i64} {
  func.func @_dense_body(%arg0: memref<16384xi32, #tpu.memory_space<vmem>>, %arg1: memref<16384xi32, #tpu.memory_space<vmem>>, %arg2: memref<1000xf32, #tpu.memory_space<vmem>>, %arg3: memref<1000x1000xf32, #tpu.memory_space<vmem>>, %arg4: memref<1000xf32, #tpu.memory_space<vmem>>, %arg5: memref<1000x1000xf32, #tpu.memory_space<vmem>>, %arg6: memref<1x2xf32, #tpu.memory_space<vmem>>) attributes {dimension_semantics = [], scalar_prefetch = 0 : i64, scratch_operands = 0 : i64, tpu.core_type = #tpu.core_type<tc>} {
    %broadcast_in_dim3A = arith.constant 0.000000e+00 : f32
    %broadcast_in_dim3A_0 = vector.broadcast %broadcast_in_dim3A : f32 to vector<24xf32>
    %get3A = arith.constant 0 : index
    %get3A_1 = vector.load %arg2[%get3A] : memref<1000xf32, #tpu.memory_space<vmem>>, vector<1000xf32>
    %get3A_2 = arith.constant 0 : index
    %get3A_3 = arith.constant 0 : index
    %get3A_4 = vector.load %arg3[%get3A_2, %get3A_3] : memref<1000x1000xf32, #tpu.memory_space<vmem>>, vector<1000x1000xf32>
    %reduce_max3A = arith.constant dense<0xFF800000> : vector<1000xf32>
    %reduce_max3A_5 = vector.multi_reduction <maximumf>, %get3A_4, %reduce_max3A [1] : vector<1000x1000xf32> to vector<1000xf32>
    %broadcast_in_dim3A_6 = vector.shape_cast %reduce_max3A_5 : vector<1000xf32> to vector<1000x1xf32>
    %sub3A = vector.broadcast %broadcast_in_dim3A_6 : vector<1000x1xf32> to vector<1000x1000xf32>
    %sub3A_7 = arith.subf %get3A_4, %sub3A : vector<1000x1000xf32>
    %exp3A = math.exp %sub3A_7 : vector<1000x1000xf32>
    %reduce_sum3A = arith.constant dense<0.000000e+00> : vector<1000xf32>
    %reduce_sum3A_8 = vector.multi_reduction <add>, %exp3A, %reduce_sum3A [1] : vector<1000x1000xf32> to vector<1000xf32>
    %log3A = math.log %reduce_sum3A_8 : vector<1000xf32>
    %add3A = arith.addf %log3A, %reduce_max3A_5 : vector<1000xf32>
    %reduce_max3A_9 = vector.shape_cast %get3A_1 : vector<1000xf32> to vector<1x1000xf32>
    %reduce_max3A_10 = arith.constant dense<0xFF800000> : vector<1xf32>
    %reduce_max3A_11 = vector.multi_reduction <maximumf>, %reduce_max3A_9, %reduce_max3A_10 [1] : vector<1x1000xf32> to vector<1xf32>
    %reduce_max3A_12 = vector.shape_cast %reduce_max3A_11 : vector<1xf32> to vector<1x1xf32>
    %reduce_max3A_13 = vector.extract %reduce_max3A_12[0, 0] : f32 from vector<1x1xf32>
    %sub3A_14 = vector.broadcast %reduce_max3A_13 : f32 to vector<1000xf32>
    %sub3A_15 = arith.subf %get3A_1, %sub3A_14 : vector<1000xf32>
    %exp3A_16 = math.exp %sub3A_15 : vector<1000xf32>
    %reduce_sum3A_17 = vector.shape_cast %exp3A_16 : vector<1000xf32> to vector<1x1000xf32>
    %reduce_sum3A_18 = arith.constant dense<0.000000e+00> : vector<1xf32>
    %reduce_sum3A_19 = vector.multi_reduction <add>, %reduce_sum3A_17, %reduce_sum3A_18 [1] : vector<1x1000xf32> to vector<1xf32>
    %reduce_sum3A_20 = vector.shape_cast %reduce_sum3A_19 : vector<1xf32> to vector<1x1xf32>
    %reduce_sum3A_21 = vector.extract %reduce_sum3A_20[0, 0] : f32 from vector<1x1xf32>
    %log3A_22 = math.log %reduce_sum3A_21 : f32
    %add3A_23 = arith.addf %log3A_22, %reduce_max3A_13 : f32
    %sub3A_24 = vector.broadcast %add3A_23 : f32 to vector<1000xf32>
    %sub3A_25 = arith.subf %get3A_1, %sub3A_24 : vector<1000xf32>
    %sub3A_26 = arith.subf %sub3A_25, %add3A : vector<1000xf32>
    %concatenate3A = tpu.concatenate %sub3A_26, %broadcast_in_dim3A_0 in 0 : vector<1000xf32>, vector<24xf32> -> vector<1024xf32>
    %get3A_27 = arith.constant 0 : index
    %get3A_28 = vector.load %arg4[%get3A_27] : memref<1000xf32, #tpu.memory_space<vmem>>, vector<1000xf32>
    %get3A_29 = arith.constant 0 : index
    %get3A_30 = arith.constant 0 : index
    %get3A_31 = vector.load %arg5[%get3A_29, %get3A_30] : memref<1000x1000xf32, #tpu.memory_space<vmem>>, vector<1000x1000xf32>
    %reduce_max3A_32 = arith.constant dense<0xFF800000> : vector<1000xf32>
    %reduce_max3A_33 = vector.multi_reduction <maximumf>, %get3A_31, %reduce_max3A_32 [1] : vector<1000x1000xf32> to vector<1000xf32>
    %broadcast_in_dim3A_34 = vector.shape_cast %reduce_max3A_33 : vector<1000xf32> to vector<1000x1xf32>
    %sub3A_35 = vector.broadcast %broadcast_in_dim3A_34 : vector<1000x1xf32> to vector<1000x1000xf32>
    %sub3A_36 = arith.subf %get3A_31, %sub3A_35 : vector<1000x1000xf32>
    %exp3A_37 = math.exp %sub3A_36 : vector<1000x1000xf32>
    %reduce_sum3A_38 = arith.constant dense<0.000000e+00> : vector<1000xf32>
    %reduce_sum3A_39 = vector.multi_reduction <add>, %exp3A_37, %reduce_sum3A_38 [1] : vector<1000x1000xf32> to vector<1000xf32>
    %log3A_40 = math.log %reduce_sum3A_39 : vector<1000xf32>
    %add3A_41 = arith.addf %log3A_40, %reduce_max3A_33 : vector<1000xf32>
    %reduce_max3A_42 = vector.shape_cast %get3A_28 : vector<1000xf32> to vector<1x1000xf32>
    %reduce_max3A_43 = arith.constant dense<0xFF800000> : vector<1xf32>
    %reduce_max3A_44 = vector.multi_reduction <maximumf>, %reduce_max3A_42, %reduce_max3A_43 [1] : vector<1x1000xf32> to vector<1xf32>
    %reduce_max3A_45 = vector.shape_cast %reduce_max3A_44 : vector<1xf32> to vector<1x1xf32>
    %reduce_max3A_46 = vector.extract %reduce_max3A_45[0, 0] : f32 from vector<1x1xf32>
    %sub3A_47 = vector.broadcast %reduce_max3A_46 : f32 to vector<1000xf32>
    %sub3A_48 = arith.subf %get3A_28, %sub3A_47 : vector<1000xf32>
    %exp3A_49 = math.exp %sub3A_48 : vector<1000xf32>
    %reduce_sum3A_50 = vector.shape_cast %exp3A_49 : vector<1000xf32> to vector<1x1000xf32>
    %reduce_sum3A_51 = arith.constant dense<0.000000e+00> : vector<1xf32>
    %reduce_sum3A_52 = vector.multi_reduction <add>, %reduce_sum3A_50, %reduce_sum3A_51 [1] : vector<1x1000xf32> to vector<1xf32>
    %reduce_sum3A_53 = vector.shape_cast %reduce_sum3A_52 : vector<1xf32> to vector<1x1xf32>
    %reduce_sum3A_54 = vector.extract %reduce_sum3A_53[0, 0] : f32 from vector<1x1xf32>
    %log3A_55 = math.log %reduce_sum3A_54 : f32
    %add3A_56 = arith.addf %log3A_55, %reduce_max3A_46 : f32
    %sub3A_57 = vector.broadcast %add3A_56 : f32 to vector<1000xf32>
    %sub3A_58 = arith.subf %get3A_28, %sub3A_57 : vector<1000xf32>
    %sub3A_59 = arith.subf %sub3A_58, %add3A_41 : vector<1000xf32>
    %concatenate3A_60 = tpu.concatenate %sub3A_59, %broadcast_in_dim3A_0 in 0 : vector<1000xf32>, vector<24xf32> -> vector<1024xf32>
    %get3A_61 = arith.constant 0 : index
    %get3A_62 = vector.load %arg0[%get3A_61] : memref<16384xi32, #tpu.memory_space<vmem>>, vector<16384xi32>
    %shift_right_arithmetic3A = arith.constant 5 : i32
    %shift_right_arithmetic3A_63 = vector.broadcast %shift_right_arithmetic3A : i32 to vector<16384xi32>
    %shift_right_arithmetic3A_64 = arith.shrsi %get3A_62, %shift_right_arithmetic3A_63 : vector<16384xi32>
    %and3A = arith.constant 31 : i32
    %and3A_65 = vector.broadcast %and3A : i32 to vector<16384xi32>
    %and3A_66 = arith.andi %get3A_62, %and3A_65 : vector<16384xi32>
    %iota3A = tpu.iota {dimensions = array<i32: 0>} : vector<32x16384xi32>
    %broadcast_in_dim3A_67 = vector.shape_cast %shift_right_arithmetic3A_64 : vector<16384xi32> to vector<1x16384xi32>
    %eq3A = vector.broadcast %broadcast_in_dim3A_67 : vector<1x16384xi32> to vector<32x16384xi32>
    %eq3A_68 = arith.cmpi eq, %eq3A, %iota3A : vector<32x16384xi32>
    %convert_element_type3A = arith.extui %eq3A_68 : vector<32x16384xi1> to vector<32x16384xi32>
    %convert_element_type3A_69 = arith.sitofp %convert_element_type3A : vector<32x16384xi32> to vector<32x16384xf32>
    %broadcast_in_dim3A_70 = vector.shape_cast %and3A_66 : vector<16384xi32> to vector<1x16384xi32>
    %eq3A_71 = vector.broadcast %broadcast_in_dim3A_70 : vector<1x16384xi32> to vector<32x16384xi32>
    %eq3A_72 = arith.cmpi eq, %eq3A_71, %iota3A : vector<32x16384xi32>
    %convert_element_type3A_73 = arith.extui %eq3A_72 : vector<32x16384xi1> to vector<32x16384xi32>
    %convert_element_type3A_74 = arith.sitofp %convert_element_type3A_73 : vector<32x16384xi32> to vector<32x16384xf32>
    %dot_general3A = arith.constant dense<0.000000e+00> : vector<32x32xf32>
    %dot_general3A_75 = tpu.matmul %convert_element_type3A_69, %convert_element_type3A_74, %dot_general3A {dimension_numbers = #tpu.dot_dimension_numbers<[1], [1], [0], [0], [0, 0, 1, 0], [], []>, transpose_lhs_hint = false} : vector<32x16384xf32>, vector<32x16384xf32>, vector<32x32xf32> -> vector<32x32xf32>
    %broadcast_in_dim3A_76 = arith.constant 0.000000e+00 : f32
    %broadcast_in_dim3A_77 = vector.broadcast %broadcast_in_dim3A_76 : f32 to vector<32xf32>
    %slice3A = vector.extract_strided_slice %dot_general3A_75 {offsets = [0, 0], sizes = [1, 32], strides = [1, 1]} : vector<32x32xf32> to vector<1x32xf32>
    %squeeze3A = vector.shape_cast %slice3A : vector<1x32xf32> to vector<32xf32>
    %slice3A_78 = vector.extract_strided_slice %concatenate3A {offsets = [0], sizes = [32], strides = [1]} : vector<1024xf32> to vector<32xf32>
    %mul3A = arith.mulf %squeeze3A, %slice3A_78 : vector<32xf32>
    %add3A_79 = arith.addf %broadcast_in_dim3A_77, %mul3A : vector<32xf32>
    %slice3A_80 = vector.extract_strided_slice %dot_general3A_75 {offsets = [1, 0], sizes = [1, 32], strides = [1, 1]} : vector<32x32xf32> to vector<1x32xf32>
    %squeeze3A_81 = vector.shape_cast %slice3A_80 : vector<1x32xf32> to vector<32xf32>
    %slice3A_82 = vector.extract_strided_slice %concatenate3A {offsets = [32], sizes = [32], strides = [1]} : vector<1024xf32> to vector<32xf32>
    %mul3A_83 = arith.mulf %squeeze3A_81, %slice3A_82 : vector<32xf32>
    %add3A_84 = arith.addf %add3A_79, %mul3A_83 : vector<32xf32>
    %slice3A_85 = vector.extract_strided_slice %dot_general3A_75 {offsets = [2, 0], sizes = [1, 32], strides = [1, 1]} : vector<32x32xf32> to vector<1x32xf32>
    %squeeze3A_86 = vector.shape_cast %slice3A_85 : vector<1x32xf32> to vector<32xf32>
    %slice3A_87 = vector.extract_strided_slice %concatenate3A {offsets = [64], sizes = [32], strides = [1]} : vector<1024xf32> to vector<32xf32>
    %mul3A_88 = arith.mulf %squeeze3A_86, %slice3A_87 : vector<32xf32>
    %add3A_89 = arith.addf %add3A_84, %mul3A_88 : vector<32xf32>
    %slice3A_90 = vector.extract_strided_slice %dot_general3A_75 {offsets = [3, 0], sizes = [1, 32], strides = [1, 1]} : vector<32x32xf32> to vector<1x32xf32>
    %squeeze3A_91 = vector.shape_cast %slice3A_90 : vector<1x32xf32> to vector<32xf32>
    %slice3A_92 = vector.extract_strided_slice %concatenate3A {offsets = [96], sizes = [32], strides = [1]} : vector<1024xf32> to vector<32xf32>
    %mul3A_93 = arith.mulf %squeeze3A_91, %slice3A_92 : vector<32xf32>
    %add3A_94 = arith.addf %add3A_89, %mul3A_93 : vector<32xf32>
    %slice3A_95 = vector.extract_strided_slice %dot_general3A_75 {offsets = [4, 0], sizes = [1, 32], strides = [1, 1]} : vector<32x32xf32> to vector<1x32xf32>
    %squeeze3A_96 = vector.shape_cast %slice3A_95 : vector<1x32xf32> to vector<32xf32>
    %slice3A_97 = vector.extract_strided_slice %concatenate3A {offsets = [128], sizes = [32], strides = [1]} : vector<1024xf32> to vector<32xf32>
    %mul3A_98 = arith.mulf %squeeze3A_96, %slice3A_97 : vector<32xf32>
    %add3A_99 = arith.addf %add3A_94, %mul3A_98 : vector<32xf32>
    %slice3A_100 = vector.extract_strided_slice %dot_general3A_75 {offsets = [5, 0], sizes = [1, 32], strides = [1, 1]} : vector<32x32xf32> to vector<1x32xf32>
    %squeeze3A_101 = vector.shape_cast %slice3A_100 : vector<1x32xf32> to vector<32xf32>
    %slice3A_102 = vector.extract_strided_slice %concatenate3A {offsets = [160], sizes = [32], strides = [1]} : vector<1024xf32> to vector<32xf32>
    %mul3A_103 = arith.mulf %squeeze3A_101, %slice3A_102 : vector<32xf32>
    %add3A_104 = arith.addf %add3A_99, %mul3A_103 : vector<32xf32>
    %slice3A_105 = vector.extract_strided_slice %dot_general3A_75 {offsets = [6, 0], sizes = [1, 32], strides = [1, 1]} : vector<32x32xf32> to vector<1x32xf32>
    %squeeze3A_106 = vector.shape_cast %slice3A_105 : vector<1x32xf32> to vector<32xf32>
    %slice3A_107 = vector.extract_strided_slice %concatenate3A {offsets = [192], sizes = [32], strides = [1]} : vector<1024xf32> to vector<32xf32>
    %mul3A_108 = arith.mulf %squeeze3A_106, %slice3A_107 : vector<32xf32>
    %add3A_109 = arith.addf %add3A_104, %mul3A_108 : vector<32xf32>
    %slice3A_110 = vector.extract_strided_slice %dot_general3A_75 {offsets = [7, 0], sizes = [1, 32], strides = [1, 1]} : vector<32x32xf32> to vector<1x32xf32>
    %squeeze3A_111 = vector.shape_cast %slice3A_110 : vector<1x32xf32> to vector<32xf32>
    %slice3A_112 = vector.extract_strided_slice %concatenate3A {offsets = [224], sizes = [32], strides = [1]} : vector<1024xf32> to vector<32xf32>
    %mul3A_113 = arith.mulf %squeeze3A_111, %slice3A_112 : vector<32xf32>
    %add3A_114 = arith.addf %add3A_109, %mul3A_113 : vector<32xf32>
    %slice3A_115 = vector.extract_strided_slice %dot_general3A_75 {offsets = [8, 0], sizes = [1, 32], strides = [1, 1]} : vector<32x32xf32> to vector<1x32xf32>
    %squeeze3A_116 = vector.shape_cast %slice3A_115 : vector<1x32xf32> to vector<32xf32>
    %slice3A_117 = vector.extract_strided_slice %concatenate3A {offsets = [256], sizes = [32], strides = [1]} : vector<1024xf32> to vector<32xf32>
    %mul3A_118 = arith.mulf %squeeze3A_116, %slice3A_117 : vector<32xf32>
    %add3A_119 = arith.addf %add3A_114, %mul3A_118 : vector<32xf32>
    %slice3A_120 = vector.extract_strided_slice %dot_general3A_75 {offsets = [9, 0], sizes = [1, 32], strides = [1, 1]} : vector<32x32xf32> to vector<1x32xf32>
    %squeeze3A_121 = vector.shape_cast %slice3A_120 : vector<1x32xf32> to vector<32xf32>
    %slice3A_122 = vector.extract_strided_slice %concatenate3A {offsets = [288], sizes = [32], strides = [1]} : vector<1024xf32> to vector<32xf32>
    %mul3A_123 = arith.mulf %squeeze3A_121, %slice3A_122 : vector<32xf32>
    %add3A_124 = arith.addf %add3A_119, %mul3A_123 : vector<32xf32>
    %slice3A_125 = vector.extract_strided_slice %dot_general3A_75 {offsets = [10, 0], sizes = [1, 32], strides = [1, 1]} : vector<32x32xf32> to vector<1x32xf32>
    %squeeze3A_126 = vector.shape_cast %slice3A_125 : vector<1x32xf32> to vector<32xf32>
    %slice3A_127 = vector.extract_strided_slice %concatenate3A {offsets = [320], sizes = [32], strides = [1]} : vector<1024xf32> to vector<32xf32>
    %mul3A_128 = arith.mulf %squeeze3A_126, %slice3A_127 : vector<32xf32>
    %add3A_129 = arith.addf %add3A_124, %mul3A_128 : vector<32xf32>
    %slice3A_130 = vector.extract_strided_slice %dot_general3A_75 {offsets = [11, 0], sizes = [1, 32], strides = [1, 1]} : vector<32x32xf32> to vector<1x32xf32>
    %squeeze3A_131 = vector.shape_cast %slice3A_130 : vector<1x32xf32> to vector<32xf32>
    %slice3A_132 = vector.extract_strided_slice %concatenate3A {offsets = [352], sizes = [32], strides = [1]} : vector<1024xf32> to vector<32xf32>
    %mul3A_133 = arith.mulf %squeeze3A_131, %slice3A_132 : vector<32xf32>
    %add3A_134 = arith.addf %add3A_129, %mul3A_133 : vector<32xf32>
    %slice3A_135 = vector.extract_strided_slice %dot_general3A_75 {offsets = [12, 0], sizes = [1, 32], strides = [1, 1]} : vector<32x32xf32> to vector<1x32xf32>
    %squeeze3A_136 = vector.shape_cast %slice3A_135 : vector<1x32xf32> to vector<32xf32>
    %slice3A_137 = vector.extract_strided_slice %concatenate3A {offsets = [384], sizes = [32], strides = [1]} : vector<1024xf32> to vector<32xf32>
    %mul3A_138 = arith.mulf %squeeze3A_136, %slice3A_137 : vector<32xf32>
    %add3A_139 = arith.addf %add3A_134, %mul3A_138 : vector<32xf32>
    %slice3A_140 = vector.extract_strided_slice %dot_general3A_75 {offsets = [13, 0], sizes = [1, 32], strides = [1, 1]} : vector<32x32xf32> to vector<1x32xf32>
    %squeeze3A_141 = vector.shape_cast %slice3A_140 : vector<1x32xf32> to vector<32xf32>
    %slice3A_142 = vector.extract_strided_slice %concatenate3A {offsets = [416], sizes = [32], strides = [1]} : vector<1024xf32> to vector<32xf32>
    %mul3A_143 = arith.mulf %squeeze3A_141, %slice3A_142 : vector<32xf32>
    %add3A_144 = arith.addf %add3A_139, %mul3A_143 : vector<32xf32>
    %slice3A_145 = vector.extract_strided_slice %dot_general3A_75 {offsets = [14, 0], sizes = [1, 32], strides = [1, 1]} : vector<32x32xf32> to vector<1x32xf32>
    %squeeze3A_146 = vector.shape_cast %slice3A_145 : vector<1x32xf32> to vector<32xf32>
    %slice3A_147 = vector.extract_strided_slice %concatenate3A {offsets = [448], sizes = [32], strides = [1]} : vector<1024xf32> to vector<32xf32>
    %mul3A_148 = arith.mulf %squeeze3A_146, %slice3A_147 : vector<32xf32>
    %add3A_149 = arith.addf %add3A_144, %mul3A_148 : vector<32xf32>
    %slice3A_150 = vector.extract_strided_slice %dot_general3A_75 {offsets = [15, 0], sizes = [1, 32], strides = [1, 1]} : vector<32x32xf32> to vector<1x32xf32>
    %squeeze3A_151 = vector.shape_cast %slice3A_150 : vector<1x32xf32> to vector<32xf32>
    %slice3A_152 = vector.extract_strided_slice %concatenate3A {offsets = [480], sizes = [32], strides = [1]} : vector<1024xf32> to vector<32xf32>
    %mul3A_153 = arith.mulf %squeeze3A_151, %slice3A_152 : vector<32xf32>
    %add3A_154 = arith.addf %add3A_149, %mul3A_153 : vector<32xf32>
    %slice3A_155 = vector.extract_strided_slice %dot_general3A_75 {offsets = [16, 0], sizes = [1, 32], strides = [1, 1]} : vector<32x32xf32> to vector<1x32xf32>
    %squeeze3A_156 = vector.shape_cast %slice3A_155 : vector<1x32xf32> to vector<32xf32>
    %slice3A_157 = vector.extract_strided_slice %concatenate3A {offsets = [512], sizes = [32], strides = [1]} : vector<1024xf32> to vector<32xf32>
    %mul3A_158 = arith.mulf %squeeze3A_156, %slice3A_157 : vector<32xf32>
    %add3A_159 = arith.addf %add3A_154, %mul3A_158 : vector<32xf32>
    %slice3A_160 = vector.extract_strided_slice %dot_general3A_75 {offsets = [17, 0], sizes = [1, 32], strides = [1, 1]} : vector<32x32xf32> to vector<1x32xf32>
    %squeeze3A_161 = vector.shape_cast %slice3A_160 : vector<1x32xf32> to vector<32xf32>
    %slice3A_162 = vector.extract_strided_slice %concatenate3A {offsets = [544], sizes = [32], strides = [1]} : vector<1024xf32> to vector<32xf32>
    %mul3A_163 = arith.mulf %squeeze3A_161, %slice3A_162 : vector<32xf32>
    %add3A_164 = arith.addf %add3A_159, %mul3A_163 : vector<32xf32>
    %slice3A_165 = vector.extract_strided_slice %dot_general3A_75 {offsets = [18, 0], sizes = [1, 32], strides = [1, 1]} : vector<32x32xf32> to vector<1x32xf32>
    %squeeze3A_166 = vector.shape_cast %slice3A_165 : vector<1x32xf32> to vector<32xf32>
    %slice3A_167 = vector.extract_strided_slice %concatenate3A {offsets = [576], sizes = [32], strides = [1]} : vector<1024xf32> to vector<32xf32>
    %mul3A_168 = arith.mulf %squeeze3A_166, %slice3A_167 : vector<32xf32>
    %add3A_169 = arith.addf %add3A_164, %mul3A_168 : vector<32xf32>
    %slice3A_170 = vector.extract_strided_slice %dot_general3A_75 {offsets = [19, 0], sizes = [1, 32], strides = [1, 1]} : vector<32x32xf32> to vector<1x32xf32>
    %squeeze3A_171 = vector.shape_cast %slice3A_170 : vector<1x32xf32> to vector<32xf32>
    %slice3A_172 = vector.extract_strided_slice %concatenate3A {offsets = [608], sizes = [32], strides = [1]} : vector<1024xf32> to vector<32xf32>
    %mul3A_173 = arith.mulf %squeeze3A_171, %slice3A_172 : vector<32xf32>
    %add3A_174 = arith.addf %add3A_169, %mul3A_173 : vector<32xf32>
    %slice3A_175 = vector.extract_strided_slice %dot_general3A_75 {offsets = [20, 0], sizes = [1, 32], strides = [1, 1]} : vector<32x32xf32> to vector<1x32xf32>
    %squeeze3A_176 = vector.shape_cast %slice3A_175 : vector<1x32xf32> to vector<32xf32>
    %slice3A_177 = vector.extract_strided_slice %concatenate3A {offsets = [640], sizes = [32], strides = [1]} : vector<1024xf32> to vector<32xf32>
    %mul3A_178 = arith.mulf %squeeze3A_176, %slice3A_177 : vector<32xf32>
    %add3A_179 = arith.addf %add3A_174, %mul3A_178 : vector<32xf32>
    %slice3A_180 = vector.extract_strided_slice %dot_general3A_75 {offsets = [21, 0], sizes = [1, 32], strides = [1, 1]} : vector<32x32xf32> to vector<1x32xf32>
    %squeeze3A_181 = vector.shape_cast %slice3A_180 : vector<1x32xf32> to vector<32xf32>
    %slice3A_182 = vector.extract_strided_slice %concatenate3A {offsets = [672], sizes = [32], strides = [1]} : vector<1024xf32> to vector<32xf32>
    %mul3A_183 = arith.mulf %squeeze3A_181, %slice3A_182 : vector<32xf32>
    %add3A_184 = arith.addf %add3A_179, %mul3A_183 : vector<32xf32>
    %slice3A_185 = vector.extract_strided_slice %dot_general3A_75 {offsets = [22, 0], sizes = [1, 32], strides = [1, 1]} : vector<32x32xf32> to vector<1x32xf32>
    %squeeze3A_186 = vector.shape_cast %slice3A_185 : vector<1x32xf32> to vector<32xf32>
    %slice3A_187 = vector.extract_strided_slice %concatenate3A {offsets = [704], sizes = [32], strides = [1]} : vector<1024xf32> to vector<32xf32>
    %mul3A_188 = arith.mulf %squeeze3A_186, %slice3A_187 : vector<32xf32>
    %add3A_189 = arith.addf %add3A_184, %mul3A_188 : vector<32xf32>
    %slice3A_190 = vector.extract_strided_slice %dot_general3A_75 {offsets = [23, 0], sizes = [1, 32], strides = [1, 1]} : vector<32x32xf32> to vector<1x32xf32>
    %squeeze3A_191 = vector.shape_cast %slice3A_190 : vector<1x32xf32> to vector<32xf32>
    %slice3A_192 = vector.extract_strided_slice %concatenate3A {offsets = [736], sizes = [32], strides = [1]} : vector<1024xf32> to vector<32xf32>
    %mul3A_193 = arith.mulf %squeeze3A_191, %slice3A_192 : vector<32xf32>
    %add3A_194 = arith.addf %add3A_189, %mul3A_193 : vector<32xf32>
    %slice3A_195 = vector.extract_strided_slice %dot_general3A_75 {offsets = [24, 0], sizes = [1, 32], strides = [1, 1]} : vector<32x32xf32> to vector<1x32xf32>
    %squeeze3A_196 = vector.shape_cast %slice3A_195 : vector<1x32xf32> to vector<32xf32>
    %slice3A_197 = vector.extract_strided_slice %concatenate3A {offsets = [768], sizes = [32], strides = [1]} : vector<1024xf32> to vector<32xf32>
    %mul3A_198 = arith.mulf %squeeze3A_196, %slice3A_197 : vector<32xf32>
    %add3A_199 = arith.addf %add3A_194, %mul3A_198 : vector<32xf32>
    %slice3A_200 = vector.extract_strided_slice %dot_general3A_75 {offsets = [25, 0], sizes = [1, 32], strides = [1, 1]} : vector<32x32xf32> to vector<1x32xf32>
    %squeeze3A_201 = vector.shape_cast %slice3A_200 : vector<1x32xf32> to vector<32xf32>
    %slice3A_202 = vector.extract_strided_slice %concatenate3A {offsets = [800], sizes = [32], strides = [1]} : vector<1024xf32> to vector<32xf32>
    %mul3A_203 = arith.mulf %squeeze3A_201, %slice3A_202 : vector<32xf32>
    %add3A_204 = arith.addf %add3A_199, %mul3A_203 : vector<32xf32>
    %slice3A_205 = vector.extract_strided_slice %dot_general3A_75 {offsets = [26, 0], sizes = [1, 32], strides = [1, 1]} : vector<32x32xf32> to vector<1x32xf32>
    %squeeze3A_206 = vector.shape_cast %slice3A_205 : vector<1x32xf32> to vector<32xf32>
    %slice3A_207 = vector.extract_strided_slice %concatenate3A {offsets = [832], sizes = [32], strides = [1]} : vector<1024xf32> to vector<32xf32>
    %mul3A_208 = arith.mulf %squeeze3A_206, %slice3A_207 : vector<32xf32>
    %add3A_209 = arith.addf %add3A_204, %mul3A_208 : vector<32xf32>
    %slice3A_210 = vector.extract_strided_slice %dot_general3A_75 {offsets = [27, 0], sizes = [1, 32], strides = [1, 1]} : vector<32x32xf32> to vector<1x32xf32>
    %squeeze3A_211 = vector.shape_cast %slice3A_210 : vector<1x32xf32> to vector<32xf32>
    %slice3A_212 = vector.extract_strided_slice %concatenate3A {offsets = [864], sizes = [32], strides = [1]} : vector<1024xf32> to vector<32xf32>
    %mul3A_213 = arith.mulf %squeeze3A_211, %slice3A_212 : vector<32xf32>
    %add3A_214 = arith.addf %add3A_209, %mul3A_213 : vector<32xf32>
    %slice3A_215 = vector.extract_strided_slice %dot_general3A_75 {offsets = [28, 0], sizes = [1, 32], strides = [1, 1]} : vector<32x32xf32> to vector<1x32xf32>
    %squeeze3A_216 = vector.shape_cast %slice3A_215 : vector<1x32xf32> to vector<32xf32>
    %slice3A_217 = vector.extract_strided_slice %concatenate3A {offsets = [896], sizes = [32], strides = [1]} : vector<1024xf32> to vector<32xf32>
    %mul3A_218 = arith.mulf %squeeze3A_216, %slice3A_217 : vector<32xf32>
    %add3A_219 = arith.addf %add3A_214, %mul3A_218 : vector<32xf32>
    %slice3A_220 = vector.extract_strided_slice %dot_general3A_75 {offsets = [29, 0], sizes = [1, 32], strides = [1, 1]} : vector<32x32xf32> to vector<1x32xf32>
    %squeeze3A_221 = vector.shape_cast %slice3A_220 : vector<1x32xf32> to vector<32xf32>
    %slice3A_222 = vector.extract_strided_slice %concatenate3A {offsets = [928], sizes = [32], strides = [1]} : vector<1024xf32> to vector<32xf32>
    %mul3A_223 = arith.mulf %squeeze3A_221, %slice3A_222 : vector<32xf32>
    %add3A_224 = arith.addf %add3A_219, %mul3A_223 : vector<32xf32>
    %slice3A_225 = vector.extract_strided_slice %dot_general3A_75 {offsets = [30, 0], sizes = [1, 32], strides = [1, 1]} : vector<32x32xf32> to vector<1x32xf32>
    %squeeze3A_226 = vector.shape_cast %slice3A_225 : vector<1x32xf32> to vector<32xf32>
    %slice3A_227 = vector.extract_strided_slice %concatenate3A {offsets = [960], sizes = [32], strides = [1]} : vector<1024xf32> to vector<32xf32>
    %mul3A_228 = arith.mulf %squeeze3A_226, %slice3A_227 : vector<32xf32>
    %add3A_229 = arith.addf %add3A_224, %mul3A_228 : vector<32xf32>
    %slice3A_230 = vector.extract_strided_slice %dot_general3A_75 {offsets = [31, 0], sizes = [1, 32], strides = [1, 1]} : vector<32x32xf32> to vector<1x32xf32>
    %squeeze3A_231 = vector.shape_cast %slice3A_230 : vector<1x32xf32> to vector<32xf32>
    %slice3A_232 = vector.extract_strided_slice %concatenate3A {offsets = [992], sizes = [32], strides = [1]} : vector<1024xf32> to vector<32xf32>
    %mul3A_233 = arith.mulf %squeeze3A_231, %slice3A_232 : vector<32xf32>
    %add3A_234 = arith.addf %add3A_229, %mul3A_233 : vector<32xf32>
    %reduce_sum3A_235 = vector.shape_cast %add3A_234 : vector<32xf32> to vector<1x32xf32>
    %reduce_sum3A_236 = arith.constant dense<0.000000e+00> : vector<1xf32>
    %reduce_sum3A_237 = vector.multi_reduction <add>, %reduce_sum3A_235, %reduce_sum3A_236 [1] : vector<1x32xf32> to vector<1xf32>
    %reduce_sum3A_238 = vector.shape_cast %reduce_sum3A_237 : vector<1xf32> to vector<1x1xf32>
    %reduce_sum3A_239 = vector.extract %reduce_sum3A_238[0, 0] : f32 from vector<1x1xf32>
    %get3A_240 = arith.constant 0 : index
    %get3A_241 = vector.load %arg1[%get3A_240] : memref<16384xi32, #tpu.memory_space<vmem>>, vector<16384xi32>
    %shift_right_arithmetic3A_242 = arith.constant 5 : i32
    %shift_right_arithmetic3A_243 = vector.broadcast %shift_right_arithmetic3A_242 : i32 to vector<16384xi32>
    %shift_right_arithmetic3A_244 = arith.shrsi %get3A_241, %shift_right_arithmetic3A_243 : vector<16384xi32>
    %and3A_245 = arith.constant 31 : i32
    %and3A_246 = vector.broadcast %and3A_245 : i32 to vector<16384xi32>
    %and3A_247 = arith.andi %get3A_241, %and3A_246 : vector<16384xi32>
    %iota3A_248 = tpu.iota {dimensions = array<i32: 0>} : vector<32x16384xi32>
    %broadcast_in_dim3A_249 = vector.shape_cast %shift_right_arithmetic3A_244 : vector<16384xi32> to vector<1x16384xi32>
    %eq3A_250 = vector.broadcast %broadcast_in_dim3A_249 : vector<1x16384xi32> to vector<32x16384xi32>
    %eq3A_251 = arith.cmpi eq, %eq3A_250, %iota3A_248 : vector<32x16384xi32>
    %convert_element_type3A_252 = arith.extui %eq3A_251 : vector<32x16384xi1> to vector<32x16384xi32>
    %convert_element_type3A_253 = arith.sitofp %convert_element_type3A_252 : vector<32x16384xi32> to vector<32x16384xf32>
    %broadcast_in_dim3A_254 = vector.shape_cast %and3A_247 : vector<16384xi32> to vector<1x16384xi32>
    %eq3A_255 = vector.broadcast %broadcast_in_dim3A_254 : vector<1x16384xi32> to vector<32x16384xi32>
    %eq3A_256 = arith.cmpi eq, %eq3A_255, %iota3A_248 : vector<32x16384xi32>
    %convert_element_type3A_257 = arith.extui %eq3A_256 : vector<32x16384xi1> to vector<32x16384xi32>
    %convert_element_type3A_258 = arith.sitofp %convert_element_type3A_257 : vector<32x16384xi32> to vector<32x16384xf32>
    %dot_general3A_259 = arith.constant dense<0.000000e+00> : vector<32x32xf32>
    %dot_general3A_260 = tpu.matmul %convert_element_type3A_253, %convert_element_type3A_258, %dot_general3A_259 {dimension_numbers = #tpu.dot_dimension_numbers<[1], [1], [0], [0], [0, 0, 1, 0], [], []>, transpose_lhs_hint = false} : vector<32x16384xf32>, vector<32x16384xf32>, vector<32x32xf32> -> vector<32x32xf32>
    %broadcast_in_dim3A_261 = arith.constant 0.000000e+00 : f32
    %broadcast_in_dim3A_262 = vector.broadcast %broadcast_in_dim3A_261 : f32 to vector<32xf32>
    %slice3A_263 = vector.extract_strided_slice %dot_general3A_260 {offsets = [0, 0], sizes = [1, 32], strides = [1, 1]} : vector<32x32xf32> to vector<1x32xf32>
    %squeeze3A_264 = vector.shape_cast %slice3A_263 : vector<1x32xf32> to vector<32xf32>
    %slice3A_265 = vector.extract_strided_slice %concatenate3A_60 {offsets = [0], sizes = [32], strides = [1]} : vector<1024xf32> to vector<32xf32>
    %mul3A_266 = arith.mulf %squeeze3A_264, %slice3A_265 : vector<32xf32>
    %add3A_267 = arith.addf %broadcast_in_dim3A_262, %mul3A_266 : vector<32xf32>
    %slice3A_268 = vector.extract_strided_slice %dot_general3A_260 {offsets = [1, 0], sizes = [1, 32], strides = [1, 1]} : vector<32x32xf32> to vector<1x32xf32>
    %squeeze3A_269 = vector.shape_cast %slice3A_268 : vector<1x32xf32> to vector<32xf32>
    %slice3A_270 = vector.extract_strided_slice %concatenate3A_60 {offsets = [32], sizes = [32], strides = [1]} : vector<1024xf32> to vector<32xf32>
    %mul3A_271 = arith.mulf %squeeze3A_269, %slice3A_270 : vector<32xf32>
    %add3A_272 = arith.addf %add3A_267, %mul3A_271 : vector<32xf32>
    %slice3A_273 = vector.extract_strided_slice %dot_general3A_260 {offsets = [2, 0], sizes = [1, 32], strides = [1, 1]} : vector<32x32xf32> to vector<1x32xf32>
    %squeeze3A_274 = vector.shape_cast %slice3A_273 : vector<1x32xf32> to vector<32xf32>
    %slice3A_275 = vector.extract_strided_slice %concatenate3A_60 {offsets = [64], sizes = [32], strides = [1]} : vector<1024xf32> to vector<32xf32>
    %mul3A_276 = arith.mulf %squeeze3A_274, %slice3A_275 : vector<32xf32>
    %add3A_277 = arith.addf %add3A_272, %mul3A_276 : vector<32xf32>
    %slice3A_278 = vector.extract_strided_slice %dot_general3A_260 {offsets = [3, 0], sizes = [1, 32], strides = [1, 1]} : vector<32x32xf32> to vector<1x32xf32>
    %squeeze3A_279 = vector.shape_cast %slice3A_278 : vector<1x32xf32> to vector<32xf32>
    %slice3A_280 = vector.extract_strided_slice %concatenate3A_60 {offsets = [96], sizes = [32], strides = [1]} : vector<1024xf32> to vector<32xf32>
    %mul3A_281 = arith.mulf %squeeze3A_279, %slice3A_280 : vector<32xf32>
    %add3A_282 = arith.addf %add3A_277, %mul3A_281 : vector<32xf32>
    %slice3A_283 = vector.extract_strided_slice %dot_general3A_260 {offsets = [4, 0], sizes = [1, 32], strides = [1, 1]} : vector<32x32xf32> to vector<1x32xf32>
    %squeeze3A_284 = vector.shape_cast %slice3A_283 : vector<1x32xf32> to vector<32xf32>
    %slice3A_285 = vector.extract_strided_slice %concatenate3A_60 {offsets = [128], sizes = [32], strides = [1]} : vector<1024xf32> to vector<32xf32>
    %mul3A_286 = arith.mulf %squeeze3A_284, %slice3A_285 : vector<32xf32>
    %add3A_287 = arith.addf %add3A_282, %mul3A_286 : vector<32xf32>
    %slice3A_288 = vector.extract_strided_slice %dot_general3A_260 {offsets = [5, 0], sizes = [1, 32], strides = [1, 1]} : vector<32x32xf32> to vector<1x32xf32>
    %squeeze3A_289 = vector.shape_cast %slice3A_288 : vector<1x32xf32> to vector<32xf32>
    %slice3A_290 = vector.extract_strided_slice %concatenate3A_60 {offsets = [160], sizes = [32], strides = [1]} : vector<1024xf32> to vector<32xf32>
    %mul3A_291 = arith.mulf %squeeze3A_289, %slice3A_290 : vector<32xf32>
    %add3A_292 = arith.addf %add3A_287, %mul3A_291 : vector<32xf32>
    %slice3A_293 = vector.extract_strided_slice %dot_general3A_260 {offsets = [6, 0], sizes = [1, 32], strides = [1, 1]} : vector<32x32xf32> to vector<1x32xf32>
    %squeeze3A_294 = vector.shape_cast %slice3A_293 : vector<1x32xf32> to vector<32xf32>
    %slice3A_295 = vector.extract_strided_slice %concatenate3A_60 {offsets = [192], sizes = [32], strides = [1]} : vector<1024xf32> to vector<32xf32>
    %mul3A_296 = arith.mulf %squeeze3A_294, %slice3A_295 : vector<32xf32>
    %add3A_297 = arith.addf %add3A_292, %mul3A_296 : vector<32xf32>
    %slice3A_298 = vector.extract_strided_slice %dot_general3A_260 {offsets = [7, 0], sizes = [1, 32], strides = [1, 1]} : vector<32x32xf32> to vector<1x32xf32>
    %squeeze3A_299 = vector.shape_cast %slice3A_298 : vector<1x32xf32> to vector<32xf32>
    %slice3A_300 = vector.extract_strided_slice %concatenate3A_60 {offsets = [224], sizes = [32], strides = [1]} : vector<1024xf32> to vector<32xf32>
    %mul3A_301 = arith.mulf %squeeze3A_299, %slice3A_300 : vector<32xf32>
    %add3A_302 = arith.addf %add3A_297, %mul3A_301 : vector<32xf32>
    %slice3A_303 = vector.extract_strided_slice %dot_general3A_260 {offsets = [8, 0], sizes = [1, 32], strides = [1, 1]} : vector<32x32xf32> to vector<1x32xf32>
    %squeeze3A_304 = vector.shape_cast %slice3A_303 : vector<1x32xf32> to vector<32xf32>
    %slice3A_305 = vector.extract_strided_slice %concatenate3A_60 {offsets = [256], sizes = [32], strides = [1]} : vector<1024xf32> to vector<32xf32>
    %mul3A_306 = arith.mulf %squeeze3A_304, %slice3A_305 : vector<32xf32>
    %add3A_307 = arith.addf %add3A_302, %mul3A_306 : vector<32xf32>
    %slice3A_308 = vector.extract_strided_slice %dot_general3A_260 {offsets = [9, 0], sizes = [1, 32], strides = [1, 1]} : vector<32x32xf32> to vector<1x32xf32>
    %squeeze3A_309 = vector.shape_cast %slice3A_308 : vector<1x32xf32> to vector<32xf32>
    %slice3A_310 = vector.extract_strided_slice %concatenate3A_60 {offsets = [288], sizes = [32], strides = [1]} : vector<1024xf32> to vector<32xf32>
    %mul3A_311 = arith.mulf %squeeze3A_309, %slice3A_310 : vector<32xf32>
    %add3A_312 = arith.addf %add3A_307, %mul3A_311 : vector<32xf32>
    %slice3A_313 = vector.extract_strided_slice %dot_general3A_260 {offsets = [10, 0], sizes = [1, 32], strides = [1, 1]} : vector<32x32xf32> to vector<1x32xf32>
    %squeeze3A_314 = vector.shape_cast %slice3A_313 : vector<1x32xf32> to vector<32xf32>
    %slice3A_315 = vector.extract_strided_slice %concatenate3A_60 {offsets = [320], sizes = [32], strides = [1]} : vector<1024xf32> to vector<32xf32>
    %mul3A_316 = arith.mulf %squeeze3A_314, %slice3A_315 : vector<32xf32>
    %add3A_317 = arith.addf %add3A_312, %mul3A_316 : vector<32xf32>
    %slice3A_318 = vector.extract_strided_slice %dot_general3A_260 {offsets = [11, 0], sizes = [1, 32], strides = [1, 1]} : vector<32x32xf32> to vector<1x32xf32>
    %squeeze3A_319 = vector.shape_cast %slice3A_318 : vector<1x32xf32> to vector<32xf32>
    %slice3A_320 = vector.extract_strided_slice %concatenate3A_60 {offsets = [352], sizes = [32], strides = [1]} : vector<1024xf32> to vector<32xf32>
    %mul3A_321 = arith.mulf %squeeze3A_319, %slice3A_320 : vector<32xf32>
    %add3A_322 = arith.addf %add3A_317, %mul3A_321 : vector<32xf32>
    %slice3A_323 = vector.extract_strided_slice %dot_general3A_260 {offsets = [12, 0], sizes = [1, 32], strides = [1, 1]} : vector<32x32xf32> to vector<1x32xf32>
    %squeeze3A_324 = vector.shape_cast %slice3A_323 : vector<1x32xf32> to vector<32xf32>
    %slice3A_325 = vector.extract_strided_slice %concatenate3A_60 {offsets = [384], sizes = [32], strides = [1]} : vector<1024xf32> to vector<32xf32>
    %mul3A_326 = arith.mulf %squeeze3A_324, %slice3A_325 : vector<32xf32>
    %add3A_327 = arith.addf %add3A_322, %mul3A_326 : vector<32xf32>
    %slice3A_328 = vector.extract_strided_slice %dot_general3A_260 {offsets = [13, 0], sizes = [1, 32], strides = [1, 1]} : vector<32x32xf32> to vector<1x32xf32>
    %squeeze3A_329 = vector.shape_cast %slice3A_328 : vector<1x32xf32> to vector<32xf32>
    %slice3A_330 = vector.extract_strided_slice %concatenate3A_60 {offsets = [416], sizes = [32], strides = [1]} : vector<1024xf32> to vector<32xf32>
    %mul3A_331 = arith.mulf %squeeze3A_329, %slice3A_330 : vector<32xf32>
    %add3A_332 = arith.addf %add3A_327, %mul3A_331 : vector<32xf32>
    %slice3A_333 = vector.extract_strided_slice %dot_general3A_260 {offsets = [14, 0], sizes = [1, 32], strides = [1, 1]} : vector<32x32xf32> to vector<1x32xf32>
    %squeeze3A_334 = vector.shape_cast %slice3A_333 : vector<1x32xf32> to vector<32xf32>
    %slice3A_335 = vector.extract_strided_slice %concatenate3A_60 {offsets = [448], sizes = [32], strides = [1]} : vector<1024xf32> to vector<32xf32>
    %mul3A_336 = arith.mulf %squeeze3A_334, %slice3A_335 : vector<32xf32>
    %add3A_337 = arith.addf %add3A_332, %mul3A_336 : vector<32xf32>
    %slice3A_338 = vector.extract_strided_slice %dot_general3A_260 {offsets = [15, 0], sizes = [1, 32], strides = [1, 1]} : vector<32x32xf32> to vector<1x32xf32>
    %squeeze3A_339 = vector.shape_cast %slice3A_338 : vector<1x32xf32> to vector<32xf32>
    %slice3A_340 = vector.extract_strided_slice %concatenate3A_60 {offsets = [480], sizes = [32], strides = [1]} : vector<1024xf32> to vector<32xf32>
    %mul3A_341 = arith.mulf %squeeze3A_339, %slice3A_340 : vector<32xf32>
    %add3A_342 = arith.addf %add3A_337, %mul3A_341 : vector<32xf32>
    %slice3A_343 = vector.extract_strided_slice %dot_general3A_260 {offsets = [16, 0], sizes = [1, 32], strides = [1, 1]} : vector<32x32xf32> to vector<1x32xf32>
    %squeeze3A_344 = vector.shape_cast %slice3A_343 : vector<1x32xf32> to vector<32xf32>
    %slice3A_345 = vector.extract_strided_slice %concatenate3A_60 {offsets = [512], sizes = [32], strides = [1]} : vector<1024xf32> to vector<32xf32>
    %mul3A_346 = arith.mulf %squeeze3A_344, %slice3A_345 : vector<32xf32>
    %add3A_347 = arith.addf %add3A_342, %mul3A_346 : vector<32xf32>
    %slice3A_348 = vector.extract_strided_slice %dot_general3A_260 {offsets = [17, 0], sizes = [1, 32], strides = [1, 1]} : vector<32x32xf32> to vector<1x32xf32>
    %squeeze3A_349 = vector.shape_cast %slice3A_348 : vector<1x32xf32> to vector<32xf32>
    %slice3A_350 = vector.extract_strided_slice %concatenate3A_60 {offsets = [544], sizes = [32], strides = [1]} : vector<1024xf32> to vector<32xf32>
    %mul3A_351 = arith.mulf %squeeze3A_349, %slice3A_350 : vector<32xf32>
    %add3A_352 = arith.addf %add3A_347, %mul3A_351 : vector<32xf32>
    %slice3A_353 = vector.extract_strided_slice %dot_general3A_260 {offsets = [18, 0], sizes = [1, 32], strides = [1, 1]} : vector<32x32xf32> to vector<1x32xf32>
    %squeeze3A_354 = vector.shape_cast %slice3A_353 : vector<1x32xf32> to vector<32xf32>
    %slice3A_355 = vector.extract_strided_slice %concatenate3A_60 {offsets = [576], sizes = [32], strides = [1]} : vector<1024xf32> to vector<32xf32>
    %mul3A_356 = arith.mulf %squeeze3A_354, %slice3A_355 : vector<32xf32>
    %add3A_357 = arith.addf %add3A_352, %mul3A_356 : vector<32xf32>
    %slice3A_358 = vector.extract_strided_slice %dot_general3A_260 {offsets = [19, 0], sizes = [1, 32], strides = [1, 1]} : vector<32x32xf32> to vector<1x32xf32>
    %squeeze3A_359 = vector.shape_cast %slice3A_358 : vector<1x32xf32> to vector<32xf32>
    %slice3A_360 = vector.extract_strided_slice %concatenate3A_60 {offsets = [608], sizes = [32], strides = [1]} : vector<1024xf32> to vector<32xf32>
    %mul3A_361 = arith.mulf %squeeze3A_359, %slice3A_360 : vector<32xf32>
    %add3A_362 = arith.addf %add3A_357, %mul3A_361 : vector<32xf32>
    %slice3A_363 = vector.extract_strided_slice %dot_general3A_260 {offsets = [20, 0], sizes = [1, 32], strides = [1, 1]} : vector<32x32xf32> to vector<1x32xf32>
    %squeeze3A_364 = vector.shape_cast %slice3A_363 : vector<1x32xf32> to vector<32xf32>
    %slice3A_365 = vector.extract_strided_slice %concatenate3A_60 {offsets = [640], sizes = [32], strides = [1]} : vector<1024xf32> to vector<32xf32>
    %mul3A_366 = arith.mulf %squeeze3A_364, %slice3A_365 : vector<32xf32>
    %add3A_367 = arith.addf %add3A_362, %mul3A_366 : vector<32xf32>
    %slice3A_368 = vector.extract_strided_slice %dot_general3A_260 {offsets = [21, 0], sizes = [1, 32], strides = [1, 1]} : vector<32x32xf32> to vector<1x32xf32>
    %squeeze3A_369 = vector.shape_cast %slice3A_368 : vector<1x32xf32> to vector<32xf32>
    %slice3A_370 = vector.extract_strided_slice %concatenate3A_60 {offsets = [672], sizes = [32], strides = [1]} : vector<1024xf32> to vector<32xf32>
    %mul3A_371 = arith.mulf %squeeze3A_369, %slice3A_370 : vector<32xf32>
    %add3A_372 = arith.addf %add3A_367, %mul3A_371 : vector<32xf32>
    %slice3A_373 = vector.extract_strided_slice %dot_general3A_260 {offsets = [22, 0], sizes = [1, 32], strides = [1, 1]} : vector<32x32xf32> to vector<1x32xf32>
    %squeeze3A_374 = vector.shape_cast %slice3A_373 : vector<1x32xf32> to vector<32xf32>
    %slice3A_375 = vector.extract_strided_slice %concatenate3A_60 {offsets = [704], sizes = [32], strides = [1]} : vector<1024xf32> to vector<32xf32>
    %mul3A_376 = arith.mulf %squeeze3A_374, %slice3A_375 : vector<32xf32>
    %add3A_377 = arith.addf %add3A_372, %mul3A_376 : vector<32xf32>
    %slice3A_378 = vector.extract_strided_slice %dot_general3A_260 {offsets = [23, 0], sizes = [1, 32], strides = [1, 1]} : vector<32x32xf32> to vector<1x32xf32>
    %squeeze3A_379 = vector.shape_cast %slice3A_378 : vector<1x32xf32> to vector<32xf32>
    %slice3A_380 = vector.extract_strided_slice %concatenate3A_60 {offsets = [736], sizes = [32], strides = [1]} : vector<1024xf32> to vector<32xf32>
    %mul3A_381 = arith.mulf %squeeze3A_379, %slice3A_380 : vector<32xf32>
    %add3A_382 = arith.addf %add3A_377, %mul3A_381 : vector<32xf32>
    %slice3A_383 = vector.extract_strided_slice %dot_general3A_260 {offsets = [24, 0], sizes = [1, 32], strides = [1, 1]} : vector<32x32xf32> to vector<1x32xf32>
    %squeeze3A_384 = vector.shape_cast %slice3A_383 : vector<1x32xf32> to vector<32xf32>
    %slice3A_385 = vector.extract_strided_slice %concatenate3A_60 {offsets = [768], sizes = [32], strides = [1]} : vector<1024xf32> to vector<32xf32>
    %mul3A_386 = arith.mulf %squeeze3A_384, %slice3A_385 : vector<32xf32>
    %add3A_387 = arith.addf %add3A_382, %mul3A_386 : vector<32xf32>
    %slice3A_388 = vector.extract_strided_slice %dot_general3A_260 {offsets = [25, 0], sizes = [1, 32], strides = [1, 1]} : vector<32x32xf32> to vector<1x32xf32>
    %squeeze3A_389 = vector.shape_cast %slice3A_388 : vector<1x32xf32> to vector<32xf32>
    %slice3A_390 = vector.extract_strided_slice %concatenate3A_60 {offsets = [800], sizes = [32], strides = [1]} : vector<1024xf32> to vector<32xf32>
    %mul3A_391 = arith.mulf %squeeze3A_389, %slice3A_390 : vector<32xf32>
    %add3A_392 = arith.addf %add3A_387, %mul3A_391 : vector<32xf32>
    %slice3A_393 = vector.extract_strided_slice %dot_general3A_260 {offsets = [26, 0], sizes = [1, 32], strides = [1, 1]} : vector<32x32xf32> to vector<1x32xf32>
    %squeeze3A_394 = vector.shape_cast %slice3A_393 : vector<1x32xf32> to vector<32xf32>
    %slice3A_395 = vector.extract_strided_slice %concatenate3A_60 {offsets = [832], sizes = [32], strides = [1]} : vector<1024xf32> to vector<32xf32>
    %mul3A_396 = arith.mulf %squeeze3A_394, %slice3A_395 : vector<32xf32>
    %add3A_397 = arith.addf %add3A_392, %mul3A_396 : vector<32xf32>
    %slice3A_398 = vector.extract_strided_slice %dot_general3A_260 {offsets = [27, 0], sizes = [1, 32], strides = [1, 1]} : vector<32x32xf32> to vector<1x32xf32>
    %squeeze3A_399 = vector.shape_cast %slice3A_398 : vector<1x32xf32> to vector<32xf32>
    %slice3A_400 = vector.extract_strided_slice %concatenate3A_60 {offsets = [864], sizes = [32], strides = [1]} : vector<1024xf32> to vector<32xf32>
    %mul3A_401 = arith.mulf %squeeze3A_399, %slice3A_400 : vector<32xf32>
    %add3A_402 = arith.addf %add3A_397, %mul3A_401 : vector<32xf32>
    %slice3A_403 = vector.extract_strided_slice %dot_general3A_260 {offsets = [28, 0], sizes = [1, 32], strides = [1, 1]} : vector<32x32xf32> to vector<1x32xf32>
    %squeeze3A_404 = vector.shape_cast %slice3A_403 : vector<1x32xf32> to vector<32xf32>
    %slice3A_405 = vector.extract_strided_slice %concatenate3A_60 {offsets = [896], sizes = [32], strides = [1]} : vector<1024xf32> to vector<32xf32>
    %mul3A_406 = arith.mulf %squeeze3A_404, %slice3A_405 : vector<32xf32>
    %add3A_407 = arith.addf %add3A_402, %mul3A_406 : vector<32xf32>
    %slice3A_408 = vector.extract_strided_slice %dot_general3A_260 {offsets = [29, 0], sizes = [1, 32], strides = [1, 1]} : vector<32x32xf32> to vector<1x32xf32>
    %squeeze3A_409 = vector.shape_cast %slice3A_408 : vector<1x32xf32> to vector<32xf32>
    %slice3A_410 = vector.extract_strided_slice %concatenate3A_60 {offsets = [928], sizes = [32], strides = [1]} : vector<1024xf32> to vector<32xf32>
    %mul3A_411 = arith.mulf %squeeze3A_409, %slice3A_410 : vector<32xf32>
    %add3A_412 = arith.addf %add3A_407, %mul3A_411 : vector<32xf32>
    %slice3A_413 = vector.extract_strided_slice %dot_general3A_260 {offsets = [30, 0], sizes = [1, 32], strides = [1, 1]} : vector<32x32xf32> to vector<1x32xf32>
    %squeeze3A_414 = vector.shape_cast %slice3A_413 : vector<1x32xf32> to vector<32xf32>
    %slice3A_415 = vector.extract_strided_slice %concatenate3A_60 {offsets = [960], sizes = [32], strides = [1]} : vector<1024xf32> to vector<32xf32>
    %mul3A_416 = arith.mulf %squeeze3A_414, %slice3A_415 : vector<32xf32>
    %add3A_417 = arith.addf %add3A_412, %mul3A_416 : vector<32xf32>
    %slice3A_418 = vector.extract_strided_slice %dot_general3A_260 {offsets = [31, 0], sizes = [1, 32], strides = [1, 1]} : vector<32x32xf32> to vector<1x32xf32>
    %squeeze3A_419 = vector.shape_cast %slice3A_418 : vector<1x32xf32> to vector<32xf32>
    %slice3A_420 = vector.extract_strided_slice %concatenate3A_60 {offsets = [992], sizes = [32], strides = [1]} : vector<1024xf32> to vector<32xf32>
    %mul3A_421 = arith.mulf %squeeze3A_419, %slice3A_420 : vector<32xf32>
    %add3A_422 = arith.addf %add3A_417, %mul3A_421 : vector<32xf32>
    %reduce_sum3A_423 = vector.shape_cast %add3A_422 : vector<32xf32> to vector<1x32xf32>
    %reduce_sum3A_424 = arith.constant dense<0.000000e+00> : vector<1xf32>
    %reduce_sum3A_425 = vector.multi_reduction <add>, %reduce_sum3A_423, %reduce_sum3A_424 [1] : vector<1x32xf32> to vector<1xf32>
    %reduce_sum3A_426 = vector.shape_cast %reduce_sum3A_425 : vector<1xf32> to vector<1x1xf32>
    %reduce_sum3A_427 = vector.extract %reduce_sum3A_426[0, 0] : f32 from vector<1x1xf32>
    %stack3A = vector.broadcast %reduce_sum3A_239 : f32 to vector<1xf32>
    %stack3A_428 = vector.broadcast %reduce_sum3A_427 : f32 to vector<1xf32>
    %stack3A_429 = tpu.concatenate %stack3A, %stack3A_428 in 0 : vector<1xf32>, vector<1xf32> -> vector<2xf32>
    %reshape3A = vector.shape_cast %stack3A_429 : vector<2xf32> to vector<1x2xf32>
    %swap3A = arith.constant 0 : index
    %swap3A_430 = arith.constant 0 : index
    %swap3A_431 = vector.load %arg6[%swap3A, %swap3A_430] : memref<1x2xf32, #tpu.memory_space<vmem>>, vector<1x2xf32>
    tpu.vector_store %arg6[%swap3A, %swap3A_430], %reshape3A {strides = array<i32>} : memref<1x2xf32, #tpu.memory_space<vmem>>, vector<1x2xf32>,
    return
  }
}

</mosaic_0001>

<sc_bundles>
// kernel: kernel.5.cloned.1.call-start
scs
__scs_entry_jumppad:
0x0: {  	(pc) =	sbr.rel $0x88, $3  }
0x1: {  	(tag) =	ssettag $0x0;
	lr =	simm.s32 $0x1  }
0x2: {  	[smem:$0x3F9B] =	sst lr;
	_ =	strace $0xD0000000  }
0x3: {  	_ = 	snop  }
0x4: {  	_ = 	snop  }
0x5: {  	_ = 	snop  }
0x6: {  	_ = 	snop  }
0x7: {  	_ = 	snop  }
__scs_overlays_trampoline_lowered:
0x8: {  	[smem:$0x3FAA] =	sst s0  }
0x9: {  	[smem:$0x3FAB] =	sst s1  }
0xa: {  	[smem:$0x3FAC] =	sst s2  }
0xb: {  	[smem:$0x3FAD] =	sst s3  }
0xc: {  	[smem:$0x3FAE] =	sst s4  }
0xd: {  	[smem:$0x3FAF] =	sst s5  }
0xe: {  	[smem:$0x3FB0] =	sst s6  }
0xf: {  	[smem:$0x3FB1] =	sst s7  }
0x10: {  	[smem:$0x3FB2] =	sst s8  }
0x11: {  	[smem:$0x3FB3] =	sst s9;
	s0 =	simm.s32 @!p0 $0x0  }
0x12: {  	s1 =	sld [smem:$0x3F99];
	s0 =	simm.s32 @p0 $0x1  }
0x13: {  	[smem:$0x3FB4] =	sst s0;
	s0 =	simm.s32 @!p1 $0x0  }
0x14: {  	s2 =	sld [smem:$0x3F98];
	s0 =	simm.s32 @p1 $0x1  }
0x15: {  	[smem:$0x3FB5] =	sst s0;
	s0 =	simm.s32 @!p2 $0x0  }
0x16: {  	s3 =	sld [smem:$0x3FDB];
	s0 =	simm.s32 @p2 $0x1  }
0x17: {  	s4 =	simm.s32 $0x1BF5;
	[smem:$0x3FB7] =	sst s0  }
0x18: {  	s0 =	sld [smem:$0x3F9A];
	_ =	swait.ge [sflag:s4], $0x0  }
0x19: {  	s7 =	sld [smem:$0x3F9B]  }
0x1a: {  	s8 =	sadd.s32 $0xFFFFE003, lr  }
0x1b: {  	s9 =	sadd.s32 $0xFFFFFEF7, lr;
	s5 =	simm.s32 $0xFFFFFFFF;
	p2 =	slt.u32 s8, $0xFFFFF086  }
0x1c: {  	p1 =	slt.u32 s9, $0xF7A;
	s5 =	simm.s32 @!p2 $0x0  }
0x1d: {  	s5 =	simm.s32 @p1 $0x1;
	p0 =	seq.s32 s7, s2  }
0x1e: {  	s7 =	smul.u32 @!p0 $0xF7A, s2;
	p2 =	seq.s32 @!p0 s5, $0x0  }
0x1f: {  	s9 =	smul.u32 $0xF7A, s1;
	s8 =	simm.s32 @!p0 $0x1BF5;
	p2 =	por !p2, p0  }
0x20: {  	[sflag:s8] =	ssyncset.s32 @!p0 $0xFFFFF086;
	s6 =	sadd.s32 @!p0 s3, s7;
	s7 =	simm.s32 @!p0 $0x108  }
0x21: {  	s3 =	sadd.s32 s3, s9;
	s6 =	sadd.s32 @!p0 $0x88, s6;
	s7 =	simm.s32 @p2 $0x1082  }
0x22: {  	[simem:s7], [sflag:s8] =	dma.local @!p0 [hbm:s6], $0xF7A  }
0x23: {  	s9 =	sor.u32 $0xD0000000, s2;
	s6 =	simm.s32 $0x108;
	_ =	swait.ge @!p0 [sflag:s8], $0x0  }
0x24: {  	s3 =	sadd.s32 $0x88, s3;
	s6 =	simm.s32 @!p1 $0x1082;
	[sflag:s4] =	ssyncset.s32 $0xFFFFF086  }
0x25: {  	[simem:s6], [sflag:s4] =	dma.local [hbm:s3], $0xF7A  }
0x26: {  	[smem:$0x3F9B] =	sst s1;
	(tag) =	ssettag s2;
	_ =	strace s9  }
0x27: {  	s1 =	sld [smem:$0x3FAB]  }
0x28: {  	s2 =	sld [smem:$0x3FAC]  }
0x29: {  	s4 =	sld [smem:$0x3FAE]  }
0x2a: {  	p0 =	seq.s32 s5, $0x0;
	s5 =	sld [smem:$0x3FAF]  }
0x2b: {  	s6 =	sld [smem:$0x3FB0]  }
0x2c: {  	s7 =	sld [smem:$0x3FB1]  }
0x2d: {  	s3 =	simm.s32 $0x108;
	s8 =	sld [smem:$0x3FB2]  }
0x2e: {  	s3 =	simm.s32 @!p0 $0x1082;
	s9 =	sld [smem:$0x3FB3]  }
0x2f: {  	lr =	sadd.s32 s0, s3;
	s0 =	sld [smem:$0x3FAA]  }
0x30: {  	s3 =	sld [smem:$0x3FAD]  }
0x31: {  	[smem:$0x3FB6] =	sst s10  }
0x32: {  	s10 =	sld [smem:$0x3FB4];
	_ =	sdelay $0x3  }
0x33: {  	p0 =	seq.s32 s10, $0x1;
	s10 =	sld [smem:$0x3FB6];
	_ =	sdelay $0x3  }
0x34: {  	[smem:$0x3FB6] =	sst s10  }
0x35: {  	s10 =	sld [smem:$0x3FB5];
	_ =	sdelay $0x3  }
0x36: {  	p1 =	seq.s32 s10, $0x1;
	s10 =	sld [smem:$0x3FB6];
	_ =	sdelay $0x3  }
0x37: {  	[smem:$0x3FB6] =	sst s10  }
0x38: {  	s10 =	sld [smem:$0x3FB7]  }
0x39: {  	_ = 	snop;
	(pc) =	sbr.ind lr, $3  }
0x3a: {  	_ = 	snop  }
0x3b: {  	_ = 	snop  }
0x3c: {  	p2 =	seq.s32 s10, $0x1;
	s10 =	sld [smem:$0x3FB6]  }
0x3d: {  	_ =	shalt  }
0x3e: {  	_ =	shalt  }
0x3f: {  	_ =	shalt  }
0x40: {  	_ =	shalt  }
0x41: {  	_ =	shalt  }
0x42: {  	_ =	shalt  }
0x43: {  	_ =	shalt  }
0x44: {  	_ =	shalt  }
0x45: {  	_ =	shalt  }
0x46: {  	_ =	shalt  }
0x47: {  	_ =	shalt  }
0x48: {  	_ =	shalt  }
0x49: {  	_ =	shalt  }
0x4a: {  	_ =	shalt  }
0x4b: {  	_ =	shalt  }
0x4c: {  	_ =	shalt  }
0x4d: {  	_ =	shalt  }
0x4e: {  	_ =	shalt  }
0x4f: {  	_ =	shalt  }
0x50: {  	_ =	shalt  }
0x51: {  	_ =	shalt  }
0x52: {  	_ =	shalt  }
0x53: {  	_ =	shalt  }
0x54: {  	_ =	shalt  }
0x55: {  	_ =	shalt  }
0x56: {  	_ =	shalt  }
0x57: {  	_ =	shalt  }
0x58: {  	_ =	shalt  }
0x59: {  	_ =	shalt  }
0x5a: {  	_ =	shalt  }
0x5b: {  	_ =	shalt  }
0x5c: {  	_ =	shalt  }
0x5d: {  	_ =	shalt  }
0x5e: {  	_ =	shalt  }
0x5f: {  	_ =	shalt  }
0x60: {  	_ =	shalt  }
0x61: {  	_ =	shalt  }
0x62: {  	_ =	shalt  }
0x63: {  	_ =	shalt  }
0x64: {  	_ =	shalt  }
0x65: {  	_ =	shalt  }
0x66: {  	_ =	shalt  }
0x67: {  	_ =	shalt  }
0x68: {  	_ =	shalt  }
0x69: {  	_ =	shalt  }
0x6a: {  	_ =	shalt  }
0x6b: {  	_ =	shalt  }
0x6c: {  	_ =	shalt  }
0x6d: {  	_ =	shalt  }
0x6e: {  	_ =	shalt  }
0x6f: {  	_ =	shalt  }
0x70: {  	_ =	shalt  }
0x71: {  	_ =	shalt  }
0x72: {  	_ =	shalt  }
0x73: {  	_ =	shalt  }
0x74: {  	_ =	shalt  }
0x75: {  	_ =	shalt  }
0x76: {  	_ =	shalt  }
0x77: {  	_ =	shalt  }
0x78: {  	_ =	shalt  }
0x79: {  	_ =	shalt  }
0x7a: {  	_ =	shalt  }
0x7b: {  	_ =	shalt  }
0x7c: {  	_ =	shalt  }
0x7d: {  	_ =	shalt  }
0x7e: {  	_ =	shalt  }
0x7f: {  	_ =	shalt  }
0x80: {  	_ =	shalt  }
0x81: {  	_ =	shalt  }
0x82: {  	_ =	shalt  }
0x83: {  	_ =	shalt  }
0x84: {  	_ =	shalt  }
0x85: {  	_ =	shalt  }
0x86: {  	_ =	shalt  }
0x87: {  	_ =	shalt  }
.Lfunc_end0:
.L_simem_size_0:
called_computation_lowered:
.L_overlay_start_0:
0x88: {  	s2 =	sld [smem:$0x3FD9]  }
0x89: {  	s3 =	sld [smem:$0x3FFE];
	_ =	sdelay $0x1  }
0x8a: {  	s1 =	srdreg.scid  }
0x8b: {  	s0 =	sand.u32 $0x1, s1  }
0x8c: {  	s16 =	sshll.u32 s0, $0xA;
	s2 =	sadd.s32 s3, s2  }
0x8d: {  	s2 =	sadd.s32 s2, s16  }
0x8e: {  	[smem:$0x3FC2] =	sst s2  }
0x8f: {  	_ = 	snop  }
0x90: {  	(tm) =	ssettm $0x1  }
0x91: {  	s17 =	sld [smem:$0x3FFB];
	_ =	sdelay $0x3  }
0x92: {  	_ =	strace s17  }
0x93: {  	s2 =	sld [smem:$0x3FFC];
	_ =	sdelay $0x3  }
0x94: {  	_ =	strace s2  }
0x95: {  	s2 =	sld [smem:$0x3FFD];
	_ =	sdelay $0x3  }
0x96: {  	_ =	strace s2  }
0x97: {  	_ =	strace $0x8FFFFFFF  }
0x98: {  	s18 =	sld [smem:$0x3FDB];
	_ =	sdelay $0x1  }
0x99: {  	s19 =	simm.s32 $_scs_section_size  }
0x9a: {  	s4 =	simm.s32 $_size__tile_overlayer_lowered;
	s5 =	simm.s32 $_tile_overlayer_lowered  }
0x9b: {  	s22 =	simm.s32 $0x1BFF;
	s21 =	sshll.u32 s5, $0x1;
	s2 =	sadd.s32 s19, s18  }
0x9c: {  	s6 =	simm.s32 $0x0;
	s20 =	sshll.u32 s4, $0x1;
	s4 =	sadd.s32 s21, s2  }
0x9d: {  	[timem:s6], [sflag:s22] =	dma.local [hbm:s4], s20  }
0x9e: {  	_ =	swait.ge [sflag:s22], s20  }
0x9f: {  	s3 =	ssub.s32 $0x0, s20;
	[sflag:s22] =	ssyncset.done $0x0  }
0xa0: {  	[sflag:s22] =	ssyncadd.s32 s3;
	_ =	sdelay $0x1  }
0xa1: {  	s23 =	simm.s32 $0x1B8B  }
0xa2: {  	_ =	swait.ge [sflag:s23], $0x1  }
0xa3: {  	[sflag:s23] =	ssyncset.done $0x0  }
0xa4: {  	s25 =	simm.s32 $0x1B8E;
	s24 =	sld [smem:$0x3FFE];
	[sflag:s23] =	ssyncadd.s32 $0xFFFFFFFF  }
0xa5: {  	s26 =	simm.s32 $execute0_lowered;
	[smem:$0x3FD2] =	sst s25  }
0xa6: {  	s4 =	sshll.u32 s26, $0x1;
	_ =	strace $0x80000046;
	[dreg:$0x1] =	wrdreg $0xFFFFFFFF  }
0xa7: {  	s28 =	simm.s32 $_size_execute0_lowered;
	s2 =	sadd.s32 s2, s4;
	[dreg:$0x0] =	wrdreg $0x0  }
0xa8: {  	s4 =	sshll.u32 s28, $0x1;
	[dreg:$0x2] =	wrdreg s2  }
0xa9: {  	[dreg:$0x3] =	wrdreg s4  }
0xaa: {  	[dreg:$0x4] =	wrdreg $0xC0  }
0xab: {  	_ =	task [dreg:s6], $0x5FFFF  }
0xac: {  	[dreg:$0x1] =	wrdreg $0xFFFFFFFF  }
0xad: {  	[dreg:$0x0] =	wrdreg $0x60  }
0xae: {  	[dreg:$0x2] =	wrdreg s24  }
0xaf: {  	[dreg:$0x3] =	wrdreg $0x9  }
0xb0: {  	_ =	task.clear_ibuf [dreg:s6], $0x4FFFF;
	_ =	strace $0x90000046  }
0xb1: {  	s29 =	simm.s32 $0x9;
	_ =	strace $0x80000048  }
0xb2: {  	_ =	swait.ge [sflag:s29], $0x1  }
0xb3: {  	[sflag:s29] =	ssyncadd.s32 $0xFFFFFFFF  }
0xb4: {  	_ =	strace $0x90000048  }
0xb5: {  	_ =	sfence  }
0xb6: {  	s30 =	sld [smem:$0x0];
	_ =	sdelay $0x2  }
0xb7: {  	s31 =	sshll.u32 s1, $0xD;
	s1 =	sshrl.u32 s1, $0x2  }
0xb8: {  	s3 =	sand.u32 $0x4000, s31;
	s1 =	sadd.s32 s1, s30  }
0xb9: {  	s0 =	sor.u32 s3, s0;
	s1 =	sshll.u32 s1, $0x11  }
0xba: {  	s0 =	sor.u32 s1, s0  }
0xbb: {  	s0 =	sadd.s32 $0x8F2B, s0  }
0xbc: {  	[sflag:s0] =	ssyncadd.remote.s32 $0x1  }
0xbd: {  	_ =	sfence.sel $0xFFFF  }
0xbe: {  	[dreg:$0x0] =	wrdreg $0xFFFFFFFF;
	(pc) =	sbr.abs _section_cstart, $3  }
0xbf: {  	[dreg:$0x1] =	wrdreg $0xFFFFFFFF  }
0xc0: {  	_ =	task.clear_ibuf [dreg:s6], $0x2FFFF;
	_ =	strace $0x9FFFFFFF  }
0xc1: {  	(tm) =	ssettm $0x7FFFFFFF  }
tec
execute0_lowered:
.L_overlay_start_1:
0x0: {  	(tag) =	ssettag $0x1  }
0x1: {  	s5 =	rddreg [dreg:$0x0]  }
0x2: {  	s3 =	srdreg.scid;
	s1 =	stileid.u32;
	s2 =	simm.s32 $0x0  }
0x3: {  	s11 =	simm.s32 $0x80;
	s12 =	simm.s32 $0x400;
	s13 =	simm.s32 $0x800  }
0x4: {  	s14 =	simm.s32 $0x600;
	s15 =	simm.s32 $0xA00;
	s16 =	simm.s32 $0x480  }
0x5: {  	s17 =	simm.s32 $0x880;
	s18 =	simm.s32 $0x680;
	s19 =	simm.s32 $0xA80  }
0x6: {  	s20 =	simm.s32 $0x500;
	s21 =	simm.s32 $0x900;
	s22 =	simm.s32 $0x700  }
0x7: {  	s23 =	simm.s32 $0xB00;
	s24 =	simm.s32 $0x580;
	s28 =	simm.s32 $0xB80  }
0x8: {  	s29 =	simm.s32 $0x1;
	s30 =	simm.s32 $0xC00;
	s31 =	simm.s32 $0xC80  }
0x9: {  	s4 =	sand.u32 $0x1, s3;
	s25 =	sshll.u32 s1, $0x1;
	[smem:$0x7FF] =	sst s2  }
0xa: {  	s6 =	sor.u32 s4, s25;
	_ =	strace $0x80000047;
	s8 =	ssub.s32 $0x2, s4  }
0xb: {  	s4 =	sadd.s32 $0x21400, s5;
	s25 =	simm.s32 $0x980;
	s3 =	sshll.u32 s6, $0x6  }
0xc: {  	s6 =	sshll.u32 s6, $0x4;
	s9 =	sshrl.u32 s8, $0x1;
	s7 =	sadd.s32 s3, s5  }
0xd: {  	s3 =	sadd.s32 $0x2A00, s5;
	s10 =	sadd.s32 s6, s5;
	s8 =	ssub.s32 s8, s9  }
0xe: {  	s9 =	simm.s32 $0x2;
	s26 =	sadd.s32 $0x2200, s7;
	s5 =	sadd.s32 $0x1A00, s7  }
0xf: {  	s6 =	sadd.s32 $0x3FE00, s10;
	s7 =	sadd.s32 $0x40000, s10;
	s8 =	smax.u32 s8, $0x1  }
0x10: {  	s10 =	simm.s32 $0x200;
	[dreg:$0x2] =	wrdreg s26;
	s26 =	simm.s32 $0x780  }
.LBB2_1:
0x11: {  	s0 =	rddreg [dreg:$0x2]  }
0x12: {  	[tilespmem:s2], [sflag:$0x2] =	stream.linear.gather [hbm4b:s0+s2], $0x200, $0x38;
	[tilespmem:$0xD00] =	vst v63  }
0x13: {  	_ =	swait.ge [sflag:s9], $0x200  }
0x14: {  	[sflag:s9] =	ssyncset.done $0x0  }
0x15: {  	[sflag:s9] =	ssyncadd.s32 $0xFFFFFE00  }
0x16: {  	[tilespmem:s10], [sflag:$0x2] =	stream.linear.gather [hbm4b:s5+s2], $0x200, $0x38;
	[tilespmem:$0xD00] =	vst v63  }
0x17: {  	_ =	swait.ge [sflag:s9], $0x200  }
0x18: {  	[sflag:s9] =	ssyncset.done $0x0  }
0x19: {  	[sflag:s9] =	ssyncadd.s32 $0xFFFFFE00  }
0x1a: {  	v0 =	vld [tilespmem:$0x0]  }
0x1b: {  	v1 =	vld [tilespmem:$0x200]  }
0x1c: {  	v2 =	vld [tilespmem:$0x10]  }
0x1d: {  	v3 =	vld [tilespmem:$0x210]  }
0x1e: {  	v4 =	vld [tilespmem:$0x20]  }
0x1f: {  	v6 =	vld [tilespmem:$0x220]  }
0x20: {  	v8 =	vld [tilespmem:$0x30]  }
0x21: {  	v9 =	vld [tilespmem:$0x230];
	v5 =	vmul.u32 $0x3E8, v0  }
0x22: {  	v34 =	vld [tilespmem:$0x40];
	v7 =	vmul.u32 $0x3E8, v1  }
0x23: {  	v37 =	vld [tilespmem:$0x240];
	v32 =	vmul.u32 $0x3E8, v2;
	v1 =	vadd.s32 v1, v5  }
0x24: {  	v40 =	vld [tilespmem:$0x50];
	v33 =	vmul.u32 $0x3E8, v3;
	v0 =	vadd.s32 v0, v7;
	[tilespmem:$0x400] =	vst v1  }
0x25: {  	v43 =	vld [tilespmem:$0x250];
	v36 =	vmul.u32 $0x3E8, v4;
	v35 =	vadd.s32 v3, v32;
	[tilespmem:$0x600] =	vst v0  }
0x26: {  	v46 =	vld [tilespmem:$0x60];
	v39 =	vmul.u32 $0x3E8, v6;
	v38 =	vadd.s32 v2, v33;
	[tilespmem:$0x410] =	vst v35  }
0x27: {  	v49 =	vld [tilespmem:$0x260];
	v42 =	vmul.u32 $0x3E8, v8;
	v41 =	vadd.s32 v6, v36;
	[tilespmem:$0x610] =	vst v38  }
0x28: {  	v52 =	vld [tilespmem:$0x70];
	v45 =	vmul.u32 $0x3E8, v9;
	v44 =	vadd.s32 v4, v39;
	[tilespmem:$0x420] =	vst v41  }
0x29: {  	v55 =	vld [tilespmem:$0x270];
	v48 =	vmul.u32 $0x3E8, v34;
	v47 =	vadd.s32 v9, v42;
	[tilespmem:$0x620] =	vst v44  }
0x2a: {  	v58 =	vld [tilespmem:$0x80];
	v51 =	vmul.u32 $0x3E8, v37;
	v50 =	vadd.s32 v8, v45;
	[tilespmem:$0x430] =	vst v47  }
0x2b: {  	v61 =	vld [tilespmem:$0x280];
	v54 =	vmul.u32 $0x3E8, v40;
	v53 =	vadd.s32 v37, v48;
	[tilespmem:$0x630] =	vst v50  }
0x2c: {  	v12 =	vld [tilespmem:$0x90];
	v57 =	vmul.u32 $0x3E8, v43;
	v56 =	vadd.s32 v34, v51;
	[tilespmem:$0x440] =	vst v53  }
0x2d: {  	v15 =	vld [tilespmem:$0x290];
	v60 =	vmul.u32 $0x3E8, v46;
	v59 =	vadd.s32 v43, v54;
	[tilespmem:$0x640] =	vst v56  }
0x2e: {  	v18 =	vld [tilespmem:$0xA0];
	v63 =	vmul.u32 $0x3E8, v49;
	v62 =	vadd.s32 v40, v57;
	[tilespmem:$0x450] =	vst v59  }
0x2f: {  	v21 =	vld [tilespmem:$0x2A0];
	v14 =	vmul.u32 $0x3E8, v52;
	v13 =	vadd.s32 v49, v60;
	[tilespmem:$0x650] =	vst v62  }
0x30: {  	v24 =	vld [tilespmem:$0xB0];
	v17 =	vmul.u32 $0x3E8, v55;
	v16 =	vadd.s32 v46, v63;
	[tilespmem:$0x460] =	vst v13  }
0x31: {  	v27 =	vld [tilespmem:$0x2B0];
	v20 =	vmul.u32 $0x3E8, v58;
	v19 =	vadd.s32 v55, v14;
	[tilespmem:$0x660] =	vst v16  }
0x32: {  	v30 =	vld [tilespmem:$0xC0];
	v23 =	vmul.u32 $0x3E8, v61;
	v22 =	vadd.s32 v52, v17;
	[tilespmem:$0x470] =	vst v19  }
0x33: {  	v26 =	vmul.u32 $0x3E8, v12;
	v25 =	vadd.s32 v61, v20;
	v33 =	vld [tilespmem:$0x2C0];
	[tilespmem:$0x670] =	vst v22  }
0x34: {  	v29 =	vmul.u32 $0x3E8, v15;
	v28 =	vadd.s32 v58, v23;
	v36 =	vld [tilespmem:$0xD0];
	[tilespmem:$0x480] =	vst v25  }
0x35: {  	v31 =	vadd.s32 v15, v26;
	v32 =	vmul.u32 $0x3E8, v18;
	v39 =	vld [tilespmem:$0x2D0];
	[tilespmem:$0x680] =	vst v28  }
0x36: {  	v34 =	vadd.s32 v12, v29;
	v42 =	vld [tilespmem:$0xE0];
	[tilespmem:$0x490] =	vst v31;
	v35 =	vmul.u32 $0x3E8, v21  }
0x37: {  	v45 =	vld [tilespmem:$0x2E0];
	[tilespmem:$0x690] =	vst v34;
	v38 =	vmul.u32 $0x3E8, v24;
	v37 =	vadd.s32 v21, v32  }
0x38: {  	v48 =	vld [tilespmem:$0xF0];
	v41 =	vmul.u32 $0x3E8, v27;
	[tilespmem:$0x4A0] =	vst v37;
	v40 =	vadd.s32 v18, v35  }
0x39: {  	v51 =	vld [tilespmem:$0x2F0];
	v44 =	vmul.u32 $0x3E8, v30;
	v43 =	vadd.s32 v27, v38;
	[tilespmem:$0x6A0] =	vst v40  }
0x3a: {  	v54 =	vld [tilespmem:$0x100];
	v46 =	vadd.s32 v24, v41;
	[tilespmem:$0x4B0] =	vst v43;
	v47 =	vmul.u32 $0x3E8, v33  }
0x3b: {  	v57 =	vld [tilespmem:$0x300];
	[tilespmem:$0x6B0] =	vst v46;
	v49 =	vadd.s32 v33, v44;
	v50 =	vmul.u32 $0x3E8, v36  }
0x3c: {  	v60 =	vld [tilespmem:$0x110];
	v53 =	vmul.u32 $0x3E8, v39;
	[tilespmem:$0x4C0] =	vst v49;
	v52 =	vadd.s32 v30, v47  }
0x3d: {  	v63 =	vld [tilespmem:$0x310];
	v56 =	vmul.u32 $0x3E8, v42;
	v55 =	vadd.s32 v39, v50;
	[tilespmem:$0x6C0] =	vst v52  }
0x3e: {  	v13 =	vld [tilespmem:$0x120];
	v59 =	vmul.u32 $0x3E8, v45;
	v58 =	vadd.s32 v36, v53;
	[tilespmem:$0x4D0] =	vst v55  }
0x3f: {  	v16 =	vld [tilespmem:$0x320];
	v62 =	vmul.u32 $0x3E8, v48;
	v61 =	vadd.s32 v45, v56;
	[tilespmem:$0x6D0] =	vst v58  }
0x40: {  	v19 =	vld [tilespmem:$0x130];
	v12 =	vmul.u32 $0x3E8, v51;
	v11 =	vadd.s32 v42, v59;
	[tilespmem:$0x4E0] =	vst v61  }
0x41: {  	v22 =	vld [tilespmem:$0x330];
	v15 =	vmul.u32 $0x3E8, v54;
	v14 =	vadd.s32 v51, v62;
	[tilespmem:$0x6E0] =	vst v11  }
0x42: {  	v25 =	vld [tilespmem:$0x140];
	v18 =	vmul.u32 $0x3E8, v57;
	v17 =	vadd.s32 v48, v12;
	[tilespmem:$0x4F0] =	vst v14  }
0x43: {  	v28 =	vld [tilespmem:$0x340];
	v21 =	vmul.u32 $0x3E8, v60;
	v20 =	vadd.s32 v57, v15;
	[tilespmem:$0x6F0] =	vst v17  }
0x44: {  	v31 =	vld [tilespmem:$0x150];
	v24 =	vmul.u32 $0x3E8, v63;
	v23 =	vadd.s32 v54, v18;
	[tilespmem:$0x500] =	vst v20  }
0x45: {  	v34 =	vld [tilespmem:$0x350];
	v27 =	vmul.u32 $0x3E8, v13;
	v26 =	vadd.s32 v63, v21;
	[tilespmem:$0x700] =	vst v23  }
0x46: {  	v37 =	vld [tilespmem:$0x160];
	v33 =	vmul.u32 $0x3E8, v19;
	v29 =	vadd.s32 v60, v24;
	[tilespmem:$0x510] =	vst v26  }
0x47: {  	v40 =	vld [tilespmem:$0x360];
	v30 =	vmul.u32 $0x3E8, v16;
	[tilespmem:$0x710] =	vst v29;
	v32 =	vadd.s32 v16, v27  }
0x48: {  	v43 =	vld [tilespmem:$0x170];
	v36 =	vmul.u32 $0x3E8, v22;
	v38 =	vadd.s32 v22, v33;
	[tilespmem:$0x520] =	vst v32  }
0x49: {  	v46 =	vld [tilespmem:$0x370];
	v39 =	vmul.u32 $0x3E8, v25;
	v35 =	vadd.s32 v13, v30;
	[tilespmem:$0x530] =	vst v38  }
0x4a: {  	v49 =	vld [tilespmem:$0x180];
	v42 =	vmul.u32 $0x3E8, v28;
	v41 =	vadd.s32 v19, v36;
	[tilespmem:$0x720] =	vst v35  }
0x4b: {  	v45 =	vmul.u32 $0x3E8, v31;
	v12 =	vld [tilespmem:$0x3A0];
	v44 =	vadd.s32 v28, v39;
	[tilespmem:$0x730] =	vst v41  }
0x4c: {  	v48 =	vmul.u32 $0x3E8, v34;
	v15 =	vld [tilespmem:$0x1B0];
	v47 =	vadd.s32 v25, v42;
	[tilespmem:$0x540] =	vst v44  }
0x4d: {  	v18 =	vld [tilespmem:$0x3B0];
	v51 =	vmul.u32 $0x3E8, v37;
	v50 =	vadd.s32 v34, v45;
	[tilespmem:$0x740] =	vst v47  }
0x4e: {  	v52 =	vld [tilespmem:$0x380];
	v53 =	vadd.s32 v31, v48;
	v54 =	vmul.u32 $0x3E8, v40;
	[tilespmem:$0x550] =	vst v50  }
0x4f: {  	v61 =	vld [tilespmem:$0x1A0];
	v57 =	vmul.u32 $0x3E8, v43;
	[tilespmem:$0x750] =	vst v53;
	v56 =	vadd.s32 v40, v51  }
0x50: {  	v21 =	vld [tilespmem:$0x1C0];
	v60 =	vmul.u32 $0x3E8, v46;
	[tilespmem:$0x560] =	vst v56;
	v59 =	vadd.s32 v37, v54  }
0x51: {  	v24 =	vld [tilespmem:$0x3C0];
	v62 =	vadd.s32 v46, v57;
	v63 =	vmul.u32 $0x3E8, v49;
	[tilespmem:$0x760] =	vst v59  }
0x52: {  	v13 =	vadd.s32 v43, v60;
	[tilespmem:$0x570] =	vst v62;
	v26 =	vmul.u32 $0x3E8, v12  }
0x53: {  	v55 =	vld [tilespmem:$0x190];
	[tilespmem:$0x770] =	vst v13;
	v29 =	vmul.u32 $0x3E8, v15;
	v16 =	vadd.s32 v52, v63  }
0x54: {  	v58 =	vld [tilespmem:$0x390];
	v32 =	vmul.u32 $0x3E8, v18;
	[tilespmem:$0x580] =	vst v16;
	v31 =	vadd.s32 v61, v26  }
0x55: {  	v35 =	vmul.u32 $0x3E8, v21;
	v34 =	vadd.s32 v18, v29;
	[tilespmem:$0x7A0] =	vst v31  }
0x56: {  	v27 =	vld [tilespmem:$0x1D0];
	v38 =	vmul.u32 $0x3E8, v24;
	v37 =	vadd.s32 v15, v32;
	[tilespmem:$0x5B0] =	vst v34  }
0x57: {  	v33 =	vld [tilespmem:$0x1E0];
	v14 =	vmul.u32 $0x3E8, v52;
	v40 =	vadd.s32 v24, v35;
	[tilespmem:$0x7B0] =	vst v37  }
0x58: {  	v30 =	vld [tilespmem:$0x3D0];
	v17 =	vmul.u32 $0x3E8, v55;
	v43 =	vadd.s32 v21, v38;
	[tilespmem:$0x5C0] =	vst v40  }
0x59: {  	v36 =	vld [tilespmem:$0x3E0];
	v20 =	vmul.u32 $0x3E8, v58;
	v19 =	vadd.s32 v49, v14;
	[tilespmem:$0x7C0] =	vst v43  }
0x5a: {  	v39 =	vld [tilespmem:$0x1F0];
	v23 =	vmul.u32 $0x3E8, v61;
	v22 =	vadd.s32 v58, v17;
	[tilespmem:$0x780] =	vst v19  }
0x5b: {  	v42 =	vld [tilespmem:$0x3F0];
	v41 =	vmul.u32 $0x3E8, v27;
	v25 =	vadd.s32 v55, v20;
	[tilespmem:$0x590] =	vst v22  }
0x5c: {  	v46 =	vmul.u32 $0x3E8, v33;
	v28 =	vadd.s32 v12, v23;
	[tilespmem:$0x790] =	vst v25  }
0x5d: {  	v44 =	vmul.u32 $0x3E8, v30;
	v45 =	vadd.s32 v30, v41;
	[tilespmem:$0x5A0] =	vst v28  }
0x5e: {  	v48 =	vmul.u32 $0x3E8, v36;
	v49 =	vadd.s32 v36, v46;
	[tilespmem:$0x5D0] =	vst v45  }
0x5f: {  	v50 =	vmul.u32 $0x3E8, v39;
	v47 =	vadd.s32 v27, v44;
	[tilespmem:$0x5E0] =	vst v49  }
0x60: {  	v52 =	vmul.u32 $0x3E8, v42;
	v51 =	vadd.s32 v33, v48;
	[tilespmem:$0x7D0] =	vst v47  }
0x61: {  	v53 =	vadd.s32 v42, v50;
	[tilespmem:$0x7E0] =	vst v51  }
0x62: {  	v54 =	vadd.s32 v39, v52;
	[tilespmem:$0x5F0] =	vst v53  }
0x63: {  	[tilespmem:$0x7F0] =	vst v54  }
0x64: {  	[tilespmem:s13], [sflag:$0x1] =	stream.indirect.gather [hbm4b:s3+s11], $0x1, s12, s11, $0xb8;
	[tilespmem:$0xD00] =	vst v63  }
0x65: {  	_ = 	snop  }
0x66: {  	[tilespmem:s15], [sflag:$0x1] =	stream.indirect.gather [hbm4b:s4+s11], $0x1, s14, s11, $0xb8;
	[tilespmem:$0xD00] =	vst v63  }
0x67: {  	_ = 	snop  }
0x68: {  	[tilespmem:s17], [sflag:$0x1] =	stream.indirect.gather [hbm4b:s3+s11], $0x1, s16, s11, $0xb8;
	[tilespmem:$0xD00] =	vst v63  }
0x69: {  	_ = 	snop  }
0x6a: {  	[tilespmem:s19], [sflag:$0x1] =	stream.indirect.gather [hbm4b:s4+s11], $0x1, s18, s11, $0xb8;
	[tilespmem:$0xD00] =	vst v63  }
0x6b: {  	_ = 	snop  }
0x6c: {  	[tilespmem:s21], [sflag:$0x1] =	stream.indirect.gather [hbm4b:s3+s11], $0x1, s20, s11, $0xb8;
	[tilespmem:$0xD00] =	vst v63  }
0x6d: {  	_ = 	snop  }
0x6e: {  	[tilespmem:s23], [sflag:$0x1] =	stream.indirect.gather [hbm4b:s4+s11], $0x1, s22, s11, $0xb8;
	[tilespmem:$0xD00] =	vst v63  }
0x6f: {  	_ = 	snop  }
0x70: {  	[tilespmem:s25], [sflag:$0x1] =	stream.indirect.gather [hbm4b:s3+s11], $0x1, s24, s11, $0xb8;
	[tilespmem:$0xD00] =	vst v63  }
0x71: {  	_ = 	snop  }
0x72: {  	[tilespmem:s28], [sflag:$0x1] =	stream.indirect.gather [hbm4b:s4+s11], $0x1, s26, s11, $0xb8;
	[tilespmem:$0xD00] =	vst v63  }
0x73: {  	_ =	swait.ge [sflag:s29], $0x80  }
0x74: {  	[sflag:s29] =	ssyncset.done $0x0  }
0x75: {  	[sflag:s29] =	ssyncadd.s32 $0xFFFFFF80  }
0x76: {  	_ =	swait.ge [sflag:s29], $0x80  }
0x77: {  	[sflag:s29] =	ssyncset.done $0x0  }
0x78: {  	[sflag:s29] =	ssyncadd.s32 $0xFFFFFF80  }
0x79: {  	_ =	swait.ge [sflag:s29], $0x80  }
0x7a: {  	[sflag:s29] =	ssyncset.done $0x0  }
0x7b: {  	[sflag:s29] =	ssyncadd.s32 $0xFFFFFF80  }
0x7c: {  	_ =	swait.ge [sflag:s29], $0x80  }
0x7d: {  	[sflag:s29] =	ssyncset.done $0x0  }
0x7e: {  	[sflag:s29] =	ssyncadd.s32 $0xFFFFFF80  }
0x7f: {  	_ =	swait.ge [sflag:s29], $0x80  }
0x80: {  	[sflag:s29] =	ssyncset.done $0x0  }
0x81: {  	[sflag:s29] =	ssyncadd.s32 $0xFFFFFF80  }
0x82: {  	_ =	swait.ge [sflag:s29], $0x80  }
0x83: {  	[sflag:s29] =	ssyncset.done $0x0  }
0x84: {  	[sflag:s29] =	ssyncadd.s32 $0xFFFFFF80  }
0x85: {  	_ =	swait.ge [sflag:s29], $0x80  }
0x86: {  	[sflag:s29] =	ssyncset.done $0x0  }
0x87: {  	[sflag:s29] =	ssyncadd.s32 $0xFFFFFF80  }
0x88: {  	_ =	swait.ge [sflag:s29], $0x80  }
0x89: {  	[sflag:s29] =	ssyncset.done $0x0  }
0x8a: {  	[sflag:s29] =	ssyncadd.s32 $0xFFFFFF80  }
0x8b: {  	v55 =	vld [tilespmem:$0x800]  }
0x8c: {  	v56 =	vld [tilespmem:$0xA00]  }
0x8d: {  	v57 =	vld [tilespmem:$0x810]  }
0x8e: {  	v58 =	vld [tilespmem:$0xA10]  }
0x8f: {  	v59 =	vld [tilespmem:$0x820]  }
0x90: {  	v60 =	vld [tilespmem:$0xA20];
	v0 =	vadd.f32 $0.0e+00, v55  }
0x91: {  	v61 =	vld [tilespmem:$0x830];
	v1 =	vadd.f32 $0.0e+00, v56  }
0x92: {  	v62 =	vld [tilespmem:$0xA30];
	v0 =	vadd.f32 v57, v0  }
0x93: {  	v63 =	vld [tilespmem:$0x840];
	v1 =	vadd.f32 v58, v1  }
0x94: {  	v9 =	vld [tilespmem:$0xA40];
	v0 =	vadd.f32 v59, v0  }
0x95: {  	v10 =	vld [tilespmem:$0x850];
	v1 =	vadd.f32 v60, v1  }
0x96: {  	v11 =	vld [tilespmem:$0xA50];
	v0 =	vadd.f32 v61, v0  }
0x97: {  	v12 =	vld [tilespmem:$0x860];
	v1 =	vadd.f32 v62, v1  }
0x98: {  	v13 =	vld [tilespmem:$0xA60];
	v0 =	vadd.f32 v63, v0  }
0x99: {  	v14 =	vld [tilespmem:$0x870];
	v1 =	vadd.f32 v9, v1  }
0x9a: {  	v15 =	vld [tilespmem:$0xA70];
	v0 =	vadd.f32 v10, v0  }
0x9b: {  	v16 =	vld [tilespmem:$0x880];
	v1 =	vadd.f32 v11, v1  }
0x9c: {  	v17 =	vld [tilespmem:$0xA80];
	v0 =	vadd.f32 v12, v0  }
0x9d: {  	v18 =	vld [tilespmem:$0x890];
	v1 =	vadd.f32 v13, v1  }
0x9e: {  	v19 =	vld [tilespmem:$0xA90];
	v0 =	vadd.f32 v14, v0  }
0x9f: {  	v20 =	vld [tilespmem:$0x8A0];
	v1 =	vadd.f32 v15, v1  }
0xa0: {  	v21 =	vld [tilespmem:$0xAA0];
	v0 =	vadd.f32 v16, v0  }
0xa1: {  	v22 =	vld [tilespmem:$0x8B0];
	v1 =	vadd.f32 v17, v1  }
0xa2: {  	v23 =	vld [tilespmem:$0xAB0];
	v0 =	vadd.f32 v18, v0  }
0xa3: {  	v24 =	vld [tilespmem:$0x8C0];
	v1 =	vadd.f32 v19, v1  }
0xa4: {  	v25 =	vld [tilespmem:$0xAC0];
	v0 =	vadd.f32 v20, v0  }
0xa5: {  	v26 =	vld [tilespmem:$0x8D0];
	v1 =	vadd.f32 v21, v1  }
0xa6: {  	v27 =	vld [tilespmem:$0xAD0];
	v0 =	vadd.f32 v22, v0  }
0xa7: {  	v28 =	vld [tilespmem:$0x8E0];
	v1 =	vadd.f32 v23, v1  }
0xa8: {  	v29 =	vld [tilespmem:$0xAE0];
	v0 =	vadd.f32 v24, v0  }
0xa9: {  	v30 =	vld [tilespmem:$0x8F0];
	v1 =	vadd.f32 v25, v1  }
0xaa: {  	v31 =	vld [tilespmem:$0xAF0];
	v0 =	vadd.f32 v26, v0  }
0xab: {  	v32 =	vld [tilespmem:$0x900];
	v1 =	vadd.f32 v27, v1  }
0xac: {  	v33 =	vld [tilespmem:$0xB00];
	v0 =	vadd.f32 v28, v0  }
0xad: {  	v34 =	vld [tilespmem:$0x910];
	v1 =	vadd.f32 v29, v1  }
0xae: {  	v35 =	vld [tilespmem:$0xB10];
	v0 =	vadd.f32 v30, v0  }
0xaf: {  	v36 =	vld [tilespmem:$0x920];
	v1 =	vadd.f32 v31, v1  }
0xb0: {  	v37 =	vld [tilespmem:$0xB20];
	v0 =	vadd.f32 v32, v0  }
0xb1: {  	v38 =	vld [tilespmem:$0x930];
	v1 =	vadd.f32 v33, v1  }
0xb2: {  	v39 =	vld [tilespmem:$0xB30];
	v0 =	vadd.f32 v34, v0  }
0xb3: {  	v40 =	vld [tilespmem:$0x940];
	v1 =	vadd.f32 v35, v1  }
0xb4: {  	v41 =	vld [tilespmem:$0xB40];
	v0 =	vadd.f32 v36, v0  }
0xb5: {  	v42 =	vld [tilespmem:$0x950];
	v1 =	vadd.f32 v37, v1  }
0xb6: {  	v43 =	vld [tilespmem:$0xB50];
	v0 =	vadd.f32 v38, v0  }
0xb7: {  	v44 =	vld [tilespmem:$0x960];
	v1 =	vadd.f32 v39, v1  }
0xb8: {  	v45 =	vld [tilespmem:$0xB60];
	v0 =	vadd.f32 v40, v0  }
0xb9: {  	v46 =	vld [tilespmem:$0x970];
	v1 =	vadd.f32 v41, v1  }
0xba: {  	v47 =	vld [tilespmem:$0xB70];
	v0 =	vadd.f32 v42, v0  }
0xbb: {  	v48 =	vld [tilespmem:$0x980];
	v1 =	vadd.f32 v43, v1  }
0xbc: {  	v49 =	vld [tilespmem:$0xB80];
	v0 =	vadd.f32 v44, v0  }
0xbd: {  	v50 =	vld [tilespmem:$0x990];
	v1 =	vadd.f32 v45, v1  }
0xbe: {  	v51 =	vld [tilespmem:$0xB90];
	v0 =	vadd.f32 v46, v0  }
0xbf: {  	v52 =	vld [tilespmem:$0x9A0];
	v1 =	vadd.f32 v47, v1  }
0xc0: {  	v53 =	vld [tilespmem:$0xBA0];
	v0 =	vadd.f32 v48, v0  }
0xc1: {  	v54 =	vld [tilespmem:$0x9B0];
	v1 =	vadd.f32 v49, v1  }
0xc2: {  	v55 =	vld [tilespmem:$0xBB0];
	v0 =	vadd.f32 v50, v0  }
0xc3: {  	v56 =	vld [tilespmem:$0x9C0];
	v1 =	vadd.f32 v51, v1  }
0xc4: {  	v57 =	vld [tilespmem:$0xBC0];
	v0 =	vadd.f32 v52, v0  }
0xc5: {  	v58 =	vld [tilespmem:$0x9D0];
	v1 =	vadd.f32 v53, v1  }
0xc6: {  	v59 =	vld [tilespmem:$0xBD0];
	v0 =	vadd.f32 v54, v0  }
0xc7: {  	v60 =	vld [tilespmem:$0x9E0];
	v1 =	vadd.f32 v55, v1  }
0xc8: {  	v61 =	vld [tilespmem:$0xBE0];
	v0 =	vadd.f32 v56, v0  }
0xc9: {  	v62 =	vld [tilespmem:$0x9F0];
	v1 =	vadd.f32 v57, v1  }
0xca: {  	v63 =	vld [tilespmem:$0xBF0];
	v0 =	vadd.f32 v58, v0  }
0xcb: {  	v1 =	vadd.f32 v59, v1  }
0xcc: {  	v0 =	vadd.f32 v60, v0  }
0xcd: {  	v1 =	vadd.f32 v61, v1  }
0xce: {  	v0 =	vadd.f32 v62, v0  }
0xcf: {  	v1 =	vadd.f32 v63, v1  }
0xd0: {  	[tilespmem:$0xC00] =	vst v0  }
0xd1: {  	[tilespmem:$0xC80] =	vst v1  }
0xd2: {  	[hbm4b:s6+s2] =	stream.linear.scatter [tilespmem:s30], [sflag:$0x2], $0x80, $0x38;
	[tilespmem:$0xD00] =	vst v63  }
0xd3: {  	_ =	swait.ge [sflag:s9], $0x80  }
0xd4: {  	p0 =	sne.s32 s8, $0x1;
	[sflag:s9] =	ssyncset.done $0x0  }
.Ltmp0:
0xd5: {  	[sflag:s9] =	ssyncadd.s32 $0xFFFFFF80;
	(pc) =	sbr.rel @p0 .LBB2_1-.Ltmp0, $4  }
0xd6: {  	[hbm4b:s7+s2] =	stream.linear.scatter [tilespmem:s31], [sflag:$0x2], $0x80, $0x38;
	[tilespmem:$0xD00] =	vst v63  }
0xd7: {  	_ =	swait.ge [sflag:s9], $0x80  }
0xd8: {  	[sflag:s9] =	ssyncset.done $0x0  }
0xd9: {  	s8 =	sadd.s32 $0xFFFFFFFF, s8;
	[sflag:s9] =	ssyncadd.s32 $0xFFFFFF80  }
0xda: {  	_ =	sfence.sel $0x180000  }
0xdb: {  	[bflag:$0x0] =	sbarrier.arrive $0xFFFF  }
0xdc: {  	_ =	strace $0x90000047  }
0xdd: {  	[bflag:$0x2] =	sbarrier.arrive $0xFFFF  }
0xde: {  	p0 =	sne.s32 s1, $0x0;
	s0 =	rddreg [dreg:$0x1]  }
0xdf: {  	s0 =	sadd.s32 @!p0 $0x100000, s0  }
0xe0: {  	[sflag:s0] =	ssyncadd.tile.s32 @!p0 $0x1;
	_ =	shalt  }
.Lfunc_end2:
_tile_overlayer_lowered:
.L_overlay_start_2:
0xe1: {  	(tag) =	ssettag $0x2  }
0xe2: {  	s0 =	rddreg [dreg:$0x0];
	s2 =	stileid.u32  }
0xe3: {  	s1 =	rddreg [dreg:$0x1];
	p0 =	sne.s32 s2, $0x0  }
0xe4: {  	s3 =	rddreg [dreg:$0x2];
	[bflag:$0x3] =	sbarrier.arrive $0xFFFF;
	s2 =	simm.s32 @!p0 $0x1C02  }
0xe5: {  	[timem:s3], [sflag:s2] =	dma.local @!p0 [hbm:s0], s1  }
0xe6: {  	s0 =	simm.s32 @!p0 $0x2  }
0xe7: {  	_ =	swait.ge @!p0 [sflag:s0], s1  }
0xe8: {  	s1 =	ssub.s32 @!p0 $0x0, s1;
	[sflag:s0] =	ssyncset.done @!p0 $0x0  }
0xe9: {  	[sflag:s0] =	ssyncadd.s32 @!p0 s1  }
0xea: {  	[bflag:$0x3] =	sbarrier.arrive $0xFFFF  }
0xeb: {  	_ =	shalt  }

</sc_bundles>
